<compile_context>
chip_gen: v7x
topology: tpu7x:2x2x1
jax: 0.10.2.dev20260603
libtpu: 0.0.44.dev20260713+nightly
codegen_flags: <defaults>
</compile_context>

<pallas_src>
import functools

import jax
import jax.numpy as jnp
from jax import lax
from jax.experimental import pallas as pl
from jax.experimental.pallas import tpu as pltpu
from jax.experimental.pallas import tpu_sc as plsc

N = 10000
E = 320000
D = 128
NW = 32
WPW = D // NW // 2
CHUNK = 6400
N_CHUNKS = E // CHUNK
GROUPS = CHUNK // 16
NB = 8
NPAR = 4

_MINF2 = 0xFF80FF80 - (1 << 32)



def _ab_body(feat_ref, wt_ref, wp_ref, bt_ref, bp_ref, a_ref, b_ref):
    x = feat_ref[...]
    wt = wt_ref[...]
    a_ref[...] = jnp.dot(x, wt, preferred_element_type=jnp.float32)
    b_ref[...] = (
        jnp.dot(x, wp_ref[...] - wt, preferred_element_type=jnp.float32)
        + bt_ref[...] + bp_ref[...]
    ).astype(jnp.bfloat16)


def _compute_ab(feat, wtT, wpT, bt, bp):
    grid = 10
    blk = N // grid
    return pl.pallas_call(
        _ab_body,
        grid=(grid,),
        in_specs=[
            pl.BlockSpec((blk, D), lambda i: (i, 0)),
            pl.BlockSpec((D, D), lambda i: (0, 0)),
            pl.BlockSpec((D, D), lambda i: (0, 0)),
            pl.BlockSpec((1, D), lambda i: (0, 0)),
            pl.BlockSpec((1, D), lambda i: (0, 0)),
        ],
        out_specs=[
            pl.BlockSpec((blk, D), lambda i: (i, 0)),
            pl.BlockSpec((blk, D), lambda i: (i, 0)),
        ],
        out_shape=[
            jax.ShapeDtypeStruct((N, D), jnp.float32),
            jax.ShapeDtypeStruct((N, D), jnp.bfloat16),
        ],
    )(feat, wtT, wpT, bt, bp)



def _sc_body(b_hbm, edge_hbm, m_hbm,
             bv0, bv1, ma0, ma1, mb0, mb1, mc0, mc1, md0, md1,
             ev0, ev1, sem0, sem1):
    cid = lax.axis_index("c")
    sid = lax.axis_index("s")
    wid = sid * 2 + cid
    bvs = [bv0, bv1]
    accs = [[ma0, ma1], [mb0, mb1], [mc0, mc1], [md0, md1]]
    evs = [ev0, ev1]
    sems = [sem0, sem1]

    def start_copy(k, buf):
        sl = pl.ds(k * CHUNK, CHUNK)
        pltpu.make_async_copy(edge_hbm.at[sl], evs[buf], sems[buf]).start()

    def wait_copy(k, buf):
        sl = pl.ds(k * CHUNK, CHUNK)
        pltpu.make_async_copy(edge_hbm.at[sl], evs[buf], sems[buf]).wait()

    for u in range(WPW):
        pltpu.sync_copy(b_hbm.at[wid, u], bvs[u])

    minf = jnp.full((16,), _MINF2, jnp.int32)

    def init(i, carry):
        for p in range(NPAR):
            for u in range(WPW):
                accs[p][u][pl.ds(i * 16, 16)] = minf
        return carry

    lax.fori_loop(0, N // 16, init, 0, unroll=4)

    def _bf(x_i32):
        return plsc.bitcast(x_i32, jnp.bfloat16)

    def _i32(x_bf):
        return plsc.bitcast(x_bf, jnp.int32)

    def process(ev):
        def block(t, c2):
            base = t * (16 * NB)
            e16s = [ev[pl.ds(base + 16 * i, 16)] for i in range(NB)]
            d16s = [lax.shift_right_logical(e16s[i], 16) for i in range(NB)]
            s16s = [jnp.bitwise_and(e16s[i], 0xFFFF) for i in range(NB)]
            valss = [
                [_bf(plsc.load_gather(bvs[u], [s16s[i]])) for u in range(WPW)]
                for i in range(NB)
            ]
            lasts = [plsc.scan_count(d16s[i])[1] for i in range(NB)]
            for i0 in range(0, NB, NPAR):
                pidx = list(range(i0, i0 + NPAR))
                curs = {
                    i: [
                        _bf(plsc.load_gather(accs[i % NPAR][u], [d16s[i]]))
                        for u in range(WPW)
                    ]
                    for i in pidx
                }
                for i in pidx:
                    for u in range(WPW):
                        plsc.store_scatter(
                            accs[i % NPAR][u], [d16s[i]],
                            _i32(jnp.maximum(curs[i][u], valss[i][u])),
                            mask=lasts[i],
                        )

            rems = [jnp.logical_not(lasts[i]) for i in range(NB)]
            any_rem = rems[0]
            for i in range(1, NB):
                any_rem = jnp.logical_or(any_rem, rems[i])

            @pl.when(jnp.any(any_rem))
            def _slow():
                for i in range(NB):
                    @pl.when(jnp.any(rems[i]))
                    def _g(i=i):
                        def round_(rem):
                            _, last2 = plsc.scan_count(d16s[i], mask=rem)
                            macc = accs[i % NPAR]
                            for u in range(WPW):
                                cur = _bf(
                                    plsc.load_gather(macc[u], [d16s[i]])
                                )
                                plsc.store_scatter(
                                    macc[u], [d16s[i]],
                                    _i32(jnp.maximum(cur, valss[i][u])),
                                    mask=last2,
                                )
                            return jnp.logical_and(
                                rem, jnp.logical_not(last2)
                            )

                        lax.while_loop(
                            lambda r: jnp.any(r), round_, rems[i]
                        )

            return c2

        lax.fori_loop(0, GROUPS // NB, block, 0)

    start_copy(0, 0)

    def pair(p, carry):
        start_copy(2 * p + 1, 1)
        wait_copy(2 * p, 0)
        process(evs[0])

        @pl.when(p < N_CHUNKS // 2 - 1)
        def _prefetch():
            start_copy(2 * p + 2, 0)

        wait_copy(2 * p + 1, 1)
        process(evs[1])
        return carry

    lax.fori_loop(0, N_CHUNKS // 2, pair, 0)

    def merge(i, carry):
        sl = pl.ds(i * 16, 16)
        for u in range(WPW):
            m01 = jnp.maximum(_bf(accs[0][u][sl]), _bf(accs[1][u][sl]))
            m23 = jnp.maximum(_bf(accs[2][u][sl]), _bf(accs[3][u][sl]))
            accs[0][u][sl] = _i32(jnp.maximum(m01, m23))
        return carry

    lax.fori_loop(0, N // 16, merge, 0, unroll=4)

    for u in range(WPW):
        pltpu.sync_copy(accs[0][u], m_hbm.at[wid, u])


def _sc_scatter_max(b_r, edges):
    mesh = plsc.VectorSubcoreMesh(core_axis_name="c", subcore_axis_name="s")
    f = functools.partial(
        pl.kernel,
        out_type=jax.ShapeDtypeStruct((NW, WPW, N), jnp.int32),
        mesh=mesh,
        scratch_types=(
            [pltpu.VMEM((N,), jnp.int32) for _ in range((1 + NPAR) * WPW)]
            + [pltpu.VMEM((CHUNK,), jnp.int32) for _ in range(2)]
            + [pltpu.SemaphoreType.DMA for _ in range(2)]
        ),
        compiler_params=pltpu.CompilerParams(needs_layout_passes=False),
    )(_sc_body)
    return f(b_r, edges)



def _combine_body(a_ref, m_ref, o_ref):
    m = m_ref[...].astype(jnp.float32)
    o_ref[...] = jnp.where(jnp.isfinite(m), a_ref[...] + m, 0.0)


def _combine(a, m):
    grid = 10
    blk = N // grid
    return pl.pallas_call(
        _combine_body,
        grid=(grid,),
        in_specs=[
            pl.BlockSpec((blk, D), lambda i: (i, 0)),
            pl.BlockSpec((blk, D), lambda i: (i, 0)),
        ],
        out_specs=pl.BlockSpec((blk, D), lambda i: (i, 0)),
        out_shape=jax.ShapeDtypeStruct((N, D), jnp.float32),
    )(a, m)


def kernel(feat, edge_index, W_theta, b_theta, W_phi, b_phi):
    src = edge_index[0].astype(jnp.int32)
    dst = edge_index[1].astype(jnp.int32)
    edges = jnp.bitwise_or(src, jnp.left_shift(dst, 16))
    a, b = _compute_ab(
        feat,
        W_theta.T,
        W_phi.T,
        b_theta.reshape(1, D),
        b_phi.reshape(1, D),
    )
    b_p = lax.bitcast_convert_type(b.reshape(N, D // 2, 2), jnp.int32)
    b_r = b_p.reshape(N, NW, WPW).transpose(1, 2, 0)
    m_r = _sc_scatter_max(b_r, edges)
    m_p = m_r.transpose(2, 0, 1).reshape(N, D // 2)
    m = lax.bitcast_convert_type(m_p, jnp.bfloat16).reshape(N, D)
    return _combine(a, m)

# --- scband reference (transcript-rebuilt; emitter-appended) ---
"""Pipeline reference for scband-my-edge-conv-32014686224670 (READ-ONLY COPY).

The authoritative reference and input builder live on the scoring server;
editing this copy changes nothing except your own understanding.
"""

import jax, jax.numpy as jnp
import numpy as np

N_NODES = 10000
N_EDGES = 320000
D_IN = 128
D_OUT = 128


def setup_inputs(seed: int = 0) -> dict:
    key = jax.random.key(seed)
    k1, k2, k3, k4, k5, k6 = jax.random.split(key, 6)
    feat = jax.random.normal(k1, (N_NODES, D_IN), dtype=jnp.float32)
    edge_index = jax.random.randint(k2, (2, N_EDGES), 0, N_NODES, dtype=jnp.int64)
    # nn.Linear params: weight [out, in], bias [out]
    W_theta = jax.random.normal(k3, (D_OUT, D_IN), dtype=jnp.float32) * 0.05
    b_theta = jax.random.normal(k4, (D_OUT,), dtype=jnp.float32) * 0.05
    W_phi = jax.random.normal(k5, (D_OUT, D_IN), dtype=jnp.float32) * 0.05
    b_phi = jax.random.normal(k6, (D_OUT,), dtype=jnp.float32) * 0.05
    return {"feat": feat, "edge_index": edge_index, "W_theta": W_theta,
            "b_theta": b_theta, "W_phi": W_phi, "b_phi": b_phi}


def reference(feat, edge_index, W_theta, b_theta, W_phi, b_phi):
    # EdgeConv message: e = theta(x_dst - x_src) + phi(x_src); reduce: max over incoming edges.
    src = edge_index[0]
    dst = edge_index[1]
    x_src = jnp.take(feat, src, axis=0)   # gather [E, D_IN]
    x_dst = jnp.take(feat, dst, axis=0)   # gather [E, D_IN]
    theta_x = (x_dst - x_src) @ W_theta.T + b_theta
    phi_x = x_src @ W_phi.T + b_phi
    e = theta_x + phi_x                   # [E, D_OUT]
    out = jax.ops.segment_max(e, dst, num_segments=N_NODES)  # scatter-max by dst
    # DGL zero-fills nodes with no incoming messages
    out = jnp.where(jnp.isfinite(out), out, 0.0)
    return out

if __name__ == "__main__":
    import jax
    _d = setup_inputs()
    print(jax.jit(kernel)(*tuple(_d.values())))

</pallas_src>

<mosaic_0001>
#map = affine_map<(d0, d1) -> (0, 0, 0)>
#map1 = affine_map<(d0, d1) -> (0)>
module attributes {stable_mosaic.version = 14 : i64} {
  func.func @_sc_body(%arg0: i32, %arg1: i32, %arg2: memref<32x2x10000xi32, #tpu.memory_space<hbm>>, %arg3: memref<320000xi32, #tpu.memory_space<hbm>>, %arg4: memref<32x2x10000xi32, #tpu.memory_space<hbm>>, %arg5: memref<10000xi32, #tpu.memory_space<vmem>>, %arg6: memref<10000xi32, #tpu.memory_space<vmem>>, %arg7: memref<10000xi32, #tpu.memory_space<vmem>>, %arg8: memref<10000xi32, #tpu.memory_space<vmem>>, %arg9: memref<10000xi32, #tpu.memory_space<vmem>>, %arg10: memref<10000xi32, #tpu.memory_space<vmem>>, %arg11: memref<10000xi32, #tpu.memory_space<vmem>>, %arg12: memref<10000xi32, #tpu.memory_space<vmem>>, %arg13: memref<10000xi32, #tpu.memory_space<vmem>>, %arg14: memref<10000xi32, #tpu.memory_space<vmem>>, %arg15: memref<6400xi32, #tpu.memory_space<vmem>>, %arg16: memref<6400xi32, #tpu.memory_space<vmem>>, %arg17: memref<!tpu.dma_semaphore, #tpu.memory_space<semaphore_mem>>, %arg18: memref<!tpu.dma_semaphore, #tpu.memory_space<semaphore_mem>>) attributes {dimension_semantics = [#tpu.dimension_semantics<core_parallel>, #tpu.dimension_semantics<subcore_parallel>], iteration_bounds = array<i64: 2, 16>, scalar_prefetch = 0 : i64, scratch_operands = 14 : i64, tpu.core_type = #tpu.core_type<sc_vector_subcore>, window_params = [{transform_indices = #map}, {transform_indices = #map1}, {transform_indices = #map}]} {
    %mul3A = arith.constant 2 : i32
    %mul3A_0 = arith.muli %arg1, %mul3A : i32
    %add3A = arith.addi %mul3A_0, %arg0 : i32
    %run_scoped3A = arith.constant 0 : i32
    "tpu.region"() ({
      %run_scoped3A_95 = tpu.sem_alloc : memref<!tpu.dma_semaphore, #tpu.memory_space<semaphore_mem>>
      %dma_start3A_96 = arith.constant 0 : i32
      %dma_start3A_97 = tpu.memref_slice %arg2[%add3A, %run_scoped3A, %dma_start3A_96] : memref<32x2x10000xi32, #tpu.memory_space<hbm>> -> memref<1x1x10000xi32, #tpu.memory_space<hbm>>
      %dma_start3A_98 = tpu.memref_squeeze %dma_start3A_97 : memref<1x1x10000xi32, #tpu.memory_space<hbm>> -> memref<10000xi32, #tpu.memory_space<hbm>>
      %dma_start3A_99 = arith.constant 0 : i32
      %dma_start3A_100 = tpu.memref_slice %arg2[%add3A, %run_scoped3A, %dma_start3A_99] : memref<32x2x10000xi32, #tpu.memory_space<hbm>> -> memref<1x1x10000xi32, #tpu.memory_space<hbm>>
      %dma_start3A_101 = tpu.memref_squeeze %dma_start3A_100 : memref<1x1x10000xi32, #tpu.memory_space<hbm>> -> memref<10000xi32, #tpu.memory_space<hbm>>
      tpu.enqueue_dma source(%dma_start3A_101 : memref<10000xi32, #tpu.memory_space<hbm>>) target(%arg5 : memref<10000xi32, #tpu.memory_space<vmem>>) target_semaphore(%run_scoped3A_95 : memref<!tpu.dma_semaphore, #tpu.memory_space<semaphore_mem>>)
      %dma_wait3A = arith.constant 0 : i32
      %dma_wait3A_102 = tpu.memref_slice %arg2[%add3A, %run_scoped3A, %dma_wait3A] : memref<32x2x10000xi32, #tpu.memory_space<hbm>> -> memref<1x1x10000xi32, #tpu.memory_space<hbm>>
      %dma_wait3A_103 = tpu.memref_squeeze %dma_wait3A_102 : memref<1x1x10000xi32, #tpu.memory_space<hbm>> -> memref<10000xi32, #tpu.memory_space<hbm>>
      %dma_wait3A_104 = arith.constant 0 : i32
      %dma_wait3A_105 = tpu.memref_slice %arg2[%add3A, %run_scoped3A, %dma_wait3A_104] : memref<32x2x10000xi32, #tpu.memory_space<hbm>> -> memref<1x1x10000xi32, #tpu.memory_space<hbm>>
      %dma_wait3A_106 = tpu.memref_squeeze %dma_wait3A_105 : memref<1x1x10000xi32, #tpu.memory_space<hbm>> -> memref<10000xi32, #tpu.memory_space<hbm>>
      tpu.wait_dma2 semaphore(%run_scoped3A_95 : memref<!tpu.dma_semaphore, #tpu.memory_space<semaphore_mem>>) src(%dma_wait3A_106 : memref<10000xi32, #tpu.memory_space<hbm>>) dst(%arg5 : memref<10000xi32, #tpu.memory_space<vmem>>)
      tpu.yield
    }) : () -> ()
    %run_scoped3A_1 = arith.constant 1 : i32
    "tpu.region"() ({
      %run_scoped3A_95 = tpu.sem_alloc : memref<!tpu.dma_semaphore, #tpu.memory_space<semaphore_mem>>
      %dma_start3A_96 = arith.constant 0 : i32
      %dma_start3A_97 = tpu.memref_slice %arg2[%add3A, %run_scoped3A_1, %dma_start3A_96] : memref<32x2x10000xi32, #tpu.memory_space<hbm>> -> memref<1x1x10000xi32, #tpu.memory_space<hbm>>
      %dma_start3A_98 = tpu.memref_squeeze %dma_start3A_97 : memref<1x1x10000xi32, #tpu.memory_space<hbm>> -> memref<10000xi32, #tpu.memory_space<hbm>>
      %dma_start3A_99 = arith.constant 0 : i32
      %dma_start3A_100 = tpu.memref_slice %arg2[%add3A, %run_scoped3A_1, %dma_start3A_99] : memref<32x2x10000xi32, #tpu.memory_space<hbm>> -> memref<1x1x10000xi32, #tpu.memory_space<hbm>>
      %dma_start3A_101 = tpu.memref_squeeze %dma_start3A_100 : memref<1x1x10000xi32, #tpu.memory_space<hbm>> -> memref<10000xi32, #tpu.memory_space<hbm>>
      tpu.enqueue_dma source(%dma_start3A_101 : memref<10000xi32, #tpu.memory_space<hbm>>) target(%arg6 : memref<10000xi32, #tpu.memory_space<vmem>>) target_semaphore(%run_scoped3A_95 : memref<!tpu.dma_semaphore, #tpu.memory_space<semaphore_mem>>)
      %dma_wait3A = arith.constant 0 : i32
      %dma_wait3A_102 = tpu.memref_slice %arg2[%add3A, %run_scoped3A_1, %dma_wait3A] : memref<32x2x10000xi32, #tpu.memory_space<hbm>> -> memref<1x1x10000xi32, #tpu.memory_space<hbm>>
      %dma_wait3A_103 = tpu.memref_squeeze %dma_wait3A_102 : memref<1x1x10000xi32, #tpu.memory_space<hbm>> -> memref<10000xi32, #tpu.memory_space<hbm>>
      %dma_wait3A_104 = arith.constant 0 : i32
      %dma_wait3A_105 = tpu.memref_slice %arg2[%add3A, %run_scoped3A_1, %dma_wait3A_104] : memref<32x2x10000xi32, #tpu.memory_space<hbm>> -> memref<1x1x10000xi32, #tpu.memory_space<hbm>>
      %dma_wait3A_106 = tpu.memref_squeeze %dma_wait3A_105 : memref<1x1x10000xi32, #tpu.memory_space<hbm>> -> memref<10000xi32, #tpu.memory_space<hbm>>
      tpu.wait_dma2 semaphore(%run_scoped3A_95 : memref<!tpu.dma_semaphore, #tpu.memory_space<semaphore_mem>>) src(%dma_wait3A_106 : memref<10000xi32, #tpu.memory_space<hbm>>) dst(%arg6 : memref<10000xi32, #tpu.memory_space<vmem>>)
      tpu.yield
    }) : () -> ()
    %broadcast_in_dim3A = arith.constant -8323200 : i32
    %broadcast_in_dim3A_2 = vector.broadcast %broadcast_in_dim3A : i32 to vector<16xi32>
    %scan3A = arith.constant 0 : i32
    %scan3A_3 = arith.constant 0 : i32
    %scan3A_4 = arith.constant 624 : i32
    %scan3A_5 = arith.addi %scan3A_3, %scan3A_4 : i32
    %scan3A_6 = arith.constant 4 : i32
    scf.for %scan3A_95 = %scan3A_3 to %scan3A_5 step %scan3A_6  : i32 {
      %mul3A_96 = arith.constant 16 : i32
      %mul3A_97 = arith.muli %scan3A_95, %mul3A_96 : i32
      %swap3A_98 = arith.index_cast %mul3A_97 : i32 to index
      %swap3A_99 = tpu.vector_load %arg7[%swap3A_98] {strides = array<i32>} : memref<10000xi32, #tpu.memory_space<vmem>>, vector<16xi32>,
      tpu.vector_store %arg7[%swap3A_98], %broadcast_in_dim3A_2 {strides = array<i32>} : memref<10000xi32, #tpu.memory_space<vmem>>, vector<16xi32>,
      %mul3A_100 = arith.constant 16 : i32
      %mul3A_101 = arith.muli %scan3A_95, %mul3A_100 : i32
      %swap3A_102 = arith.index_cast %mul3A_101 : i32 to index
      %swap3A_103 = tpu.vector_load %arg8[%swap3A_102] {strides = array<i32>} : memref<10000xi32, #tpu.memory_space<vmem>>, vector<16xi32>,
      tpu.vector_store %arg8[%swap3A_102], %broadcast_in_dim3A_2 {strides = array<i32>} : memref<10000xi32, #tpu.memory_space<vmem>>, vector<16xi32>,
      %mul3A_104 = arith.constant 16 : i32
      %mul3A_105 = arith.muli %scan3A_95, %mul3A_104 : i32
      %swap3A_106 = arith.index_cast %mul3A_105 : i32 to index
      %swap3A_107 = tpu.vector_load %arg9[%swap3A_106] {strides = array<i32>} : memref<10000xi32, #tpu.memory_space<vmem>>, vector<16xi32>,
      tpu.vector_store %arg9[%swap3A_106], %broadcast_in_dim3A_2 {strides = array<i32>} : memref<10000xi32, #tpu.memory_space<vmem>>, vector<16xi32>,
      %mul3A_108 = arith.constant 16 : i32
      %mul3A_109 = arith.muli %scan3A_95, %mul3A_108 : i32
      %swap3A_110 = arith.index_cast %mul3A_109 : i32 to index
      %swap3A_111 = tpu.vector_load %arg10[%swap3A_110] {strides = array<i32>} : memref<10000xi32, #tpu.memory_space<vmem>>, vector<16xi32>,
      tpu.vector_store %arg10[%swap3A_110], %broadcast_in_dim3A_2 {strides = array<i32>} : memref<10000xi32, #tpu.memory_space<vmem>>, vector<16xi32>,
      %mul3A_112 = arith.constant 16 : i32
      %mul3A_113 = arith.muli %scan3A_95, %mul3A_112 : i32
      %swap3A_114 = arith.index_cast %mul3A_113 : i32 to index
      %swap3A_115 = tpu.vector_load %arg11[%swap3A_114] {strides = array<i32>} : memref<10000xi32, #tpu.memory_space<vmem>>, vector<16xi32>,
      tpu.vector_store %arg11[%swap3A_114], %broadcast_in_dim3A_2 {strides = array<i32>} : memref<10000xi32, #tpu.memory_space<vmem>>, vector<16xi32>,
      %mul3A_116 = arith.constant 16 : i32
      %mul3A_117 = arith.muli %scan3A_95, %mul3A_116 : i32
      %swap3A_118 = arith.index_cast %mul3A_117 : i32 to index
      %swap3A_119 = tpu.vector_load %arg12[%swap3A_118] {strides = array<i32>} : memref<10000xi32, #tpu.memory_space<vmem>>, vector<16xi32>,
      tpu.vector_store %arg12[%swap3A_118], %broadcast_in_dim3A_2 {strides = array<i32>} : memref<10000xi32, #tpu.memory_space<vmem>>, vector<16xi32>,
      %mul3A_120 = arith.constant 16 : i32
      %mul3A_121 = arith.muli %scan3A_95, %mul3A_120 : i32
      %swap3A_122 = arith.index_cast %mul3A_121 : i32 to index
      %swap3A_123 = tpu.vector_load %arg13[%swap3A_122] {strides = array<i32>} : memref<10000xi32, #tpu.memory_space<vmem>>, vector<16xi32>,
      tpu.vector_store %arg13[%swap3A_122], %broadcast_in_dim3A_2 {strides = array<i32>} : memref<10000xi32, #tpu.memory_space<vmem>>, vector<16xi32>,
      %mul3A_124 = arith.constant 16 : i32
      %mul3A_125 = arith.muli %scan3A_95, %mul3A_124 : i32
      %swap3A_126 = arith.index_cast %mul3A_125 : i32 to index
      %swap3A_127 = tpu.vector_load %arg14[%swap3A_126] {strides = array<i32>} : memref<10000xi32, #tpu.memory_space<vmem>>, vector<16xi32>,
      tpu.vector_store %arg14[%swap3A_126], %broadcast_in_dim3A_2 {strides = array<i32>} : memref<10000xi32, #tpu.memory_space<vmem>>, vector<16xi32>,
      %scan3A_128 = arith.constant 1 : i32
      %scan3A_129 = arith.addi %scan3A_95, %scan3A_128 : i32
      %mul3A_130 = arith.constant 16 : i32
      %mul3A_131 = arith.muli %scan3A_129, %mul3A_130 : i32
      %swap3A_132 = arith.index_cast %mul3A_131 : i32 to index
      %swap3A_133 = tpu.vector_load %arg7[%swap3A_132] {strides = array<i32>} : memref<10000xi32, #tpu.memory_space<vmem>>, vector<16xi32>,
      tpu.vector_store %arg7[%swap3A_132], %broadcast_in_dim3A_2 {strides = array<i32>} : memref<10000xi32, #tpu.memory_space<vmem>>, vector<16xi32>,
      %mul3A_134 = arith.constant 16 : i32
      %mul3A_135 = arith.muli %scan3A_129, %mul3A_134 : i32
      %swap3A_136 = arith.index_cast %mul3A_135 : i32 to index
      %swap3A_137 = tpu.vector_load %arg8[%swap3A_136] {strides = array<i32>} : memref<10000xi32, #tpu.memory_space<vmem>>, vector<16xi32>,
      tpu.vector_store %arg8[%swap3A_136], %broadcast_in_dim3A_2 {strides = array<i32>} : memref<10000xi32, #tpu.memory_space<vmem>>, vector<16xi32>,
      %mul3A_138 = arith.constant 16 : i32
      %mul3A_139 = arith.muli %scan3A_129, %mul3A_138 : i32
      %swap3A_140 = arith.index_cast %mul3A_139 : i32 to index
      %swap3A_141 = tpu.vector_load %arg9[%swap3A_140] {strides = array<i32>} : memref<10000xi32, #tpu.memory_space<vmem>>, vector<16xi32>,
      tpu.vector_store %arg9[%swap3A_140], %broadcast_in_dim3A_2 {strides = array<i32>} : memref<10000xi32, #tpu.memory_space<vmem>>, vector<16xi32>,
      %mul3A_142 = arith.constant 16 : i32
      %mul3A_143 = arith.muli %scan3A_129, %mul3A_142 : i32
      %swap3A_144 = arith.index_cast %mul3A_143 : i32 to index
      %swap3A_145 = tpu.vector_load %arg10[%swap3A_144] {strides = array<i32>} : memref<10000xi32, #tpu.memory_space<vmem>>, vector<16xi32>,
      tpu.vector_store %arg10[%swap3A_144], %broadcast_in_dim3A_2 {strides = array<i32>} : memref<10000xi32, #tpu.memory_space<vmem>>, vector<16xi32>,
      %mul3A_146 = arith.constant 16 : i32
      %mul3A_147 = arith.muli %scan3A_129, %mul3A_146 : i32
      %swap3A_148 = arith.index_cast %mul3A_147 : i32 to index
      %swap3A_149 = tpu.vector_load %arg11[%swap3A_148] {strides = array<i32>} : memref<10000xi32, #tpu.memory_space<vmem>>, vector<16xi32>,
      tpu.vector_store %arg11[%swap3A_148], %broadcast_in_dim3A_2 {strides = array<i32>} : memref<10000xi32, #tpu.memory_space<vmem>>, vector<16xi32>,
      %mul3A_150 = arith.constant 16 : i32
      %mul3A_151 = arith.muli %scan3A_129, %mul3A_150 : i32
      %swap3A_152 = arith.index_cast %mul3A_151 : i32 to index
      %swap3A_153 = tpu.vector_load %arg12[%swap3A_152] {strides = array<i32>} : memref<10000xi32, #tpu.memory_space<vmem>>, vector<16xi32>,
      tpu.vector_store %arg12[%swap3A_152], %broadcast_in_dim3A_2 {strides = array<i32>} : memref<10000xi32, #tpu.memory_space<vmem>>, vector<16xi32>,
      %mul3A_154 = arith.constant 16 : i32
      %mul3A_155 = arith.muli %scan3A_129, %mul3A_154 : i32
      %swap3A_156 = arith.index_cast %mul3A_155 : i32 to index
      %swap3A_157 = tpu.vector_load %arg13[%swap3A_156] {strides = array<i32>} : memref<10000xi32, #tpu.memory_space<vmem>>, vector<16xi32>,
      tpu.vector_store %arg13[%swap3A_156], %broadcast_in_dim3A_2 {strides = array<i32>} : memref<10000xi32, #tpu.memory_space<vmem>>, vector<16xi32>,
      %mul3A_158 = arith.constant 16 : i32
      %mul3A_159 = arith.muli %scan3A_129, %mul3A_158 : i32
      %swap3A_160 = arith.index_cast %mul3A_159 : i32 to index
      %swap3A_161 = tpu.vector_load %arg14[%swap3A_160] {strides = array<i32>} : memref<10000xi32, #tpu.memory_space<vmem>>, vector<16xi32>,
      tpu.vector_store %arg14[%swap3A_160], %broadcast_in_dim3A_2 {strides = array<i32>} : memref<10000xi32, #tpu.memory_space<vmem>>, vector<16xi32>,
      %scan3A_162 = arith.constant 2 : i32
      %scan3A_163 = arith.addi %scan3A_95, %scan3A_162 : i32
      %mul3A_164 = arith.constant 16 : i32
      %mul3A_165 = arith.muli %scan3A_163, %mul3A_164 : i32
      %swap3A_166 = arith.index_cast %mul3A_165 : i32 to index
      %swap3A_167 = tpu.vector_load %arg7[%swap3A_166] {strides = array<i32>} : memref<10000xi32, #tpu.memory_space<vmem>>, vector<16xi32>,
      tpu.vector_store %arg7[%swap3A_166], %broadcast_in_dim3A_2 {strides = array<i32>} : memref<10000xi32, #tpu.memory_space<vmem>>, vector<16xi32>,
      %mul3A_168 = arith.constant 16 : i32
      %mul3A_169 = arith.muli %scan3A_163, %mul3A_168 : i32
      %swap3A_170 = arith.index_cast %mul3A_169 : i32 to index
      %swap3A_171 = tpu.vector_load %arg8[%swap3A_170] {strides = array<i32>} : memref<10000xi32, #tpu.memory_space<vmem>>, vector<16xi32>,
      tpu.vector_store %arg8[%swap3A_170], %broadcast_in_dim3A_2 {strides = array<i32>} : memref<10000xi32, #tpu.memory_space<vmem>>, vector<16xi32>,
      %mul3A_172 = arith.constant 16 : i32
      %mul3A_173 = arith.muli %scan3A_163, %mul3A_172 : i32
      %swap3A_174 = arith.index_cast %mul3A_173 : i32 to index
      %swap3A_175 = tpu.vector_load %arg9[%swap3A_174] {strides = array<i32>} : memref<10000xi32, #tpu.memory_space<vmem>>, vector<16xi32>,
      tpu.vector_store %arg9[%swap3A_174], %broadcast_in_dim3A_2 {strides = array<i32>} : memref<10000xi32, #tpu.memory_space<vmem>>, vector<16xi32>,
      %mul3A_176 = arith.constant 16 : i32
      %mul3A_177 = arith.muli %scan3A_163, %mul3A_176 : i32
      %swap3A_178 = arith.index_cast %mul3A_177 : i32 to index
      %swap3A_179 = tpu.vector_load %arg10[%swap3A_178] {strides = array<i32>} : memref<10000xi32, #tpu.memory_space<vmem>>, vector<16xi32>,
      tpu.vector_store %arg10[%swap3A_178], %broadcast_in_dim3A_2 {strides = array<i32>} : memref<10000xi32, #tpu.memory_space<vmem>>, vector<16xi32>,
      %mul3A_180 = arith.constant 16 : i32
      %mul3A_181 = arith.muli %scan3A_163, %mul3A_180 : i32
      %swap3A_182 = arith.index_cast %mul3A_181 : i32 to index
      %swap3A_183 = tpu.vector_load %arg11[%swap3A_182] {strides = array<i32>} : memref<10000xi32, #tpu.memory_space<vmem>>, vector<16xi32>,
      tpu.vector_store %arg11[%swap3A_182], %broadcast_in_dim3A_2 {strides = array<i32>} : memref<10000xi32, #tpu.memory_space<vmem>>, vector<16xi32>,
      %mul3A_184 = arith.constant 16 : i32
      %mul3A_185 = arith.muli %scan3A_163, %mul3A_184 : i32
      %swap3A_186 = arith.index_cast %mul3A_185 : i32 to index
      %swap3A_187 = tpu.vector_load %arg12[%swap3A_186] {strides = array<i32>} : memref<10000xi32, #tpu.memory_space<vmem>>, vector<16xi32>,
      tpu.vector_store %arg12[%swap3A_186], %broadcast_in_dim3A_2 {strides = array<i32>} : memref<10000xi32, #tpu.memory_space<vmem>>, vector<16xi32>,
      %mul3A_188 = arith.constant 16 : i32
      %mul3A_189 = arith.muli %scan3A_163, %mul3A_188 : i32
      %swap3A_190 = arith.index_cast %mul3A_189 : i32 to index
      %swap3A_191 = tpu.vector_load %arg13[%swap3A_190] {strides = array<i32>} : memref<10000xi32, #tpu.memory_space<vmem>>, vector<16xi32>,
      tpu.vector_store %arg13[%swap3A_190], %broadcast_in_dim3A_2 {strides = array<i32>} : memref<10000xi32, #tpu.memory_space<vmem>>, vector<16xi32>,
      %mul3A_192 = arith.constant 16 : i32
      %mul3A_193 = arith.muli %scan3A_163, %mul3A_192 : i32
      %swap3A_194 = arith.index_cast %mul3A_193 : i32 to index
      %swap3A_195 = tpu.vector_load %arg14[%swap3A_194] {strides = array<i32>} : memref<10000xi32, #tpu.memory_space<vmem>>, vector<16xi32>,
      tpu.vector_store %arg14[%swap3A_194], %broadcast_in_dim3A_2 {strides = array<i32>} : memref<10000xi32, #tpu.memory_space<vmem>>, vector<16xi32>,
      %scan3A_196 = arith.constant 3 : i32
      %scan3A_197 = arith.addi %scan3A_95, %scan3A_196 : i32
      %mul3A_198 = arith.constant 16 : i32
      %mul3A_199 = arith.muli %scan3A_197, %mul3A_198 : i32
      %swap3A_200 = arith.index_cast %mul3A_199 : i32 to index
      %swap3A_201 = tpu.vector_load %arg7[%swap3A_200] {strides = array<i32>} : memref<10000xi32, #tpu.memory_space<vmem>>, vector<16xi32>,
      tpu.vector_store %arg7[%swap3A_200], %broadcast_in_dim3A_2 {strides = array<i32>} : memref<10000xi32, #tpu.memory_space<vmem>>, vector<16xi32>,
      %mul3A_202 = arith.constant 16 : i32
      %mul3A_203 = arith.muli %scan3A_197, %mul3A_202 : i32
      %swap3A_204 = arith.index_cast %mul3A_203 : i32 to index
      %swap3A_205 = tpu.vector_load %arg8[%swap3A_204] {strides = array<i32>} : memref<10000xi32, #tpu.memory_space<vmem>>, vector<16xi32>,
      tpu.vector_store %arg8[%swap3A_204], %broadcast_in_dim3A_2 {strides = array<i32>} : memref<10000xi32, #tpu.memory_space<vmem>>, vector<16xi32>,
      %mul3A_206 = arith.constant 16 : i32
      %mul3A_207 = arith.muli %scan3A_197, %mul3A_206 : i32
      %swap3A_208 = arith.index_cast %mul3A_207 : i32 to index
      %swap3A_209 = tpu.vector_load %arg9[%swap3A_208] {strides = array<i32>} : memref<10000xi32, #tpu.memory_space<vmem>>, vector<16xi32>,
      tpu.vector_store %arg9[%swap3A_208], %broadcast_in_dim3A_2 {strides = array<i32>} : memref<10000xi32, #tpu.memory_space<vmem>>, vector<16xi32>,
      %mul3A_210 = arith.constant 16 : i32
      %mul3A_211 = arith.muli %scan3A_197, %mul3A_210 : i32
      %swap3A_212 = arith.index_cast %mul3A_211 : i32 to index
      %swap3A_213 = tpu.vector_load %arg10[%swap3A_212] {strides = array<i32>} : memref<10000xi32, #tpu.memory_space<vmem>>, vector<16xi32>,
      tpu.vector_store %arg10[%swap3A_212], %broadcast_in_dim3A_2 {strides = array<i32>} : memref<10000xi32, #tpu.memory_space<vmem>>, vector<16xi32>,
      %mul3A_214 = arith.constant 16 : i32
      %mul3A_215 = arith.muli %scan3A_197, %mul3A_214 : i32
      %swap3A_216 = arith.index_cast %mul3A_215 : i32 to index
      %swap3A_217 = tpu.vector_load %arg11[%swap3A_216] {strides = array<i32>} : memref<10000xi32, #tpu.memory_space<vmem>>, vector<16xi32>,
      tpu.vector_store %arg11[%swap3A_216], %broadcast_in_dim3A_2 {strides = array<i32>} : memref<10000xi32, #tpu.memory_space<vmem>>, vector<16xi32>,
      %mul3A_218 = arith.constant 16 : i32
      %mul3A_219 = arith.muli %scan3A_197, %mul3A_218 : i32
      %swap3A_220 = arith.index_cast %mul3A_219 : i32 to index
      %swap3A_221 = tpu.vector_load %arg12[%swap3A_220] {strides = array<i32>} : memref<10000xi32, #tpu.memory_space<vmem>>, vector<16xi32>,
      tpu.vector_store %arg12[%swap3A_220], %broadcast_in_dim3A_2 {strides = array<i32>} : memref<10000xi32, #tpu.memory_space<vmem>>, vector<16xi32>,
      %mul3A_222 = arith.constant 16 : i32
      %mul3A_223 = arith.muli %scan3A_197, %mul3A_222 : i32
      %swap3A_224 = arith.index_cast %mul3A_223 : i32 to index
      %swap3A_225 = tpu.vector_load %arg13[%swap3A_224] {strides = array<i32>} : memref<10000xi32, #tpu.memory_space<vmem>>, vector<16xi32>,
      tpu.vector_store %arg13[%swap3A_224], %broadcast_in_dim3A_2 {strides = array<i32>} : memref<10000xi32, #tpu.memory_space<vmem>>, vector<16xi32>,
      %mul3A_226 = arith.constant 16 : i32
      %mul3A_227 = arith.muli %scan3A_197, %mul3A_226 : i32
      %swap3A_228 = arith.index_cast %mul3A_227 : i32 to index
      %swap3A_229 = tpu.vector_load %arg14[%swap3A_228] {strides = array<i32>} : memref<10000xi32, #tpu.memory_space<vmem>>, vector<16xi32>,
      tpu.vector_store %arg14[%swap3A_228], %broadcast_in_dim3A_2 {strides = array<i32>} : memref<10000xi32, #tpu.memory_space<vmem>>, vector<16xi32>,
    }
    %scan3A_7 = arith.constant 624 : i32
    %scan3A_8 = arith.addi %scan3A_3, %scan3A_7 : i32
    %mul3A_9 = arith.constant 16 : i32
    %mul3A_10 = arith.muli %scan3A_8, %mul3A_9 : i32
    %swap3A = arith.index_cast %mul3A_10 : i32 to index
    %swap3A_11 = tpu.vector_load %arg7[%swap3A] {strides = array<i32>} : memref<10000xi32, #tpu.memory_space<vmem>>, vector<16xi32>,
    tpu.vector_store %arg7[%swap3A], %broadcast_in_dim3A_2 {strides = array<i32>} : memref<10000xi32, #tpu.memory_space<vmem>>, vector<16xi32>,
    %mul3A_12 = arith.constant 16 : i32
    %mul3A_13 = arith.muli %scan3A_8, %mul3A_12 : i32
    %swap3A_14 = arith.index_cast %mul3A_13 : i32 to index
    %swap3A_15 = tpu.vector_load %arg8[%swap3A_14] {strides = array<i32>} : memref<10000xi32, #tpu.memory_space<vmem>>, vector<16xi32>,
    tpu.vector_store %arg8[%swap3A_14], %broadcast_in_dim3A_2 {strides = array<i32>} : memref<10000xi32, #tpu.memory_space<vmem>>, vector<16xi32>,
    %mul3A_16 = arith.constant 16 : i32
    %mul3A_17 = arith.muli %scan3A_8, %mul3A_16 : i32
    %swap3A_18 = arith.index_cast %mul3A_17 : i32 to index
    %swap3A_19 = tpu.vector_load %arg9[%swap3A_18] {strides = array<i32>} : memref<10000xi32, #tpu.memory_space<vmem>>, vector<16xi32>,
    tpu.vector_store %arg9[%swap3A_18], %broadcast_in_dim3A_2 {strides = array<i32>} : memref<10000xi32, #tpu.memory_space<vmem>>, vector<16xi32>,
    %mul3A_20 = arith.constant 16 : i32
    %mul3A_21 = arith.muli %scan3A_8, %mul3A_20 : i32
    %swap3A_22 = arith.index_cast %mul3A_21 : i32 to index
    %swap3A_23 = tpu.vector_load %arg10[%swap3A_22] {strides = array<i32>} : memref<10000xi32, #tpu.memory_space<vmem>>, vector<16xi32>,
    tpu.vector_store %arg10[%swap3A_22], %broadcast_in_dim3A_2 {strides = array<i32>} : memref<10000xi32, #tpu.memory_space<vmem>>, vector<16xi32>,
    %mul3A_24 = arith.constant 16 : i32
    %mul3A_25 = arith.muli %scan3A_8, %mul3A_24 : i32
    %swap3A_26 = arith.index_cast %mul3A_25 : i32 to index
    %swap3A_27 = tpu.vector_load %arg11[%swap3A_26] {strides = array<i32>} : memref<10000xi32, #tpu.memory_space<vmem>>, vector<16xi32>,
    tpu.vector_store %arg11[%swap3A_26], %broadcast_in_dim3A_2 {strides = array<i32>} : memref<10000xi32, #tpu.memory_space<vmem>>, vector<16xi32>,
    %mul3A_28 = arith.constant 16 : i32
    %mul3A_29 = arith.muli %scan3A_8, %mul3A_28 : i32
    %swap3A_30 = arith.index_cast %mul3A_29 : i32 to index
    %swap3A_31 = tpu.vector_load %arg12[%swap3A_30] {strides = array<i32>} : memref<10000xi32, #tpu.memory_space<vmem>>, vector<16xi32>,
    tpu.vector_store %arg12[%swap3A_30], %broadcast_in_dim3A_2 {strides = array<i32>} : memref<10000xi32, #tpu.memory_space<vmem>>, vector<16xi32>,
    %mul3A_32 = arith.constant 16 : i32
    %mul3A_33 = arith.muli %scan3A_8, %mul3A_32 : i32
    %swap3A_34 = arith.index_cast %mul3A_33 : i32 to index
    %swap3A_35 = tpu.vector_load %arg13[%swap3A_34] {strides = array<i32>} : memref<10000xi32, #tpu.memory_space<vmem>>, vector<16xi32>,
    tpu.vector_store %arg13[%swap3A_34], %broadcast_in_dim3A_2 {strides = array<i32>} : memref<10000xi32, #tpu.memory_space<vmem>>, vector<16xi32>,
    %mul3A_36 = arith.constant 16 : i32
    %mul3A_37 = arith.muli %scan3A_8, %mul3A_36 : i32
    %swap3A_38 = arith.index_cast %mul3A_37 : i32 to index
    %swap3A_39 = tpu.vector_load %arg14[%swap3A_38] {strides = array<i32>} : memref<10000xi32, #tpu.memory_space<vmem>>, vector<16xi32>,
    tpu.vector_store %arg14[%swap3A_38], %broadcast_in_dim3A_2 {strides = array<i32>} : memref<10000xi32, #tpu.memory_space<vmem>>, vector<16xi32>,
    %scan3A_40 = arith.constant 625 : i32
    %dma_start3A = arith.constant 0 : i32
    %dma_start3A_41 = tpu.memref_slice %arg3[%dma_start3A] : memref<320000xi32, #tpu.memory_space<hbm>> -> memref<6400xi32, #tpu.memory_space<hbm>>
    %dma_start3A_42 = arith.constant 0 : i32
    %dma_start3A_43 = tpu.memref_slice %arg3[%dma_start3A_42] : memref<320000xi32, #tpu.memory_space<hbm>> -> memref<6400xi32, #tpu.memory_space<hbm>>
    tpu.enqueue_dma source(%dma_start3A_43 : memref<6400xi32, #tpu.memory_space<hbm>>) target(%arg15 : memref<6400xi32, #tpu.memory_space<vmem>>) target_semaphore(%arg17 : memref<!tpu.dma_semaphore, #tpu.memory_space<semaphore_mem>>)
    %scan3A_44 = arith.constant 0 : i32
    %scan3A_45 = arith.constant 0 : i32
    %scan3A_46 = arith.constant 25 : i32
    %scan3A_47 = arith.addi %scan3A_45, %scan3A_46 : i32
    %scan3A_48 = arith.constant 1 : i32
    scf.for %scan3A_95 = %scan3A_45 to %scan3A_47 step %scan3A_48  : i32 {
      %mul3A_96 = arith.constant 2 : i32
      %mul3A_97 = arith.muli %mul3A_96, %scan3A_95 : i32
      %add3A_98 = arith.constant 1 : i32
      %add3A_99 = arith.addi %mul3A_97, %add3A_98 : i32
      %mul3A_100 = arith.constant 6400 : i32
      %mul3A_101 = arith.muli %add3A_99, %mul3A_100 : i32
      %dma_start3A_102 = tpu.memref_slice %arg3[%mul3A_101] : memref<320000xi32, #tpu.memory_space<hbm>> -> memref<6400xi32, #tpu.memory_space<hbm>>
      %dma_start3A_103 = tpu.memref_slice %arg3[%mul3A_101] : memref<320000xi32, #tpu.memory_space<hbm>> -> memref<6400xi32, #tpu.memory_space<hbm>>
      tpu.enqueue_dma source(%dma_start3A_103 : memref<6400xi32, #tpu.memory_space<hbm>>) target(%arg16 : memref<6400xi32, #tpu.memory_space<vmem>>) target_semaphore(%arg18 : memref<!tpu.dma_semaphore, #tpu.memory_space<semaphore_mem>>)
      %mul3A_104 = arith.constant 2 : i32
      %mul3A_105 = arith.muli %mul3A_104, %scan3A_95 : i32
      %mul3A_106 = arith.constant 6400 : i32
      %mul3A_107 = arith.muli %mul3A_105, %mul3A_106 : i32
      %dma_wait3A = tpu.memref_slice %arg3[%mul3A_107] : memref<320000xi32, #tpu.memory_space<hbm>> -> memref<6400xi32, #tpu.memory_space<hbm>>
      %dma_wait3A_108 = tpu.memref_slice %arg3[%mul3A_107] : memref<320000xi32, #tpu.memory_space<hbm>> -> memref<6400xi32, #tpu.memory_space<hbm>>
      tpu.wait_dma2 semaphore(%arg17 : memref<!tpu.dma_semaphore, #tpu.memory_space<semaphore_mem>>) src(%dma_wait3A_108 : memref<6400xi32, #tpu.memory_space<hbm>>) dst(%arg15 : memref<6400xi32, #tpu.memory_space<vmem>>)
      %scan3A_109 = arith.constant 0 : i32
      %scan3A_110 = arith.constant 0 : i32
      %scan3A_111 = arith.constant 50 : i32
      %scan3A_112 = arith.addi %scan3A_110, %scan3A_111 : i32
      %scan3A_113 = arith.constant 1 : i32
      scf.for %scan3A_131 = %scan3A_110 to %scan3A_112 step %scan3A_113  : i32 {
        %mul3A_132 = arith.constant 128 : i32
        %mul3A_133 = arith.muli %scan3A_131, %mul3A_132 : i32
        %add3A_134 = arith.constant 0 : i32
        %add3A_135 = arith.addi %mul3A_133, %add3A_134 : i32
        %get3A_136 = arith.index_cast %add3A_135 : i32 to index
        %get3A_137 = tpu.vector_load %arg15[%get3A_136] {strides = array<i32>} : memref<6400xi32, #tpu.memory_space<vmem>>, vector<16xi32>,
        %add3A_138 = arith.constant 16 : i32
        %add3A_139 = arith.addi %mul3A_133, %add3A_138 : i32
        %get3A_140 = arith.index_cast %add3A_139 : i32 to index
        %get3A_141 = tpu.vector_load %arg15[%get3A_140] {strides = array<i32>} : memref<6400xi32, #tpu.memory_space<vmem>>, vector<16xi32>,
        %add3A_142 = arith.constant 32 : i32
        %add3A_143 = arith.addi %mul3A_133, %add3A_142 : i32
        %get3A_144 = arith.index_cast %add3A_143 : i32 to index
        %get3A_145 = tpu.vector_load %arg15[%get3A_144] {strides = array<i32>} : memref<6400xi32, #tpu.memory_space<vmem>>, vector<16xi32>,
        %add3A_146 = arith.constant 48 : i32
        %add3A_147 = arith.addi %mul3A_133, %add3A_146 : i32
        %get3A_148 = arith.index_cast %add3A_147 : i32 to index
        %get3A_149 = tpu.vector_load %arg15[%get3A_148] {strides = array<i32>} : memref<6400xi32, #tpu.memory_space<vmem>>, vector<16xi32>,
        %add3A_150 = arith.constant 64 : i32
        %add3A_151 = arith.addi %mul3A_133, %add3A_150 : i32
        %get3A_152 = arith.index_cast %add3A_151 : i32 to index
        %get3A_153 = tpu.vector_load %arg15[%get3A_152] {strides = array<i32>} : memref<6400xi32, #tpu.memory_space<vmem>>, vector<16xi32>,
        %add3A_154 = arith.constant 80 : i32
        %add3A_155 = arith.addi %mul3A_133, %add3A_154 : i32
        %get3A_156 = arith.index_cast %add3A_155 : i32 to index
        %get3A_157 = tpu.vector_load %arg15[%get3A_156] {strides = array<i32>} : memref<6400xi32, #tpu.memory_space<vmem>>, vector<16xi32>,
        %add3A_158 = arith.constant 96 : i32
        %add3A_159 = arith.addi %mul3A_133, %add3A_158 : i32
        %get3A_160 = arith.index_cast %add3A_159 : i32 to index
        %get3A_161 = tpu.vector_load %arg15[%get3A_160] {strides = array<i32>} : memref<6400xi32, #tpu.memory_space<vmem>>, vector<16xi32>,
        %add3A_162 = arith.constant 112 : i32
        %add3A_163 = arith.addi %mul3A_133, %add3A_162 : i32
        %get3A_164 = arith.index_cast %add3A_163 : i32 to index
        %get3A_165 = tpu.vector_load %arg15[%get3A_164] {strides = array<i32>} : memref<6400xi32, #tpu.memory_space<vmem>>, vector<16xi32>,
        %shift_right_logical3A = arith.constant 16 : i32
        %shift_right_logical3A_166 = vector.broadcast %shift_right_logical3A : i32 to vector<16xi32>
        %shift_right_logical3A_167 = arith.shrui %get3A_137, %shift_right_logical3A_166 : vector<16xi32>
        %shift_right_logical3A_168 = arith.constant 16 : i32
        %shift_right_logical3A_169 = vector.broadcast %shift_right_logical3A_168 : i32 to vector<16xi32>
        %shift_right_logical3A_170 = arith.shrui %get3A_141, %shift_right_logical3A_169 : vector<16xi32>
        %shift_right_logical3A_171 = arith.constant 16 : i32
        %shift_right_logical3A_172 = vector.broadcast %shift_right_logical3A_171 : i32 to vector<16xi32>
        %shift_right_logical3A_173 = arith.shrui %get3A_145, %shift_right_logical3A_172 : vector<16xi32>
        %shift_right_logical3A_174 = arith.constant 16 : i32
        %shift_right_logical3A_175 = vector.broadcast %shift_right_logical3A_174 : i32 to vector<16xi32>
        %shift_right_logical3A_176 = arith.shrui %get3A_149, %shift_right_logical3A_175 : vector<16xi32>
        %shift_right_logical3A_177 = arith.constant 16 : i32
        %shift_right_logical3A_178 = vector.broadcast %shift_right_logical3A_177 : i32 to vector<16xi32>
        %shift_right_logical3A_179 = arith.shrui %get3A_153, %shift_right_logical3A_178 : vector<16xi32>
        %shift_right_logical3A_180 = arith.constant 16 : i32
        %shift_right_logical3A_181 = vector.broadcast %shift_right_logical3A_180 : i32 to vector<16xi32>
        %shift_right_logical3A_182 = arith.shrui %get3A_157, %shift_right_logical3A_181 : vector<16xi32>
        %shift_right_logical3A_183 = arith.constant 16 : i32
        %shift_right_logical3A_184 = vector.broadcast %shift_right_logical3A_183 : i32 to vector<16xi32>
        %shift_right_logical3A_185 = arith.shrui %get3A_161, %shift_right_logical3A_184 : vector<16xi32>
        %shift_right_logical3A_186 = arith.constant 16 : i32
        %shift_right_logical3A_187 = vector.broadcast %shift_right_logical3A_186 : i32 to vector<16xi32>
        %shift_right_logical3A_188 = arith.shrui %get3A_165, %shift_right_logical3A_187 : vector<16xi32>
        %and3A = arith.constant 65535 : i32
        %and3A_189 = vector.broadcast %and3A : i32 to vector<16xi32>
        %and3A_190 = arith.andi %get3A_137, %and3A_189 : vector<16xi32>
        %and3A_191 = arith.constant 65535 : i32
        %and3A_192 = vector.broadcast %and3A_191 : i32 to vector<16xi32>
        %and3A_193 = arith.andi %get3A_141, %and3A_192 : vector<16xi32>
        %and3A_194 = arith.constant 65535 : i32
        %and3A_195 = vector.broadcast %and3A_194 : i32 to vector<16xi32>
        %and3A_196 = arith.andi %get3A_145, %and3A_195 : vector<16xi32>
        %and3A_197 = arith.constant 65535 : i32
        %and3A_198 = vector.broadcast %and3A_197 : i32 to vector<16xi32>
        %and3A_199 = arith.andi %get3A_149, %and3A_198 : vector<16xi32>
        %and3A_200 = arith.constant 65535 : i32
        %and3A_201 = vector.broadcast %and3A_200 : i32 to vector<16xi32>
        %and3A_202 = arith.andi %get3A_153, %and3A_201 : vector<16xi32>
        %and3A_203 = arith.constant 65535 : i32
        %and3A_204 = vector.broadcast %and3A_203 : i32 to vector<16xi32>
        %and3A_205 = arith.andi %get3A_157, %and3A_204 : vector<16xi32>
        %and3A_206 = arith.constant 65535 : i32
        %and3A_207 = vector.broadcast %and3A_206 : i32 to vector<16xi32>
        %and3A_208 = arith.andi %get3A_161, %and3A_207 : vector<16xi32>
        %and3A_209 = arith.constant 65535 : i32
        %and3A_210 = vector.broadcast %and3A_209 : i32 to vector<16xi32>
        %and3A_211 = arith.andi %get3A_165, %and3A_210 : vector<16xi32>
        %gather3A = tpu.vector_load_idx %arg5[%and3A_190] : memref<10000xi32, #tpu.memory_space<vmem>>[vector<16xi32>], vector<16xi32>,
        %bitcast3A_212 = vector.bitcast %gather3A : vector<16xi32> to vector<32xbf16>
        %gather3A_213 = tpu.vector_load_idx %arg6[%and3A_190] : memref<10000xi32, #tpu.memory_space<vmem>>[vector<16xi32>], vector<16xi32>,
        %bitcast3A_214 = vector.bitcast %gather3A_213 : vector<16xi32> to vector<32xbf16>
        %gather3A_215 = tpu.vector_load_idx %arg5[%and3A_193] : memref<10000xi32, #tpu.memory_space<vmem>>[vector<16xi32>], vector<16xi32>,
        %bitcast3A_216 = vector.bitcast %gather3A_215 : vector<16xi32> to vector<32xbf16>
        %gather3A_217 = tpu.vector_load_idx %arg6[%and3A_193] : memref<10000xi32, #tpu.memory_space<vmem>>[vector<16xi32>], vector<16xi32>,
        %bitcast3A_218 = vector.bitcast %gather3A_217 : vector<16xi32> to vector<32xbf16>
        %gather3A_219 = tpu.vector_load_idx %arg5[%and3A_196] : memref<10000xi32, #tpu.memory_space<vmem>>[vector<16xi32>], vector<16xi32>,
        %bitcast3A_220 = vector.bitcast %gather3A_219 : vector<16xi32> to vector<32xbf16>
        %gather3A_221 = tpu.vector_load_idx %arg6[%and3A_196] : memref<10000xi32, #tpu.memory_space<vmem>>[vector<16xi32>], vector<16xi32>,
        %bitcast3A_222 = vector.bitcast %gather3A_221 : vector<16xi32> to vector<32xbf16>
        %gather3A_223 = tpu.vector_load_idx %arg5[%and3A_199] : memref<10000xi32, #tpu.memory_space<vmem>>[vector<16xi32>], vector<16xi32>,
        %bitcast3A_224 = vector.bitcast %gather3A_223 : vector<16xi32> to vector<32xbf16>
        %gather3A_225 = tpu.vector_load_idx %arg6[%and3A_199] : memref<10000xi32, #tpu.memory_space<vmem>>[vector<16xi32>], vector<16xi32>,
        %bitcast3A_226 = vector.bitcast %gather3A_225 : vector<16xi32> to vector<32xbf16>
        %gather3A_227 = tpu.vector_load_idx %arg5[%and3A_202] : memref<10000xi32, #tpu.memory_space<vmem>>[vector<16xi32>], vector<16xi32>,
        %bitcast3A_228 = vector.bitcast %gather3A_227 : vector<16xi32> to vector<32xbf16>
        %gather3A_229 = tpu.vector_load_idx %arg6[%and3A_202] : memref<10000xi32, #tpu.memory_space<vmem>>[vector<16xi32>], vector<16xi32>,
        %bitcast3A_230 = vector.bitcast %gather3A_229 : vector<16xi32> to vector<32xbf16>
        %gather3A_231 = tpu.vector_load_idx %arg5[%and3A_205] : memref<10000xi32, #tpu.memory_space<vmem>>[vector<16xi32>], vector<16xi32>,
        %bitcast3A_232 = vector.bitcast %gather3A_231 : vector<16xi32> to vector<32xbf16>
        %gather3A_233 = tpu.vector_load_idx %arg6[%and3A_205] : memref<10000xi32, #tpu.memory_space<vmem>>[vector<16xi32>], vector<16xi32>,
        %bitcast3A_234 = vector.bitcast %gather3A_233 : vector<16xi32> to vector<32xbf16>
        %gather3A_235 = tpu.vector_load_idx %arg5[%and3A_208] : memref<10000xi32, #tpu.memory_space<vmem>>[vector<16xi32>], vector<16xi32>,
        %bitcast3A_236 = vector.bitcast %gather3A_235 : vector<16xi32> to vector<32xbf16>
        %gather3A_237 = tpu.vector_load_idx %arg6[%and3A_208] : memref<10000xi32, #tpu.memory_space<vmem>>[vector<16xi32>], vector<16xi32>,
        %bitcast3A_238 = vector.bitcast %gather3A_237 : vector<16xi32> to vector<32xbf16>
        %gather3A_239 = tpu.vector_load_idx %arg5[%and3A_211] : memref<10000xi32, #tpu.memory_space<vmem>>[vector<16xi32>], vector<16xi32>,
        %bitcast3A_240 = vector.bitcast %gather3A_239 : vector<16xi32> to vector<32xbf16>
        %gather3A_241 = tpu.vector_load_idx %arg6[%and3A_211] : memref<10000xi32, #tpu.memory_space<vmem>>[vector<16xi32>], vector<16xi32>,
        %bitcast3A_242 = vector.bitcast %gather3A_241 : vector<16xi32> to vector<32xbf16>
        %broadcast_in_dim3A_243 = arith.constant true
        %broadcast_in_dim3A_244 = vector.broadcast %broadcast_in_dim3A_243 : i1 to vector<16xi1>
        %unique3A, %unique3A_245 = tpu.scan_count mask(%broadcast_in_dim3A_244 : vector<16xi1>) value(%shift_right_logical3A_167 : vector<16xi32>) : vector<16xi1>, vector<16xi32>
        %broadcast_in_dim3A_246 = arith.constant true
        %broadcast_in_dim3A_247 = vector.broadcast %broadcast_in_dim3A_246 : i1 to vector<16xi1>
        %unique3A_248, %unique3A_249 = tpu.scan_count mask(%broadcast_in_dim3A_247 : vector<16xi1>) value(%shift_right_logical3A_170 : vector<16xi32>) : vector<16xi1>, vector<16xi32>
        %broadcast_in_dim3A_250 = arith.constant true
        %broadcast_in_dim3A_251 = vector.broadcast %broadcast_in_dim3A_250 : i1 to vector<16xi1>
        %unique3A_252, %unique3A_253 = tpu.scan_count mask(%broadcast_in_dim3A_251 : vector<16xi1>) value(%shift_right_logical3A_173 : vector<16xi32>) : vector<16xi1>, vector<16xi32>
        %broadcast_in_dim3A_254 = arith.constant true
        %broadcast_in_dim3A_255 = vector.broadcast %broadcast_in_dim3A_254 : i1 to vector<16xi1>
        %unique3A_256, %unique3A_257 = tpu.scan_count mask(%broadcast_in_dim3A_255 : vector<16xi1>) value(%shift_right_logical3A_176 : vector<16xi32>) : vector<16xi1>, vector<16xi32>
        %broadcast_in_dim3A_258 = arith.constant true
        %broadcast_in_dim3A_259 = vector.broadcast %broadcast_in_dim3A_258 : i1 to vector<16xi1>
        %unique3A_260, %unique3A_261 = tpu.scan_count mask(%broadcast_in_dim3A_259 : vector<16xi1>) value(%shift_right_logical3A_179 : vector<16xi32>) : vector<16xi1>, vector<16xi32>
        %broadcast_in_dim3A_262 = arith.constant true
        %broadcast_in_dim3A_263 = vector.broadcast %broadcast_in_dim3A_262 : i1 to vector<16xi1>
        %unique3A_264, %unique3A_265 = tpu.scan_count mask(%broadcast_in_dim3A_263 : vector<16xi1>) value(%shift_right_logical3A_182 : vector<16xi32>) : vector<16xi1>, vector<16xi32>
        %broadcast_in_dim3A_266 = arith.constant true
        %broadcast_in_dim3A_267 = vector.broadcast %broadcast_in_dim3A_266 : i1 to vector<16xi1>
        %unique3A_268, %unique3A_269 = tpu.scan_count mask(%broadcast_in_dim3A_267 : vector<16xi1>) value(%shift_right_logical3A_185 : vector<16xi32>) : vector<16xi1>, vector<16xi32>
        %broadcast_in_dim3A_270 = arith.constant true
        %broadcast_in_dim3A_271 = vector.broadcast %broadcast_in_dim3A_270 : i1 to vector<16xi1>
        %unique3A_272, %unique3A_273 = tpu.scan_count mask(%broadcast_in_dim3A_271 : vector<16xi1>) value(%shift_right_logical3A_188 : vector<16xi32>) : vector<16xi1>, vector<16xi32>
        %gather3A_274 = tpu.vector_load_idx %arg7[%shift_right_logical3A_167] : memref<10000xi32, #tpu.memory_space<vmem>>[vector<16xi32>], vector<16xi32>,
        %bitcast3A_275 = vector.bitcast %gather3A_274 : vector<16xi32> to vector<32xbf16>
        %gather3A_276 = tpu.vector_load_idx %arg8[%shift_right_logical3A_167] : memref<10000xi32, #tpu.memory_space<vmem>>[vector<16xi32>], vector<16xi32>,
        %bitcast3A_277 = vector.bitcast %gather3A_276 : vector<16xi32> to vector<32xbf16>
        %gather3A_278 = tpu.vector_load_idx %arg9[%shift_right_logical3A_170] : memref<10000xi32, #tpu.memory_space<vmem>>[vector<16xi32>], vector<16xi32>,
        %bitcast3A_279 = vector.bitcast %gather3A_278 : vector<16xi32> to vector<32xbf16>
        %gather3A_280 = tpu.vector_load_idx %arg10[%shift_right_logical3A_170] : memref<10000xi32, #tpu.memory_space<vmem>>[vector<16xi32>], vector<16xi32>,
        %bitcast3A_281 = vector.bitcast %gather3A_280 : vector<16xi32> to vector<32xbf16>
        %gather3A_282 = tpu.vector_load_idx %arg11[%shift_right_logical3A_173] : memref<10000xi32, #tpu.memory_space<vmem>>[vector<16xi32>], vector<16xi32>,
        %bitcast3A_283 = vector.bitcast %gather3A_282 : vector<16xi32> to vector<32xbf16>
        %gather3A_284 = tpu.vector_load_idx %arg12[%shift_right_logical3A_173] : memref<10000xi32, #tpu.memory_space<vmem>>[vector<16xi32>], vector<16xi32>,
        %bitcast3A_285 = vector.bitcast %gather3A_284 : vector<16xi32> to vector<32xbf16>
        %gather3A_286 = tpu.vector_load_idx %arg13[%shift_right_logical3A_176] : memref<10000xi32, #tpu.memory_space<vmem>>[vector<16xi32>], vector<16xi32>,
        %bitcast3A_287 = vector.bitcast %gather3A_286 : vector<16xi32> to vector<32xbf16>
        %gather3A_288 = tpu.vector_load_idx %arg14[%shift_right_logical3A_176] : memref<10000xi32, #tpu.memory_space<vmem>>[vector<16xi32>], vector<16xi32>,
        %bitcast3A_289 = vector.bitcast %gather3A_288 : vector<16xi32> to vector<32xbf16>
        %max3A_290 = arith.maximumf %bitcast3A_275, %bitcast3A_212 : vector<32xbf16>
        %bitcast3A_291 = vector.bitcast %max3A_290 : vector<32xbf16> to vector<16xi32>
        tpu.vector_store_idx %arg7[%shift_right_logical3A_167], %bitcast3A_291 masked %unique3A : memref<10000xi32, #tpu.memory_space<vmem>>[vector<16xi32>], vector<16xi32>, vector<16xi1>
        %max3A_292 = arith.maximumf %bitcast3A_277, %bitcast3A_214 : vector<32xbf16>
        %bitcast3A_293 = vector.bitcast %max3A_292 : vector<32xbf16> to vector<16xi32>
        tpu.vector_store_idx %arg8[%shift_right_logical3A_167], %bitcast3A_293 masked %unique3A : memref<10000xi32, #tpu.memory_space<vmem>>[vector<16xi32>], vector<16xi32>, vector<16xi1>
        %max3A_294 = arith.maximumf %bitcast3A_279, %bitcast3A_216 : vector<32xbf16>
        %bitcast3A_295 = vector.bitcast %max3A_294 : vector<32xbf16> to vector<16xi32>
        tpu.vector_store_idx %arg9[%shift_right_logical3A_170], %bitcast3A_295 masked %unique3A_248 : memref<10000xi32, #tpu.memory_space<vmem>>[vector<16xi32>], vector<16xi32>, vector<16xi1>
        %max3A_296 = arith.maximumf %bitcast3A_281, %bitcast3A_218 : vector<32xbf16>
        %bitcast3A_297 = vector.bitcast %max3A_296 : vector<32xbf16> to vector<16xi32>
        tpu.vector_store_idx %arg10[%shift_right_logical3A_170], %bitcast3A_297 masked %unique3A_248 : memref<10000xi32, #tpu.memory_space<vmem>>[vector<16xi32>], vector<16xi32>, vector<16xi1>
        %max3A_298 = arith.maximumf %bitcast3A_283, %bitcast3A_220 : vector<32xbf16>
        %bitcast3A_299 = vector.bitcast %max3A_298 : vector<32xbf16> to vector<16xi32>
        tpu.vector_store_idx %arg11[%shift_right_logical3A_173], %bitcast3A_299 masked %unique3A_252 : memref<10000xi32, #tpu.memory_space<vmem>>[vector<16xi32>], vector<16xi32>, vector<16xi1>
        %max3A_300 = arith.maximumf %bitcast3A_285, %bitcast3A_222 : vector<32xbf16>
        %bitcast3A_301 = vector.bitcast %max3A_300 : vector<32xbf16> to vector<16xi32>
        tpu.vector_store_idx %arg12[%shift_right_logical3A_173], %bitcast3A_301 masked %unique3A_252 : memref<10000xi32, #tpu.memory_space<vmem>>[vector<16xi32>], vector<16xi32>, vector<16xi1>
        %max3A_302 = arith.maximumf %bitcast3A_287, %bitcast3A_224 : vector<32xbf16>
        %bitcast3A_303 = vector.bitcast %max3A_302 : vector<32xbf16> to vector<16xi32>
        tpu.vector_store_idx %arg13[%shift_right_logical3A_176], %bitcast3A_303 masked %unique3A_256 : memref<10000xi32, #tpu.memory_space<vmem>>[vector<16xi32>], vector<16xi32>, vector<16xi1>
        %max3A_304 = arith.maximumf %bitcast3A_289, %bitcast3A_226 : vector<32xbf16>
        %bitcast3A_305 = vector.bitcast %max3A_304 : vector<32xbf16> to vector<16xi32>
        tpu.vector_store_idx %arg14[%shift_right_logical3A_176], %bitcast3A_305 masked %unique3A_256 : memref<10000xi32, #tpu.memory_space<vmem>>[vector<16xi32>], vector<16xi32>, vector<16xi1>
        %gather3A_306 = tpu.vector_load_idx %arg7[%shift_right_logical3A_179] : memref<10000xi32, #tpu.memory_space<vmem>>[vector<16xi32>], vector<16xi32>,
        %bitcast3A_307 = vector.bitcast %gather3A_306 : vector<16xi32> to vector<32xbf16>
        %gather3A_308 = tpu.vector_load_idx %arg8[%shift_right_logical3A_179] : memref<10000xi32, #tpu.memory_space<vmem>>[vector<16xi32>], vector<16xi32>,
        %bitcast3A_309 = vector.bitcast %gather3A_308 : vector<16xi32> to vector<32xbf16>
        %gather3A_310 = tpu.vector_load_idx %arg9[%shift_right_logical3A_182] : memref<10000xi32, #tpu.memory_space<vmem>>[vector<16xi32>], vector<16xi32>,
        %bitcast3A_311 = vector.bitcast %gather3A_310 : vector<16xi32> to vector<32xbf16>
        %gather3A_312 = tpu.vector_load_idx %arg10[%shift_right_logical3A_182] : memref<10000xi32, #tpu.memory_space<vmem>>[vector<16xi32>], vector<16xi32>,
        %bitcast3A_313 = vector.bitcast %gather3A_312 : vector<16xi32> to vector<32xbf16>
        %gather3A_314 = tpu.vector_load_idx %arg11[%shift_right_logical3A_185] : memref<10000xi32, #tpu.memory_space<vmem>>[vector<16xi32>], vector<16xi32>,
        %bitcast3A_315 = vector.bitcast %gather3A_314 : vector<16xi32> to vector<32xbf16>
        %gather3A_316 = tpu.vector_load_idx %arg12[%shift_right_logical3A_185] : memref<10000xi32, #tpu.memory_space<vmem>>[vector<16xi32>], vector<16xi32>,
        %bitcast3A_317 = vector.bitcast %gather3A_316 : vector<16xi32> to vector<32xbf16>
        %gather3A_318 = tpu.vector_load_idx %arg13[%shift_right_logical3A_188] : memref<10000xi32, #tpu.memory_space<vmem>>[vector<16xi32>], vector<16xi32>,
        %bitcast3A_319 = vector.bitcast %gather3A_318 : vector<16xi32> to vector<32xbf16>
        %gather3A_320 = tpu.vector_load_idx %arg14[%shift_right_logical3A_188] : memref<10000xi32, #tpu.memory_space<vmem>>[vector<16xi32>], vector<16xi32>,
        %bitcast3A_321 = vector.bitcast %gather3A_320 : vector<16xi32> to vector<32xbf16>
        %max3A_322 = arith.maximumf %bitcast3A_307, %bitcast3A_228 : vector<32xbf16>
        %bitcast3A_323 = vector.bitcast %max3A_322 : vector<32xbf16> to vector<16xi32>
        tpu.vector_store_idx %arg7[%shift_right_logical3A_179], %bitcast3A_323 masked %unique3A_260 : memref<10000xi32, #tpu.memory_space<vmem>>[vector<16xi32>], vector<16xi32>, vector<16xi1>
        %max3A_324 = arith.maximumf %bitcast3A_309, %bitcast3A_230 : vector<32xbf16>
        %bitcast3A_325 = vector.bitcast %max3A_324 : vector<32xbf16> to vector<16xi32>
        tpu.vector_store_idx %arg8[%shift_right_logical3A_179], %bitcast3A_325 masked %unique3A_260 : memref<10000xi32, #tpu.memory_space<vmem>>[vector<16xi32>], vector<16xi32>, vector<16xi1>
        %max3A_326 = arith.maximumf %bitcast3A_311, %bitcast3A_232 : vector<32xbf16>
        %bitcast3A_327 = vector.bitcast %max3A_326 : vector<32xbf16> to vector<16xi32>
        tpu.vector_store_idx %arg9[%shift_right_logical3A_182], %bitcast3A_327 masked %unique3A_264 : memref<10000xi32, #tpu.memory_space<vmem>>[vector<16xi32>], vector<16xi32>, vector<16xi1>
        %max3A_328 = arith.maximumf %bitcast3A_313, %bitcast3A_234 : vector<32xbf16>
        %bitcast3A_329 = vector.bitcast %max3A_328 : vector<32xbf16> to vector<16xi32>
        tpu.vector_store_idx %arg10[%shift_right_logical3A_182], %bitcast3A_329 masked %unique3A_264 : memref<10000xi32, #tpu.memory_space<vmem>>[vector<16xi32>], vector<16xi32>, vector<16xi1>
        %max3A_330 = arith.maximumf %bitcast3A_315, %bitcast3A_236 : vector<32xbf16>
        %bitcast3A_331 = vector.bitcast %max3A_330 : vector<32xbf16> to vector<16xi32>
        tpu.vector_store_idx %arg11[%shift_right_logical3A_185], %bitcast3A_331 masked %unique3A_268 : memref<10000xi32, #tpu.memory_space<vmem>>[vector<16xi32>], vector<16xi32>, vector<16xi1>
        %max3A_332 = arith.maximumf %bitcast3A_317, %bitcast3A_238 : vector<32xbf16>
        %bitcast3A_333 = vector.bitcast %max3A_332 : vector<32xbf16> to vector<16xi32>
        tpu.vector_store_idx %arg12[%shift_right_logical3A_185], %bitcast3A_333 masked %unique3A_268 : memref<10000xi32, #tpu.memory_space<vmem>>[vector<16xi32>], vector<16xi32>, vector<16xi1>
        %max3A_334 = arith.maximumf %bitcast3A_319, %bitcast3A_240 : vector<32xbf16>
        %bitcast3A_335 = vector.bitcast %max3A_334 : vector<32xbf16> to vector<16xi32>
        tpu.vector_store_idx %arg13[%shift_right_logical3A_188], %bitcast3A_335 masked %unique3A_272 : memref<10000xi32, #tpu.memory_space<vmem>>[vector<16xi32>], vector<16xi32>, vector<16xi1>
        %max3A_336 = arith.maximumf %bitcast3A_321, %bitcast3A_242 : vector<32xbf16>
        %bitcast3A_337 = vector.bitcast %max3A_336 : vector<32xbf16> to vector<16xi32>
        tpu.vector_store_idx %arg14[%shift_right_logical3A_188], %bitcast3A_337 masked %unique3A_272 : memref<10000xi32, #tpu.memory_space<vmem>>[vector<16xi32>], vector<16xi32>, vector<16xi1>
        %not3A = arith.constant dense<true> : vector<16xi1>
        %not3A_338 = arith.xori %unique3A, %not3A : vector<16xi1>
        %not3A_339 = arith.constant dense<true> : vector<16xi1>
        %not3A_340 = arith.xori %unique3A_248, %not3A_339 : vector<16xi1>
        %not3A_341 = arith.constant dense<true> : vector<16xi1>
        %not3A_342 = arith.xori %unique3A_252, %not3A_341 : vector<16xi1>
        %not3A_343 = arith.constant dense<true> : vector<16xi1>
        %not3A_344 = arith.xori %unique3A_256, %not3A_343 : vector<16xi1>
        %not3A_345 = arith.constant dense<true> : vector<16xi1>
        %not3A_346 = arith.xori %unique3A_260, %not3A_345 : vector<16xi1>
        %not3A_347 = arith.constant dense<true> : vector<16xi1>
        %not3A_348 = arith.xori %unique3A_264, %not3A_347 : vector<16xi1>
        %not3A_349 = arith.constant dense<true> : vector<16xi1>
        %not3A_350 = arith.xori %unique3A_268, %not3A_349 : vector<16xi1>
        %not3A_351 = arith.constant dense<true> : vector<16xi1>
        %not3A_352 = arith.xori %unique3A_272, %not3A_351 : vector<16xi1>
        %or3A = arith.ori %not3A_338, %not3A_340 : vector<16xi1>
        %or3A_353 = arith.ori %or3A, %not3A_342 : vector<16xi1>
        %or3A_354 = arith.ori %or3A_353, %not3A_344 : vector<16xi1>
        %or3A_355 = arith.ori %or3A_354, %not3A_346 : vector<16xi1>
        %or3A_356 = arith.ori %or3A_355, %not3A_348 : vector<16xi1>
        %or3A_357 = arith.ori %or3A_356, %not3A_350 : vector<16xi1>
        %or3A_358 = arith.ori %or3A_357, %not3A_352 : vector<16xi1>
        %reduce_or3A = arith.constant 1.000000e+00 : f32
        %reduce_or3A_359 = arith.constant 0.000000e+00 : f32
        %reduce_or3A_360 = vector.broadcast %reduce_or3A : f32 to vector<16xf32>
        %reduce_or3A_361 = vector.broadcast %reduce_or3A_359 : f32 to vector<16xf32>
        %reduce_or3A_362 = arith.select %or3A_358, %reduce_or3A_360, %reduce_or3A_361 : vector<16xi1>, vector<16xf32>
        %reduce_or3A_363 = arith.constant true
        %reduce_or3A_364 = vector.broadcast %reduce_or3A_363 : i1 to vector<16xi1>
        %reduce_or3A_365 = tpu.scan <max>, %reduce_or3A_362 masked %reduce_or3A_364 : vector<16xf32>, vector<16xi1> -> vector<16xf32>
        %reduce_or3A_366 = vector.extract %reduce_or3A_365[15] : f32 from vector<16xf32>
        %reduce_or3A_367 = arith.constant 0.000000e+00 : f32
        %reduce_or3A_368 = arith.cmpf ogt, %reduce_or3A_366, %reduce_or3A_367 : f32
        %convert_element_type3A_369 = arith.extui %reduce_or3A_368 : i1 to i32
        %cond3A_370 = arith.constant 0 : i32
        %cond3A_371 = arith.cmpi ne, %convert_element_type3A_369, %cond3A_370 : i32
        scf.if %cond3A_371 {
          %reduce_or3A_372 = arith.constant 1.000000e+00 : f32
          %reduce_or3A_373 = arith.constant 0.000000e+00 : f32
          %reduce_or3A_374 = vector.broadcast %reduce_or3A_372 : f32 to vector<16xf32>
          %reduce_or3A_375 = vector.broadcast %reduce_or3A_373 : f32 to vector<16xf32>
          %reduce_or3A_376 = arith.select %not3A_338, %reduce_or3A_374, %reduce_or3A_375 : vector<16xi1>, vector<16xf32>
          %reduce_or3A_377 = arith.constant true
          %reduce_or3A_378 = vector.broadcast %reduce_or3A_377 : i1 to vector<16xi1>
          %reduce_or3A_379 = tpu.scan <max>, %reduce_or3A_376 masked %reduce_or3A_378 : vector<16xf32>, vector<16xi1> -> vector<16xf32>
          %reduce_or3A_380 = vector.extract %reduce_or3A_379[15] : f32 from vector<16xf32>
          %reduce_or3A_381 = arith.constant 0.000000e+00 : f32
          %reduce_or3A_382 = arith.cmpf ogt, %reduce_or3A_380, %reduce_or3A_381 : f32
          %convert_element_type3A_383 = arith.extui %reduce_or3A_382 : i1 to i32
          %cond3A_384 = arith.constant 0 : i32
          %cond3A_385 = arith.cmpi ne, %convert_element_type3A_383, %cond3A_384 : i32
          scf.if %cond3A_385 {
            %while3A = scf.while (%while3A_484 = %not3A_338) : (vector<16xi1>) -> vector<16xi1> {
              %reduce_or3A_485 = arith.constant 1.000000e+00 : f32
              %reduce_or3A_486 = arith.constant 0.000000e+00 : f32
              %reduce_or3A_487 = vector.broadcast %reduce_or3A_485 : f32 to vector<16xf32>
              %reduce_or3A_488 = vector.broadcast %reduce_or3A_486 : f32 to vector<16xf32>
              %reduce_or3A_489 = arith.select %while3A_484, %reduce_or3A_487, %reduce_or3A_488 : vector<16xi1>, vector<16xf32>
              %reduce_or3A_490 = arith.constant true
              %reduce_or3A_491 = vector.broadcast %reduce_or3A_490 : i1 to vector<16xi1>
              %reduce_or3A_492 = tpu.scan <max>, %reduce_or3A_489 masked %reduce_or3A_491 : vector<16xf32>, vector<16xi1> -> vector<16xf32>
              %reduce_or3A_493 = vector.extract %reduce_or3A_492[15] : f32 from vector<16xf32>
              %reduce_or3A_494 = arith.constant 0.000000e+00 : f32
              %reduce_or3A_495 = arith.cmpf ogt, %reduce_or3A_493, %reduce_or3A_494 : f32
              scf.condition(%reduce_or3A_495) %while3A_484 : vector<16xi1>
            } do {
            ^bb0(%while3A_484: vector<16xi1>):
              %unique3A_485, %unique3A_486 = tpu.scan_count mask(%while3A_484 : vector<16xi1>) value(%shift_right_logical3A_167 : vector<16xi32>) : vector<16xi1>, vector<16xi32>
              %gather3A_487 = tpu.vector_load_idx %arg7[%shift_right_logical3A_167] : memref<10000xi32, #tpu.memory_space<vmem>>[vector<16xi32>], vector<16xi32>,
              %bitcast3A_488 = vector.bitcast %gather3A_487 : vector<16xi32> to vector<32xbf16>
              %max3A_489 = arith.maximumf %bitcast3A_488, %bitcast3A_212 : vector<32xbf16>
              %bitcast3A_490 = vector.bitcast %max3A_489 : vector<32xbf16> to vector<16xi32>
              tpu.vector_store_idx %arg7[%shift_right_logical3A_167], %bitcast3A_490 masked %unique3A_485 : memref<10000xi32, #tpu.memory_space<vmem>>[vector<16xi32>], vector<16xi32>, vector<16xi1>
              %gather3A_491 = tpu.vector_load_idx %arg8[%shift_right_logical3A_167] : memref<10000xi32, #tpu.memory_space<vmem>>[vector<16xi32>], vector<16xi32>,
              %bitcast3A_492 = vector.bitcast %gather3A_491 : vector<16xi32> to vector<32xbf16>
              %max3A_493 = arith.maximumf %bitcast3A_492, %bitcast3A_214 : vector<32xbf16>
              %bitcast3A_494 = vector.bitcast %max3A_493 : vector<32xbf16> to vector<16xi32>
              tpu.vector_store_idx %arg8[%shift_right_logical3A_167], %bitcast3A_494 masked %unique3A_485 : memref<10000xi32, #tpu.memory_space<vmem>>[vector<16xi32>], vector<16xi32>, vector<16xi1>
              %not3A_495 = arith.constant dense<true> : vector<16xi1>
              %not3A_496 = arith.xori %unique3A_485, %not3A_495 : vector<16xi1>
              %and3A_497 = arith.andi %while3A_484, %not3A_496 : vector<16xi1>
              scf.yield %and3A_497 : vector<16xi1>
            }
          } else {
          }
          %reduce_or3A_386 = arith.constant 1.000000e+00 : f32
          %reduce_or3A_387 = arith.constant 0.000000e+00 : f32
          %reduce_or3A_388 = vector.broadcast %reduce_or3A_386 : f32 to vector<16xf32>
          %reduce_or3A_389 = vector.broadcast %reduce_or3A_387 : f32 to vector<16xf32>
          %reduce_or3A_390 = arith.select %not3A_340, %reduce_or3A_388, %reduce_or3A_389 : vector<16xi1>, vector<16xf32>
          %reduce_or3A_391 = arith.constant true
          %reduce_or3A_392 = vector.broadcast %reduce_or3A_391 : i1 to vector<16xi1>
          %reduce_or3A_393 = tpu.scan <max>, %reduce_or3A_390 masked %reduce_or3A_392 : vector<16xf32>, vector<16xi1> -> vector<16xf32>
          %reduce_or3A_394 = vector.extract %reduce_or3A_393[15] : f32 from vector<16xf32>
          %reduce_or3A_395 = arith.constant 0.000000e+00 : f32
          %reduce_or3A_396 = arith.cmpf ogt, %reduce_or3A_394, %reduce_or3A_395 : f32
          %convert_element_type3A_397 = arith.extui %reduce_or3A_396 : i1 to i32
          %cond3A_398 = arith.constant 0 : i32
          %cond3A_399 = arith.cmpi ne, %convert_element_type3A_397, %cond3A_398 : i32
          scf.if %cond3A_399 {
            %while3A = scf.while (%while3A_484 = %not3A_340) : (vector<16xi1>) -> vector<16xi1> {
              %reduce_or3A_485 = arith.constant 1.000000e+00 : f32
              %reduce_or3A_486 = arith.constant 0.000000e+00 : f32
              %reduce_or3A_487 = vector.broadcast %reduce_or3A_485 : f32 to vector<16xf32>
              %reduce_or3A_488 = vector.broadcast %reduce_or3A_486 : f32 to vector<16xf32>
              %reduce_or3A_489 = arith.select %while3A_484, %reduce_or3A_487, %reduce_or3A_488 : vector<16xi1>, vector<16xf32>
              %reduce_or3A_490 = arith.constant true
              %reduce_or3A_491 = vector.broadcast %reduce_or3A_490 : i1 to vector<16xi1>
              %reduce_or3A_492 = tpu.scan <max>, %reduce_or3A_489 masked %reduce_or3A_491 : vector<16xf32>, vector<16xi1> -> vector<16xf32>
              %reduce_or3A_493 = vector.extract %reduce_or3A_492[15] : f32 from vector<16xf32>
              %reduce_or3A_494 = arith.constant 0.000000e+00 : f32
              %reduce_or3A_495 = arith.cmpf ogt, %reduce_or3A_493, %reduce_or3A_494 : f32
              scf.condition(%reduce_or3A_495) %while3A_484 : vector<16xi1>
            } do {
            ^bb0(%while3A_484: vector<16xi1>):
              %unique3A_485, %unique3A_486 = tpu.scan_count mask(%while3A_484 : vector<16xi1>) value(%shift_right_logical3A_170 : vector<16xi32>) : vector<16xi1>, vector<16xi32>
              %gather3A_487 = tpu.vector_load_idx %arg9[%shift_right_logical3A_170] : memref<10000xi32, #tpu.memory_space<vmem>>[vector<16xi32>], vector<16xi32>,
              %bitcast3A_488 = vector.bitcast %gather3A_487 : vector<16xi32> to vector<32xbf16>
              %max3A_489 = arith.maximumf %bitcast3A_488, %bitcast3A_216 : vector<32xbf16>
              %bitcast3A_490 = vector.bitcast %max3A_489 : vector<32xbf16> to vector<16xi32>
              tpu.vector_store_idx %arg9[%shift_right_logical3A_170], %bitcast3A_490 masked %unique3A_485 : memref<10000xi32, #tpu.memory_space<vmem>>[vector<16xi32>], vector<16xi32>, vector<16xi1>
              %gather3A_491 = tpu.vector_load_idx %arg10[%shift_right_logical3A_170] : memref<10000xi32, #tpu.memory_space<vmem>>[vector<16xi32>], vector<16xi32>,
              %bitcast3A_492 = vector.bitcast %gather3A_491 : vector<16xi32> to vector<32xbf16>
              %max3A_493 = arith.maximumf %bitcast3A_492, %bitcast3A_218 : vector<32xbf16>
              %bitcast3A_494 = vector.bitcast %max3A_493 : vector<32xbf16> to vector<16xi32>
              tpu.vector_store_idx %arg10[%shift_right_logical3A_170], %bitcast3A_494 masked %unique3A_485 : memref<10000xi32, #tpu.memory_space<vmem>>[vector<16xi32>], vector<16xi32>, vector<16xi1>
              %not3A_495 = arith.constant dense<true> : vector<16xi1>
              %not3A_496 = arith.xori %unique3A_485, %not3A_495 : vector<16xi1>
              %and3A_497 = arith.andi %while3A_484, %not3A_496 : vector<16xi1>
              scf.yield %and3A_497 : vector<16xi1>
            }
          } else {
          }
          %reduce_or3A_400 = arith.constant 1.000000e+00 : f32
          %reduce_or3A_401 = arith.constant 0.000000e+00 : f32
          %reduce_or3A_402 = vector.broadcast %reduce_or3A_400 : f32 to vector<16xf32>
          %reduce_or3A_403 = vector.broadcast %reduce_or3A_401 : f32 to vector<16xf32>
          %reduce_or3A_404 = arith.select %not3A_342, %reduce_or3A_402, %reduce_or3A_403 : vector<16xi1>, vector<16xf32>
          %reduce_or3A_405 = arith.constant true
          %reduce_or3A_406 = vector.broadcast %reduce_or3A_405 : i1 to vector<16xi1>
          %reduce_or3A_407 = tpu.scan <max>, %reduce_or3A_404 masked %reduce_or3A_406 : vector<16xf32>, vector<16xi1> -> vector<16xf32>
          %reduce_or3A_408 = vector.extract %reduce_or3A_407[15] : f32 from vector<16xf32>
          %reduce_or3A_409 = arith.constant 0.000000e+00 : f32
          %reduce_or3A_410 = arith.cmpf ogt, %reduce_or3A_408, %reduce_or3A_409 : f32
          %convert_element_type3A_411 = arith.extui %reduce_or3A_410 : i1 to i32
          %cond3A_412 = arith.constant 0 : i32
          %cond3A_413 = arith.cmpi ne, %convert_element_type3A_411, %cond3A_412 : i32
          scf.if %cond3A_413 {
            %while3A = scf.while (%while3A_484 = %not3A_342) : (vector<16xi1>) -> vector<16xi1> {
              %reduce_or3A_485 = arith.constant 1.000000e+00 : f32
              %reduce_or3A_486 = arith.constant 0.000000e+00 : f32
              %reduce_or3A_487 = vector.broadcast %reduce_or3A_485 : f32 to vector<16xf32>
              %reduce_or3A_488 = vector.broadcast %reduce_or3A_486 : f32 to vector<16xf32>
              %reduce_or3A_489 = arith.select %while3A_484, %reduce_or3A_487, %reduce_or3A_488 : vector<16xi1>, vector<16xf32>
              %reduce_or3A_490 = arith.constant true
              %reduce_or3A_491 = vector.broadcast %reduce_or3A_490 : i1 to vector<16xi1>
              %reduce_or3A_492 = tpu.scan <max>, %reduce_or3A_489 masked %reduce_or3A_491 : vector<16xf32>, vector<16xi1> -> vector<16xf32>
              %reduce_or3A_493 = vector.extract %reduce_or3A_492[15] : f32 from vector<16xf32>
              %reduce_or3A_494 = arith.constant 0.000000e+00 : f32
              %reduce_or3A_495 = arith.cmpf ogt, %reduce_or3A_493, %reduce_or3A_494 : f32
              scf.condition(%reduce_or3A_495) %while3A_484 : vector<16xi1>
            } do {
            ^bb0(%while3A_484: vector<16xi1>):
              %unique3A_485, %unique3A_486 = tpu.scan_count mask(%while3A_484 : vector<16xi1>) value(%shift_right_logical3A_173 : vector<16xi32>) : vector<16xi1>, vector<16xi32>
              %gather3A_487 = tpu.vector_load_idx %arg11[%shift_right_logical3A_173] : memref<10000xi32, #tpu.memory_space<vmem>>[vector<16xi32>], vector<16xi32>,
              %bitcast3A_488 = vector.bitcast %gather3A_487 : vector<16xi32> to vector<32xbf16>
              %max3A_489 = arith.maximumf %bitcast3A_488, %bitcast3A_220 : vector<32xbf16>
              %bitcast3A_490 = vector.bitcast %max3A_489 : vector<32xbf16> to vector<16xi32>
              tpu.vector_store_idx %arg11[%shift_right_logical3A_173], %bitcast3A_490 masked %unique3A_485 : memref<10000xi32, #tpu.memory_space<vmem>>[vector<16xi32>], vector<16xi32>, vector<16xi1>
              %gather3A_491 = tpu.vector_load_idx %arg12[%shift_right_logical3A_173] : memref<10000xi32, #tpu.memory_space<vmem>>[vector<16xi32>], vector<16xi32>,
              %bitcast3A_492 = vector.bitcast %gather3A_491 : vector<16xi32> to vector<32xbf16>
              %max3A_493 = arith.maximumf %bitcast3A_492, %bitcast3A_222 : vector<32xbf16>
              %bitcast3A_494 = vector.bitcast %max3A_493 : vector<32xbf16> to vector<16xi32>
              tpu.vector_store_idx %arg12[%shift_right_logical3A_173], %bitcast3A_494 masked %unique3A_485 : memref<10000xi32, #tpu.memory_space<vmem>>[vector<16xi32>], vector<16xi32>, vector<16xi1>
              %not3A_495 = arith.constant dense<true> : vector<16xi1>
              %not3A_496 = arith.xori %unique3A_485, %not3A_495 : vector<16xi1>
              %and3A_497 = arith.andi %while3A_484, %not3A_496 : vector<16xi1>
              scf.yield %and3A_497 : vector<16xi1>
            }
          } else {
          }
          %reduce_or3A_414 = arith.constant 1.000000e+00 : f32
          %reduce_or3A_415 = arith.constant 0.000000e+00 : f32
          %reduce_or3A_416 = vector.broadcast %reduce_or3A_414 : f32 to vector<16xf32>
          %reduce_or3A_417 = vector.broadcast %reduce_or3A_415 : f32 to vector<16xf32>
          %reduce_or3A_418 = arith.select %not3A_344, %reduce_or3A_416, %reduce_or3A_417 : vector<16xi1>, vector<16xf32>
          %reduce_or3A_419 = arith.constant true
          %reduce_or3A_420 = vector.broadcast %reduce_or3A_419 : i1 to vector<16xi1>
          %reduce_or3A_421 = tpu.scan <max>, %reduce_or3A_418 masked %reduce_or3A_420 : vector<16xf32>, vector<16xi1> -> vector<16xf32>
          %reduce_or3A_422 = vector.extract %reduce_or3A_421[15] : f32 from vector<16xf32>
          %reduce_or3A_423 = arith.constant 0.000000e+00 : f32
          %reduce_or3A_424 = arith.cmpf ogt, %reduce_or3A_422, %reduce_or3A_423 : f32
          %convert_element_type3A_425 = arith.extui %reduce_or3A_424 : i1 to i32
          %cond3A_426 = arith.constant 0 : i32
          %cond3A_427 = arith.cmpi ne, %convert_element_type3A_425, %cond3A_426 : i32
          scf.if %cond3A_427 {
            %while3A = scf.while (%while3A_484 = %not3A_344) : (vector<16xi1>) -> vector<16xi1> {
              %reduce_or3A_485 = arith.constant 1.000000e+00 : f32
              %reduce_or3A_486 = arith.constant 0.000000e+00 : f32
              %reduce_or3A_487 = vector.broadcast %reduce_or3A_485 : f32 to vector<16xf32>
              %reduce_or3A_488 = vector.broadcast %reduce_or3A_486 : f32 to vector<16xf32>
              %reduce_or3A_489 = arith.select %while3A_484, %reduce_or3A_487, %reduce_or3A_488 : vector<16xi1>, vector<16xf32>
              %reduce_or3A_490 = arith.constant true
              %reduce_or3A_491 = vector.broadcast %reduce_or3A_490 : i1 to vector<16xi1>
              %reduce_or3A_492 = tpu.scan <max>, %reduce_or3A_489 masked %reduce_or3A_491 : vector<16xf32>, vector<16xi1> -> vector<16xf32>
              %reduce_or3A_493 = vector.extract %reduce_or3A_492[15] : f32 from vector<16xf32>
              %reduce_or3A_494 = arith.constant 0.000000e+00 : f32
              %reduce_or3A_495 = arith.cmpf ogt, %reduce_or3A_493, %reduce_or3A_494 : f32
              scf.condition(%reduce_or3A_495) %while3A_484 : vector<16xi1>
            } do {
            ^bb0(%while3A_484: vector<16xi1>):
              %unique3A_485, %unique3A_486 = tpu.scan_count mask(%while3A_484 : vector<16xi1>) value(%shift_right_logical3A_176 : vector<16xi32>) : vector<16xi1>, vector<16xi32>
              %gather3A_487 = tpu.vector_load_idx %arg13[%shift_right_logical3A_176] : memref<10000xi32, #tpu.memory_space<vmem>>[vector<16xi32>], vector<16xi32>,
              %bitcast3A_488 = vector.bitcast %gather3A_487 : vector<16xi32> to vector<32xbf16>
              %max3A_489 = arith.maximumf %bitcast3A_488, %bitcast3A_224 : vector<32xbf16>
              %bitcast3A_490 = vector.bitcast %max3A_489 : vector<32xbf16> to vector<16xi32>
              tpu.vector_store_idx %arg13[%shift_right_logical3A_176], %bitcast3A_490 masked %unique3A_485 : memref<10000xi32, #tpu.memory_space<vmem>>[vector<16xi32>], vector<16xi32>, vector<16xi1>
              %gather3A_491 = tpu.vector_load_idx %arg14[%shift_right_logical3A_176] : memref<10000xi32, #tpu.memory_space<vmem>>[vector<16xi32>], vector<16xi32>,
              %bitcast3A_492 = vector.bitcast %gather3A_491 : vector<16xi32> to vector<32xbf16>
              %max3A_493 = arith.maximumf %bitcast3A_492, %bitcast3A_226 : vector<32xbf16>
              %bitcast3A_494 = vector.bitcast %max3A_493 : vector<32xbf16> to vector<16xi32>
              tpu.vector_store_idx %arg14[%shift_right_logical3A_176], %bitcast3A_494 masked %unique3A_485 : memref<10000xi32, #tpu.memory_space<vmem>>[vector<16xi32>], vector<16xi32>, vector<16xi1>
              %not3A_495 = arith.constant dense<true> : vector<16xi1>
              %not3A_496 = arith.xori %unique3A_485, %not3A_495 : vector<16xi1>
              %and3A_497 = arith.andi %while3A_484, %not3A_496 : vector<16xi1>
              scf.yield %and3A_497 : vector<16xi1>
            }
          } else {
          }
          %reduce_or3A_428 = arith.constant 1.000000e+00 : f32
          %reduce_or3A_429 = arith.constant 0.000000e+00 : f32
          %reduce_or3A_430 = vector.broadcast %reduce_or3A_428 : f32 to vector<16xf32>
          %reduce_or3A_431 = vector.broadcast %reduce_or3A_429 : f32 to vector<16xf32>
          %reduce_or3A_432 = arith.select %not3A_346, %reduce_or3A_430, %reduce_or3A_431 : vector<16xi1>, vector<16xf32>
          %reduce_or3A_433 = arith.constant true
          %reduce_or3A_434 = vector.broadcast %reduce_or3A_433 : i1 to vector<16xi1>
          %reduce_or3A_435 = tpu.scan <max>, %reduce_or3A_432 masked %reduce_or3A_434 : vector<16xf32>, vector<16xi1> -> vector<16xf32>
          %reduce_or3A_436 = vector.extract %reduce_or3A_435[15] : f32 from vector<16xf32>
          %reduce_or3A_437 = arith.constant 0.000000e+00 : f32
          %reduce_or3A_438 = arith.cmpf ogt, %reduce_or3A_436, %reduce_or3A_437 : f32
          %convert_element_type3A_439 = arith.extui %reduce_or3A_438 : i1 to i32
          %cond3A_440 = arith.constant 0 : i32
          %cond3A_441 = arith.cmpi ne, %convert_element_type3A_439, %cond3A_440 : i32
          scf.if %cond3A_441 {
            %while3A = scf.while (%while3A_484 = %not3A_346) : (vector<16xi1>) -> vector<16xi1> {
              %reduce_or3A_485 = arith.constant 1.000000e+00 : f32
              %reduce_or3A_486 = arith.constant 0.000000e+00 : f32
              %reduce_or3A_487 = vector.broadcast %reduce_or3A_485 : f32 to vector<16xf32>
              %reduce_or3A_488 = vector.broadcast %reduce_or3A_486 : f32 to vector<16xf32>
              %reduce_or3A_489 = arith.select %while3A_484, %reduce_or3A_487, %reduce_or3A_488 : vector<16xi1>, vector<16xf32>
              %reduce_or3A_490 = arith.constant true
              %reduce_or3A_491 = vector.broadcast %reduce_or3A_490 : i1 to vector<16xi1>
              %reduce_or3A_492 = tpu.scan <max>, %reduce_or3A_489 masked %reduce_or3A_491 : vector<16xf32>, vector<16xi1> -> vector<16xf32>
              %reduce_or3A_493 = vector.extract %reduce_or3A_492[15] : f32 from vector<16xf32>
              %reduce_or3A_494 = arith.constant 0.000000e+00 : f32
              %reduce_or3A_495 = arith.cmpf ogt, %reduce_or3A_493, %reduce_or3A_494 : f32
              scf.condition(%reduce_or3A_495) %while3A_484 : vector<16xi1>
            } do {
            ^bb0(%while3A_484: vector<16xi1>):
              %unique3A_485, %unique3A_486 = tpu.scan_count mask(%while3A_484 : vector<16xi1>) value(%shift_right_logical3A_179 : vector<16xi32>) : vector<16xi1>, vector<16xi32>
              %gather3A_487 = tpu.vector_load_idx %arg7[%shift_right_logical3A_179] : memref<10000xi32, #tpu.memory_space<vmem>>[vector<16xi32>], vector<16xi32>,
              %bitcast3A_488 = vector.bitcast %gather3A_487 : vector<16xi32> to vector<32xbf16>
              %max3A_489 = arith.maximumf %bitcast3A_488, %bitcast3A_228 : vector<32xbf16>
              %bitcast3A_490 = vector.bitcast %max3A_489 : vector<32xbf16> to vector<16xi32>
              tpu.vector_store_idx %arg7[%shift_right_logical3A_179], %bitcast3A_490 masked %unique3A_485 : memref<10000xi32, #tpu.memory_space<vmem>>[vector<16xi32>], vector<16xi32>, vector<16xi1>
              %gather3A_491 = tpu.vector_load_idx %arg8[%shift_right_logical3A_179] : memref<10000xi32, #tpu.memory_space<vmem>>[vector<16xi32>], vector<16xi32>,
              %bitcast3A_492 = vector.bitcast %gather3A_491 : vector<16xi32> to vector<32xbf16>
              %max3A_493 = arith.maximumf %bitcast3A_492, %bitcast3A_230 : vector<32xbf16>
              %bitcast3A_494 = vector.bitcast %max3A_493 : vector<32xbf16> to vector<16xi32>
              tpu.vector_store_idx %arg8[%shift_right_logical3A_179], %bitcast3A_494 masked %unique3A_485 : memref<10000xi32, #tpu.memory_space<vmem>>[vector<16xi32>], vector<16xi32>, vector<16xi1>
              %not3A_495 = arith.constant dense<true> : vector<16xi1>
              %not3A_496 = arith.xori %unique3A_485, %not3A_495 : vector<16xi1>
              %and3A_497 = arith.andi %while3A_484, %not3A_496 : vector<16xi1>
              scf.yield %and3A_497 : vector<16xi1>
            }
          } else {
          }
          %reduce_or3A_442 = arith.constant 1.000000e+00 : f32
          %reduce_or3A_443 = arith.constant 0.000000e+00 : f32
          %reduce_or3A_444 = vector.broadcast %reduce_or3A_442 : f32 to vector<16xf32>
          %reduce_or3A_445 = vector.broadcast %reduce_or3A_443 : f32 to vector<16xf32>
          %reduce_or3A_446 = arith.select %not3A_348, %reduce_or3A_444, %reduce_or3A_445 : vector<16xi1>, vector<16xf32>
          %reduce_or3A_447 = arith.constant true
          %reduce_or3A_448 = vector.broadcast %reduce_or3A_447 : i1 to vector<16xi1>
          %reduce_or3A_449 = tpu.scan <max>, %reduce_or3A_446 masked %reduce_or3A_448 : vector<16xf32>, vector<16xi1> -> vector<16xf32>
          %reduce_or3A_450 = vector.extract %reduce_or3A_449[15] : f32 from vector<16xf32>
          %reduce_or3A_451 = arith.constant 0.000000e+00 : f32
          %reduce_or3A_452 = arith.cmpf ogt, %reduce_or3A_450, %reduce_or3A_451 : f32
          %convert_element_type3A_453 = arith.extui %reduce_or3A_452 : i1 to i32
          %cond3A_454 = arith.constant 0 : i32
          %cond3A_455 = arith.cmpi ne, %convert_element_type3A_453, %cond3A_454 : i32
          scf.if %cond3A_455 {
            %while3A = scf.while (%while3A_484 = %not3A_348) : (vector<16xi1>) -> vector<16xi1> {
              %reduce_or3A_485 = arith.constant 1.000000e+00 : f32
              %reduce_or3A_486 = arith.constant 0.000000e+00 : f32
              %reduce_or3A_487 = vector.broadcast %reduce_or3A_485 : f32 to vector<16xf32>
              %reduce_or3A_488 = vector.broadcast %reduce_or3A_486 : f32 to vector<16xf32>
              %reduce_or3A_489 = arith.select %while3A_484, %reduce_or3A_487, %reduce_or3A_488 : vector<16xi1>, vector<16xf32>
              %reduce_or3A_490 = arith.constant true
              %reduce_or3A_491 = vector.broadcast %reduce_or3A_490 : i1 to vector<16xi1>
              %reduce_or3A_492 = tpu.scan <max>, %reduce_or3A_489 masked %reduce_or3A_491 : vector<16xf32>, vector<16xi1> -> vector<16xf32>
              %reduce_or3A_493 = vector.extract %reduce_or3A_492[15] : f32 from vector<16xf32>
              %reduce_or3A_494 = arith.constant 0.000000e+00 : f32
              %reduce_or3A_495 = arith.cmpf ogt, %reduce_or3A_493, %reduce_or3A_494 : f32
              scf.condition(%reduce_or3A_495) %while3A_484 : vector<16xi1>
            } do {
            ^bb0(%while3A_484: vector<16xi1>):
              %unique3A_485, %unique3A_486 = tpu.scan_count mask(%while3A_484 : vector<16xi1>) value(%shift_right_logical3A_182 : vector<16xi32>) : vector<16xi1>, vector<16xi32>
              %gather3A_487 = tpu.vector_load_idx %arg9[%shift_right_logical3A_182] : memref<10000xi32, #tpu.memory_space<vmem>>[vector<16xi32>], vector<16xi32>,
              %bitcast3A_488 = vector.bitcast %gather3A_487 : vector<16xi32> to vector<32xbf16>
              %max3A_489 = arith.maximumf %bitcast3A_488, %bitcast3A_232 : vector<32xbf16>
              %bitcast3A_490 = vector.bitcast %max3A_489 : vector<32xbf16> to vector<16xi32>
              tpu.vector_store_idx %arg9[%shift_right_logical3A_182], %bitcast3A_490 masked %unique3A_485 : memref<10000xi32, #tpu.memory_space<vmem>>[vector<16xi32>], vector<16xi32>, vector<16xi1>
              %gather3A_491 = tpu.vector_load_idx %arg10[%shift_right_logical3A_182] : memref<10000xi32, #tpu.memory_space<vmem>>[vector<16xi32>], vector<16xi32>,
              %bitcast3A_492 = vector.bitcast %gather3A_491 : vector<16xi32> to vector<32xbf16>
              %max3A_493 = arith.maximumf %bitcast3A_492, %bitcast3A_234 : vector<32xbf16>
              %bitcast3A_494 = vector.bitcast %max3A_493 : vector<32xbf16> to vector<16xi32>
              tpu.vector_store_idx %arg10[%shift_right_logical3A_182], %bitcast3A_494 masked %unique3A_485 : memref<10000xi32, #tpu.memory_space<vmem>>[vector<16xi32>], vector<16xi32>, vector<16xi1>
              %not3A_495 = arith.constant dense<true> : vector<16xi1>
              %not3A_496 = arith.xori %unique3A_485, %not3A_495 : vector<16xi1>
              %and3A_497 = arith.andi %while3A_484, %not3A_496 : vector<16xi1>
              scf.yield %and3A_497 : vector<16xi1>
            }
          } else {
          }
          %reduce_or3A_456 = arith.constant 1.000000e+00 : f32
          %reduce_or3A_457 = arith.constant 0.000000e+00 : f32
          %reduce_or3A_458 = vector.broadcast %reduce_or3A_456 : f32 to vector<16xf32>
          %reduce_or3A_459 = vector.broadcast %reduce_or3A_457 : f32 to vector<16xf32>
          %reduce_or3A_460 = arith.select %not3A_350, %reduce_or3A_458, %reduce_or3A_459 : vector<16xi1>, vector<16xf32>
          %reduce_or3A_461 = arith.constant true
          %reduce_or3A_462 = vector.broadcast %reduce_or3A_461 : i1 to vector<16xi1>
          %reduce_or3A_463 = tpu.scan <max>, %reduce_or3A_460 masked %reduce_or3A_462 : vector<16xf32>, vector<16xi1> -> vector<16xf32>
          %reduce_or3A_464 = vector.extract %reduce_or3A_463[15] : f32 from vector<16xf32>
          %reduce_or3A_465 = arith.constant 0.000000e+00 : f32
          %reduce_or3A_466 = arith.cmpf ogt, %reduce_or3A_464, %reduce_or3A_465 : f32
          %convert_element_type3A_467 = arith.extui %reduce_or3A_466 : i1 to i32
          %cond3A_468 = arith.constant 0 : i32
          %cond3A_469 = arith.cmpi ne, %convert_element_type3A_467, %cond3A_468 : i32
          scf.if %cond3A_469 {
            %while3A = scf.while (%while3A_484 = %not3A_350) : (vector<16xi1>) -> vector<16xi1> {
              %reduce_or3A_485 = arith.constant 1.000000e+00 : f32
              %reduce_or3A_486 = arith.constant 0.000000e+00 : f32
              %reduce_or3A_487 = vector.broadcast %reduce_or3A_485 : f32 to vector<16xf32>
              %reduce_or3A_488 = vector.broadcast %reduce_or3A_486 : f32 to vector<16xf32>
              %reduce_or3A_489 = arith.select %while3A_484, %reduce_or3A_487, %reduce_or3A_488 : vector<16xi1>, vector<16xf32>
              %reduce_or3A_490 = arith.constant true
              %reduce_or3A_491 = vector.broadcast %reduce_or3A_490 : i1 to vector<16xi1>
              %reduce_or3A_492 = tpu.scan <max>, %reduce_or3A_489 masked %reduce_or3A_491 : vector<16xf32>, vector<16xi1> -> vector<16xf32>
              %reduce_or3A_493 = vector.extract %reduce_or3A_492[15] : f32 from vector<16xf32>
              %reduce_or3A_494 = arith.constant 0.000000e+00 : f32
              %reduce_or3A_495 = arith.cmpf ogt, %reduce_or3A_493, %reduce_or3A_494 : f32
              scf.condition(%reduce_or3A_495) %while3A_484 : vector<16xi1>
            } do {
            ^bb0(%while3A_484: vector<16xi1>):
              %unique3A_485, %unique3A_486 = tpu.scan_count mask(%while3A_484 : vector<16xi1>) value(%shift_right_logical3A_185 : vector<16xi32>) : vector<16xi1>, vector<16xi32>
              %gather3A_487 = tpu.vector_load_idx %arg11[%shift_right_logical3A_185] : memref<10000xi32, #tpu.memory_space<vmem>>[vector<16xi32>], vector<16xi32>,
              %bitcast3A_488 = vector.bitcast %gather3A_487 : vector<16xi32> to vector<32xbf16>
              %max3A_489 = arith.maximumf %bitcast3A_488, %bitcast3A_236 : vector<32xbf16>
              %bitcast3A_490 = vector.bitcast %max3A_489 : vector<32xbf16> to vector<16xi32>
              tpu.vector_store_idx %arg11[%shift_right_logical3A_185], %bitcast3A_490 masked %unique3A_485 : memref<10000xi32, #tpu.memory_space<vmem>>[vector<16xi32>], vector<16xi32>, vector<16xi1>
              %gather3A_491 = tpu.vector_load_idx %arg12[%shift_right_logical3A_185] : memref<10000xi32, #tpu.memory_space<vmem>>[vector<16xi32>], vector<16xi32>,
              %bitcast3A_492 = vector.bitcast %gather3A_491 : vector<16xi32> to vector<32xbf16>
              %max3A_493 = arith.maximumf %bitcast3A_492, %bitcast3A_238 : vector<32xbf16>
              %bitcast3A_494 = vector.bitcast %max3A_493 : vector<32xbf16> to vector<16xi32>
              tpu.vector_store_idx %arg12[%shift_right_logical3A_185], %bitcast3A_494 masked %unique3A_485 : memref<10000xi32, #tpu.memory_space<vmem>>[vector<16xi32>], vector<16xi32>, vector<16xi1>
              %not3A_495 = arith.constant dense<true> : vector<16xi1>
              %not3A_496 = arith.xori %unique3A_485, %not3A_495 : vector<16xi1>
              %and3A_497 = arith.andi %while3A_484, %not3A_496 : vector<16xi1>
              scf.yield %and3A_497 : vector<16xi1>
            }
          } else {
          }
          %reduce_or3A_470 = arith.constant 1.000000e+00 : f32
          %reduce_or3A_471 = arith.constant 0.000000e+00 : f32
          %reduce_or3A_472 = vector.broadcast %reduce_or3A_470 : f32 to vector<16xf32>
          %reduce_or3A_473 = vector.broadcast %reduce_or3A_471 : f32 to vector<16xf32>
          %reduce_or3A_474 = arith.select %not3A_352, %reduce_or3A_472, %reduce_or3A_473 : vector<16xi1>, vector<16xf32>
          %reduce_or3A_475 = arith.constant true
          %reduce_or3A_476 = vector.broadcast %reduce_or3A_475 : i1 to vector<16xi1>
          %reduce_or3A_477 = tpu.scan <max>, %reduce_or3A_474 masked %reduce_or3A_476 : vector<16xf32>, vector<16xi1> -> vector<16xf32>
          %reduce_or3A_478 = vector.extract %reduce_or3A_477[15] : f32 from vector<16xf32>
          %reduce_or3A_479 = arith.constant 0.000000e+00 : f32
          %reduce_or3A_480 = arith.cmpf ogt, %reduce_or3A_478, %reduce_or3A_479 : f32
          %convert_element_type3A_481 = arith.extui %reduce_or3A_480 : i1 to i32
          %cond3A_482 = arith.constant 0 : i32
          %cond3A_483 = arith.cmpi ne, %convert_element_type3A_481, %cond3A_482 : i32
          scf.if %cond3A_483 {
            %while3A = scf.while (%while3A_484 = %not3A_352) : (vector<16xi1>) -> vector<16xi1> {
              %reduce_or3A_485 = arith.constant 1.000000e+00 : f32
              %reduce_or3A_486 = arith.constant 0.000000e+00 : f32
              %reduce_or3A_487 = vector.broadcast %reduce_or3A_485 : f32 to vector<16xf32>
              %reduce_or3A_488 = vector.broadcast %reduce_or3A_486 : f32 to vector<16xf32>
              %reduce_or3A_489 = arith.select %while3A_484, %reduce_or3A_487, %reduce_or3A_488 : vector<16xi1>, vector<16xf32>
              %reduce_or3A_490 = arith.constant true
              %reduce_or3A_491 = vector.broadcast %reduce_or3A_490 : i1 to vector<16xi1>
              %reduce_or3A_492 = tpu.scan <max>, %reduce_or3A_489 masked %reduce_or3A_491 : vector<16xf32>, vector<16xi1> -> vector<16xf32>
              %reduce_or3A_493 = vector.extract %reduce_or3A_492[15] : f32 from vector<16xf32>
              %reduce_or3A_494 = arith.constant 0.000000e+00 : f32
              %reduce_or3A_495 = arith.cmpf ogt, %reduce_or3A_493, %reduce_or3A_494 : f32
              scf.condition(%reduce_or3A_495) %while3A_484 : vector<16xi1>
            } do {
            ^bb0(%while3A_484: vector<16xi1>):
              %unique3A_485, %unique3A_486 = tpu.scan_count mask(%while3A_484 : vector<16xi1>) value(%shift_right_logical3A_188 : vector<16xi32>) : vector<16xi1>, vector<16xi32>
              %gather3A_487 = tpu.vector_load_idx %arg13[%shift_right_logical3A_188] : memref<10000xi32, #tpu.memory_space<vmem>>[vector<16xi32>], vector<16xi32>,
              %bitcast3A_488 = vector.bitcast %gather3A_487 : vector<16xi32> to vector<32xbf16>
              %max3A_489 = arith.maximumf %bitcast3A_488, %bitcast3A_240 : vector<32xbf16>
              %bitcast3A_490 = vector.bitcast %max3A_489 : vector<32xbf16> to vector<16xi32>
              tpu.vector_store_idx %arg13[%shift_right_logical3A_188], %bitcast3A_490 masked %unique3A_485 : memref<10000xi32, #tpu.memory_space<vmem>>[vector<16xi32>], vector<16xi32>, vector<16xi1>
              %gather3A_491 = tpu.vector_load_idx %arg14[%shift_right_logical3A_188] : memref<10000xi32, #tpu.memory_space<vmem>>[vector<16xi32>], vector<16xi32>,
              %bitcast3A_492 = vector.bitcast %gather3A_491 : vector<16xi32> to vector<32xbf16>
              %max3A_493 = arith.maximumf %bitcast3A_492, %bitcast3A_242 : vector<32xbf16>
              %bitcast3A_494 = vector.bitcast %max3A_493 : vector<32xbf16> to vector<16xi32>
              tpu.vector_store_idx %arg14[%shift_right_logical3A_188], %bitcast3A_494 masked %unique3A_485 : memref<10000xi32, #tpu.memory_space<vmem>>[vector<16xi32>], vector<16xi32>, vector<16xi1>
              %not3A_495 = arith.constant dense<true> : vector<16xi1>
              %not3A_496 = arith.xori %unique3A_485, %not3A_495 : vector<16xi1>
              %and3A_497 = arith.andi %while3A_484, %not3A_496 : vector<16xi1>
              scf.yield %and3A_497 : vector<16xi1>
            }
          } else {
          }
        } else {
        }
      }
      %scan3A_114 = arith.constant 50 : i32
      %lt3A = arith.constant 24 : i32
      %lt3A_115 = arith.cmpi slt, %scan3A_95, %lt3A : i32
      %convert_element_type3A = arith.extui %lt3A_115 : i1 to i32
      %cond3A = arith.constant 0 : i32
      %cond3A_116 = arith.cmpi ne, %convert_element_type3A, %cond3A : i32
      scf.if %cond3A_116 {
        %mul3A_131 = arith.constant 2 : i32
        %mul3A_132 = arith.muli %mul3A_131, %scan3A_95 : i32
        %add3A_133 = arith.constant 2 : i32
        %add3A_134 = arith.addi %mul3A_132, %add3A_133 : i32
        %mul3A_135 = arith.constant 6400 : i32
        %mul3A_136 = arith.muli %add3A_134, %mul3A_135 : i32
        %dma_start3A_137 = tpu.memref_slice %arg3[%mul3A_136] : memref<320000xi32, #tpu.memory_space<hbm>> -> memref<6400xi32, #tpu.memory_space<hbm>>
        %dma_start3A_138 = tpu.memref_slice %arg3[%mul3A_136] : memref<320000xi32, #tpu.memory_space<hbm>> -> memref<6400xi32, #tpu.memory_space<hbm>>
        tpu.enqueue_dma source(%dma_start3A_138 : memref<6400xi32, #tpu.memory_space<hbm>>) target(%arg15 : memref<6400xi32, #tpu.memory_space<vmem>>) target_semaphore(%arg17 : memref<!tpu.dma_semaphore, #tpu.memory_space<semaphore_mem>>)
      } else {
      }
      %mul3A_117 = arith.constant 2 : i32
      %mul3A_118 = arith.muli %mul3A_117, %scan3A_95 : i32
      %add3A_119 = arith.constant 1 : i32
      %add3A_120 = arith.addi %mul3A_118, %add3A_119 : i32
      %mul3A_121 = arith.constant 6400 : i32
      %mul3A_122 = arith.muli %add3A_120, %mul3A_121 : i32
      %dma_wait3A_123 = tpu.memref_slice %arg3[%mul3A_122] : memref<320000xi32, #tpu.memory_space<hbm>> -> memref<6400xi32, #tpu.memory_space<hbm>>
      %dma_wait3A_124 = tpu.memref_slice %arg3[%mul3A_122] : memref<320000xi32, #tpu.memory_space<hbm>> -> memref<6400xi32, #tpu.memory_space<hbm>>
      tpu.wait_dma2 semaphore(%arg18 : memref<!tpu.dma_semaphore, #tpu.memory_space<semaphore_mem>>) src(%dma_wait3A_124 : memref<6400xi32, #tpu.memory_space<hbm>>) dst(%arg16 : memref<6400xi32, #tpu.memory_space<vmem>>)
      %scan3A_125 = arith.constant 0 : i32
      %scan3A_126 = arith.constant 0 : i32
      %scan3A_127 = arith.constant 50 : i32
      %scan3A_128 = arith.addi %scan3A_126, %scan3A_127 : i32
      %scan3A_129 = arith.constant 1 : i32
      scf.for %scan3A_131 = %scan3A_126 to %scan3A_128 step %scan3A_129  : i32 {
        %mul3A_132 = arith.constant 128 : i32
        %mul3A_133 = arith.muli %scan3A_131, %mul3A_132 : i32
        %add3A_134 = arith.constant 0 : i32
        %add3A_135 = arith.addi %mul3A_133, %add3A_134 : i32
        %get3A_136 = arith.index_cast %add3A_135 : i32 to index
        %get3A_137 = tpu.vector_load %arg16[%get3A_136] {strides = array<i32>} : memref<6400xi32, #tpu.memory_space<vmem>>, vector<16xi32>,
        %add3A_138 = arith.constant 16 : i32
        %add3A_139 = arith.addi %mul3A_133, %add3A_138 : i32
        %get3A_140 = arith.index_cast %add3A_139 : i32 to index
        %get3A_141 = tpu.vector_load %arg16[%get3A_140] {strides = array<i32>} : memref<6400xi32, #tpu.memory_space<vmem>>, vector<16xi32>,
        %add3A_142 = arith.constant 32 : i32
        %add3A_143 = arith.addi %mul3A_133, %add3A_142 : i32
        %get3A_144 = arith.index_cast %add3A_143 : i32 to index
        %get3A_145 = tpu.vector_load %arg16[%get3A_144] {strides = array<i32>} : memref<6400xi32, #tpu.memory_space<vmem>>, vector<16xi32>,
        %add3A_146 = arith.constant 48 : i32
        %add3A_147 = arith.addi %mul3A_133, %add3A_146 : i32
        %get3A_148 = arith.index_cast %add3A_147 : i32 to index
        %get3A_149 = tpu.vector_load %arg16[%get3A_148] {strides = array<i32>} : memref<6400xi32, #tpu.memory_space<vmem>>, vector<16xi32>,
        %add3A_150 = arith.constant 64 : i32
        %add3A_151 = arith.addi %mul3A_133, %add3A_150 : i32
        %get3A_152 = arith.index_cast %add3A_151 : i32 to index
        %get3A_153 = tpu.vector_load %arg16[%get3A_152] {strides = array<i32>} : memref<6400xi32, #tpu.memory_space<vmem>>, vector<16xi32>,
        %add3A_154 = arith.constant 80 : i32
        %add3A_155 = arith.addi %mul3A_133, %add3A_154 : i32
        %get3A_156 = arith.index_cast %add3A_155 : i32 to index
        %get3A_157 = tpu.vector_load %arg16[%get3A_156] {strides = array<i32>} : memref<6400xi32, #tpu.memory_space<vmem>>, vector<16xi32>,
        %add3A_158 = arith.constant 96 : i32
        %add3A_159 = arith.addi %mul3A_133, %add3A_158 : i32
        %get3A_160 = arith.index_cast %add3A_159 : i32 to index
        %get3A_161 = tpu.vector_load %arg16[%get3A_160] {strides = array<i32>} : memref<6400xi32, #tpu.memory_space<vmem>>, vector<16xi32>,
        %add3A_162 = arith.constant 112 : i32
        %add3A_163 = arith.addi %mul3A_133, %add3A_162 : i32
        %get3A_164 = arith.index_cast %add3A_163 : i32 to index
        %get3A_165 = tpu.vector_load %arg16[%get3A_164] {strides = array<i32>} : memref<6400xi32, #tpu.memory_space<vmem>>, vector<16xi32>,
        %shift_right_logical3A = arith.constant 16 : i32
        %shift_right_logical3A_166 = vector.broadcast %shift_right_logical3A : i32 to vector<16xi32>
        %shift_right_logical3A_167 = arith.shrui %get3A_137, %shift_right_logical3A_166 : vector<16xi32>
        %shift_right_logical3A_168 = arith.constant 16 : i32
        %shift_right_logical3A_169 = vector.broadcast %shift_right_logical3A_168 : i32 to vector<16xi32>
        %shift_right_logical3A_170 = arith.shrui %get3A_141, %shift_right_logical3A_169 : vector<16xi32>
        %shift_right_logical3A_171 = arith.constant 16 : i32
        %shift_right_logical3A_172 = vector.broadcast %shift_right_logical3A_171 : i32 to vector<16xi32>
        %shift_right_logical3A_173 = arith.shrui %get3A_145, %shift_right_logical3A_172 : vector<16xi32>
        %shift_right_logical3A_174 = arith.constant 16 : i32
        %shift_right_logical3A_175 = vector.broadcast %shift_right_logical3A_174 : i32 to vector<16xi32>
        %shift_right_logical3A_176 = arith.shrui %get3A_149, %shift_right_logical3A_175 : vector<16xi32>
        %shift_right_logical3A_177 = arith.constant 16 : i32
        %shift_right_logical3A_178 = vector.broadcast %shift_right_logical3A_177 : i32 to vector<16xi32>
        %shift_right_logical3A_179 = arith.shrui %get3A_153, %shift_right_logical3A_178 : vector<16xi32>
        %shift_right_logical3A_180 = arith.constant 16 : i32
        %shift_right_logical3A_181 = vector.broadcast %shift_right_logical3A_180 : i32 to vector<16xi32>
        %shift_right_logical3A_182 = arith.shrui %get3A_157, %shift_right_logical3A_181 : vector<16xi32>
        %shift_right_logical3A_183 = arith.constant 16 : i32
        %shift_right_logical3A_184 = vector.broadcast %shift_right_logical3A_183 : i32 to vector<16xi32>
        %shift_right_logical3A_185 = arith.shrui %get3A_161, %shift_right_logical3A_184 : vector<16xi32>
        %shift_right_logical3A_186 = arith.constant 16 : i32
        %shift_right_logical3A_187 = vector.broadcast %shift_right_logical3A_186 : i32 to vector<16xi32>
        %shift_right_logical3A_188 = arith.shrui %get3A_165, %shift_right_logical3A_187 : vector<16xi32>
        %and3A = arith.constant 65535 : i32
        %and3A_189 = vector.broadcast %and3A : i32 to vector<16xi32>
        %and3A_190 = arith.andi %get3A_137, %and3A_189 : vector<16xi32>
        %and3A_191 = arith.constant 65535 : i32
        %and3A_192 = vector.broadcast %and3A_191 : i32 to vector<16xi32>
        %and3A_193 = arith.andi %get3A_141, %and3A_192 : vector<16xi32>
        %and3A_194 = arith.constant 65535 : i32
        %and3A_195 = vector.broadcast %and3A_194 : i32 to vector<16xi32>
        %and3A_196 = arith.andi %get3A_145, %and3A_195 : vector<16xi32>
        %and3A_197 = arith.constant 65535 : i32
        %and3A_198 = vector.broadcast %and3A_197 : i32 to vector<16xi32>
        %and3A_199 = arith.andi %get3A_149, %and3A_198 : vector<16xi32>
        %and3A_200 = arith.constant 65535 : i32
        %and3A_201 = vector.broadcast %and3A_200 : i32 to vector<16xi32>
        %and3A_202 = arith.andi %get3A_153, %and3A_201 : vector<16xi32>
        %and3A_203 = arith.constant 65535 : i32
        %and3A_204 = vector.broadcast %and3A_203 : i32 to vector<16xi32>
        %and3A_205 = arith.andi %get3A_157, %and3A_204 : vector<16xi32>
        %and3A_206 = arith.constant 65535 : i32
        %and3A_207 = vector.broadcast %and3A_206 : i32 to vector<16xi32>
        %and3A_208 = arith.andi %get3A_161, %and3A_207 : vector<16xi32>
        %and3A_209 = arith.constant 65535 : i32
        %and3A_210 = vector.broadcast %and3A_209 : i32 to vector<16xi32>
        %and3A_211 = arith.andi %get3A_165, %and3A_210 : vector<16xi32>
        %gather3A = tpu.vector_load_idx %arg5[%and3A_190] : memref<10000xi32, #tpu.memory_space<vmem>>[vector<16xi32>], vector<16xi32>,
        %bitcast3A_212 = vector.bitcast %gather3A : vector<16xi32> to vector<32xbf16>
        %gather3A_213 = tpu.vector_load_idx %arg6[%and3A_190] : memref<10000xi32, #tpu.memory_space<vmem>>[vector<16xi32>], vector<16xi32>,
        %bitcast3A_214 = vector.bitcast %gather3A_213 : vector<16xi32> to vector<32xbf16>
        %gather3A_215 = tpu.vector_load_idx %arg5[%and3A_193] : memref<10000xi32, #tpu.memory_space<vmem>>[vector<16xi32>], vector<16xi32>,
        %bitcast3A_216 = vector.bitcast %gather3A_215 : vector<16xi32> to vector<32xbf16>
        %gather3A_217 = tpu.vector_load_idx %arg6[%and3A_193] : memref<10000xi32, #tpu.memory_space<vmem>>[vector<16xi32>], vector<16xi32>,
        %bitcast3A_218 = vector.bitcast %gather3A_217 : vector<16xi32> to vector<32xbf16>
        %gather3A_219 = tpu.vector_load_idx %arg5[%and3A_196] : memref<10000xi32, #tpu.memory_space<vmem>>[vector<16xi32>], vector<16xi32>,
        %bitcast3A_220 = vector.bitcast %gather3A_219 : vector<16xi32> to vector<32xbf16>
        %gather3A_221 = tpu.vector_load_idx %arg6[%and3A_196] : memref<10000xi32, #tpu.memory_space<vmem>>[vector<16xi32>], vector<16xi32>,
        %bitcast3A_222 = vector.bitcast %gather3A_221 : vector<16xi32> to vector<32xbf16>
        %gather3A_223 = tpu.vector_load_idx %arg5[%and3A_199] : memref<10000xi32, #tpu.memory_space<vmem>>[vector<16xi32>], vector<16xi32>,
        %bitcast3A_224 = vector.bitcast %gather3A_223 : vector<16xi32> to vector<32xbf16>
        %gather3A_225 = tpu.vector_load_idx %arg6[%and3A_199] : memref<10000xi32, #tpu.memory_space<vmem>>[vector<16xi32>], vector<16xi32>,
        %bitcast3A_226 = vector.bitcast %gather3A_225 : vector<16xi32> to vector<32xbf16>
        %gather3A_227 = tpu.vector_load_idx %arg5[%and3A_202] : memref<10000xi32, #tpu.memory_space<vmem>>[vector<16xi32>], vector<16xi32>,
        %bitcast3A_228 = vector.bitcast %gather3A_227 : vector<16xi32> to vector<32xbf16>
        %gather3A_229 = tpu.vector_load_idx %arg6[%and3A_202] : memref<10000xi32, #tpu.memory_space<vmem>>[vector<16xi32>], vector<16xi32>,
        %bitcast3A_230 = vector.bitcast %gather3A_229 : vector<16xi32> to vector<32xbf16>
        %gather3A_231 = tpu.vector_load_idx %arg5[%and3A_205] : memref<10000xi32, #tpu.memory_space<vmem>>[vector<16xi32>], vector<16xi32>,
        %bitcast3A_232 = vector.bitcast %gather3A_231 : vector<16xi32> to vector<32xbf16>
        %gather3A_233 = tpu.vector_load_idx %arg6[%and3A_205] : memref<10000xi32, #tpu.memory_space<vmem>>[vector<16xi32>], vector<16xi32>,
        %bitcast3A_234 = vector.bitcast %gather3A_233 : vector<16xi32> to vector<32xbf16>
        %gather3A_235 = tpu.vector_load_idx %arg5[%and3A_208] : memref<10000xi32, #tpu.memory_space<vmem>>[vector<16xi32>], vector<16xi32>,
        %bitcast3A_236 = vector.bitcast %gather3A_235 : vector<16xi32> to vector<32xbf16>
        %gather3A_237 = tpu.vector_load_idx %arg6[%and3A_208] : memref<10000xi32, #tpu.memory_space<vmem>>[vector<16xi32>], vector<16xi32>,
        %bitcast3A_238 = vector.bitcast %gather3A_237 : vector<16xi32> to vector<32xbf16>
        %gather3A_239 = tpu.vector_load_idx %arg5[%and3A_211] : memref<10000xi32, #tpu.memory_space<vmem>>[vector<16xi32>], vector<16xi32>,
        %bitcast3A_240 = vector.bitcast %gather3A_239 : vector<16xi32> to vector<32xbf16>
        %gather3A_241 = tpu.vector_load_idx %arg6[%and3A_211] : memref<10000xi32, #tpu.memory_space<vmem>>[vector<16xi32>], vector<16xi32>,
        %bitcast3A_242 = vector.bitcast %gather3A_241 : vector<16xi32> to vector<32xbf16>
        %broadcast_in_dim3A_243 = arith.constant true
        %broadcast_in_dim3A_244 = vector.broadcast %broadcast_in_dim3A_243 : i1 to vector<16xi1>
        %unique3A, %unique3A_245 = tpu.scan_count mask(%broadcast_in_dim3A_244 : vector<16xi1>) value(%shift_right_logical3A_167 : vector<16xi32>) : vector<16xi1>, vector<16xi32>
        %broadcast_in_dim3A_246 = arith.constant true
        %broadcast_in_dim3A_247 = vector.broadcast %broadcast_in_dim3A_246 : i1 to vector<16xi1>
        %unique3A_248, %unique3A_249 = tpu.scan_count mask(%broadcast_in_dim3A_247 : vector<16xi1>) value(%shift_right_logical3A_170 : vector<16xi32>) : vector<16xi1>, vector<16xi32>
        %broadcast_in_dim3A_250 = arith.constant true
        %broadcast_in_dim3A_251 = vector.broadcast %broadcast_in_dim3A_250 : i1 to vector<16xi1>
        %unique3A_252, %unique3A_253 = tpu.scan_count mask(%broadcast_in_dim3A_251 : vector<16xi1>) value(%shift_right_logical3A_173 : vector<16xi32>) : vector<16xi1>, vector<16xi32>
        %broadcast_in_dim3A_254 = arith.constant true
        %broadcast_in_dim3A_255 = vector.broadcast %broadcast_in_dim3A_254 : i1 to vector<16xi1>
        %unique3A_256, %unique3A_257 = tpu.scan_count mask(%broadcast_in_dim3A_255 : vector<16xi1>) value(%shift_right_logical3A_176 : vector<16xi32>) : vector<16xi1>, vector<16xi32>
        %broadcast_in_dim3A_258 = arith.constant true
        %broadcast_in_dim3A_259 = vector.broadcast %broadcast_in_dim3A_258 : i1 to vector<16xi1>
        %unique3A_260, %unique3A_261 = tpu.scan_count mask(%broadcast_in_dim3A_259 : vector<16xi1>) value(%shift_right_logical3A_179 : vector<16xi32>) : vector<16xi1>, vector<16xi32>
        %broadcast_in_dim3A_262 = arith.constant true
        %broadcast_in_dim3A_263 = vector.broadcast %broadcast_in_dim3A_262 : i1 to vector<16xi1>
        %unique3A_264, %unique3A_265 = tpu.scan_count mask(%broadcast_in_dim3A_263 : vector<16xi1>) value(%shift_right_logical3A_182 : vector<16xi32>) : vector<16xi1>, vector<16xi32>
        %broadcast_in_dim3A_266 = arith.constant true
        %broadcast_in_dim3A_267 = vector.broadcast %broadcast_in_dim3A_266 : i1 to vector<16xi1>
        %unique3A_268, %unique3A_269 = tpu.scan_count mask(%broadcast_in_dim3A_267 : vector<16xi1>) value(%shift_right_logical3A_185 : vector<16xi32>) : vector<16xi1>, vector<16xi32>
        %broadcast_in_dim3A_270 = arith.constant true
        %broadcast_in_dim3A_271 = vector.broadcast %broadcast_in_dim3A_270 : i1 to vector<16xi1>
        %unique3A_272, %unique3A_273 = tpu.scan_count mask(%broadcast_in_dim3A_271 : vector<16xi1>) value(%shift_right_logical3A_188 : vector<16xi32>) : vector<16xi1>, vector<16xi32>
        %gather3A_274 = tpu.vector_load_idx %arg7[%shift_right_logical3A_167] : memref<10000xi32, #tpu.memory_space<vmem>>[vector<16xi32>], vector<16xi32>,
        %bitcast3A_275 = vector.bitcast %gather3A_274 : vector<16xi32> to vector<32xbf16>
        %gather3A_276 = tpu.vector_load_idx %arg8[%shift_right_logical3A_167] : memref<10000xi32, #tpu.memory_space<vmem>>[vector<16xi32>], vector<16xi32>,
        %bitcast3A_277 = vector.bitcast %gather3A_276 : vector<16xi32> to vector<32xbf16>
        %gather3A_278 = tpu.vector_load_idx %arg9[%shift_right_logical3A_170] : memref<10000xi32, #tpu.memory_space<vmem>>[vector<16xi32>], vector<16xi32>,
        %bitcast3A_279 = vector.bitcast %gather3A_278 : vector<16xi32> to vector<32xbf16>
        %gather3A_280 = tpu.vector_load_idx %arg10[%shift_right_logical3A_170] : memref<10000xi32, #tpu.memory_space<vmem>>[vector<16xi32>], vector<16xi32>,
        %bitcast3A_281 = vector.bitcast %gather3A_280 : vector<16xi32> to vector<32xbf16>
        %gather3A_282 = tpu.vector_load_idx %arg11[%shift_right_logical3A_173] : memref<10000xi32, #tpu.memory_space<vmem>>[vector<16xi32>], vector<16xi32>,
        %bitcast3A_283 = vector.bitcast %gather3A_282 : vector<16xi32> to vector<32xbf16>
        %gather3A_284 = tpu.vector_load_idx %arg12[%shift_right_logical3A_173] : memref<10000xi32, #tpu.memory_space<vmem>>[vector<16xi32>], vector<16xi32>,
        %bitcast3A_285 = vector.bitcast %gather3A_284 : vector<16xi32> to vector<32xbf16>
        %gather3A_286 = tpu.vector_load_idx %arg13[%shift_right_logical3A_176] : memref<10000xi32, #tpu.memory_space<vmem>>[vector<16xi32>], vector<16xi32>,
        %bitcast3A_287 = vector.bitcast %gather3A_286 : vector<16xi32> to vector<32xbf16>
        %gather3A_288 = tpu.vector_load_idx %arg14[%shift_right_logical3A_176] : memref<10000xi32, #tpu.memory_space<vmem>>[vector<16xi32>], vector<16xi32>,
        %bitcast3A_289 = vector.bitcast %gather3A_288 : vector<16xi32> to vector<32xbf16>
        %max3A_290 = arith.maximumf %bitcast3A_275, %bitcast3A_212 : vector<32xbf16>
        %bitcast3A_291 = vector.bitcast %max3A_290 : vector<32xbf16> to vector<16xi32>
        tpu.vector_store_idx %arg7[%shift_right_logical3A_167], %bitcast3A_291 masked %unique3A : memref<10000xi32, #tpu.memory_space<vmem>>[vector<16xi32>], vector<16xi32>, vector<16xi1>
        %max3A_292 = arith.maximumf %bitcast3A_277, %bitcast3A_214 : vector<32xbf16>
        %bitcast3A_293 = vector.bitcast %max3A_292 : vector<32xbf16> to vector<16xi32>
        tpu.vector_store_idx %arg8[%shift_right_logical3A_167], %bitcast3A_293 masked %unique3A : memref<10000xi32, #tpu.memory_space<vmem>>[vector<16xi32>], vector<16xi32>, vector<16xi1>
        %max3A_294 = arith.maximumf %bitcast3A_279, %bitcast3A_216 : vector<32xbf16>
        %bitcast3A_295 = vector.bitcast %max3A_294 : vector<32xbf16> to vector<16xi32>
        tpu.vector_store_idx %arg9[%shift_right_logical3A_170], %bitcast3A_295 masked %unique3A_248 : memref<10000xi32, #tpu.memory_space<vmem>>[vector<16xi32>], vector<16xi32>, vector<16xi1>
        %max3A_296 = arith.maximumf %bitcast3A_281, %bitcast3A_218 : vector<32xbf16>
        %bitcast3A_297 = vector.bitcast %max3A_296 : vector<32xbf16> to vector<16xi32>
        tpu.vector_store_idx %arg10[%shift_right_logical3A_170], %bitcast3A_297 masked %unique3A_248 : memref<10000xi32, #tpu.memory_space<vmem>>[vector<16xi32>], vector<16xi32>, vector<16xi1>
        %max3A_298 = arith.maximumf %bitcast3A_283, %bitcast3A_220 : vector<32xbf16>
        %bitcast3A_299 = vector.bitcast %max3A_298 : vector<32xbf16> to vector<16xi32>
        tpu.vector_store_idx %arg11[%shift_right_logical3A_173], %bitcast3A_299 masked %unique3A_252 : memref<10000xi32, #tpu.memory_space<vmem>>[vector<16xi32>], vector<16xi32>, vector<16xi1>
        %max3A_300 = arith.maximumf %bitcast3A_285, %bitcast3A_222 : vector<32xbf16>
        %bitcast3A_301 = vector.bitcast %max3A_300 : vector<32xbf16> to vector<16xi32>
        tpu.vector_store_idx %arg12[%shift_right_logical3A_173], %bitcast3A_301 masked %unique3A_252 : memref<10000xi32, #tpu.memory_space<vmem>>[vector<16xi32>], vector<16xi32>, vector<16xi1>
        %max3A_302 = arith.maximumf %bitcast3A_287, %bitcast3A_224 : vector<32xbf16>
        %bitcast3A_303 = vector.bitcast %max3A_302 : vector<32xbf16> to vector<16xi32>
        tpu.vector_store_idx %arg13[%shift_right_logical3A_176], %bitcast3A_303 masked %unique3A_256 : memref<10000xi32, #tpu.memory_space<vmem>>[vector<16xi32>], vector<16xi32>, vector<16xi1>
        %max3A_304 = arith.maximumf %bitcast3A_289, %bitcast3A_226 : vector<32xbf16>
        %bitcast3A_305 = vector.bitcast %max3A_304 : vector<32xbf16> to vector<16xi32>
        tpu.vector_store_idx %arg14[%shift_right_logical3A_176], %bitcast3A_305 masked %unique3A_256 : memref<10000xi32, #tpu.memory_space<vmem>>[vector<16xi32>], vector<16xi32>, vector<16xi1>
        %gather3A_306 = tpu.vector_load_idx %arg7[%shift_right_logical3A_179] : memref<10000xi32, #tpu.memory_space<vmem>>[vector<16xi32>], vector<16xi32>,
        %bitcast3A_307 = vector.bitcast %gather3A_306 : vector<16xi32> to vector<32xbf16>
        %gather3A_308 = tpu.vector_load_idx %arg8[%shift_right_logical3A_179] : memref<10000xi32, #tpu.memory_space<vmem>>[vector<16xi32>], vector<16xi32>,
        %bitcast3A_309 = vector.bitcast %gather3A_308 : vector<16xi32> to vector<32xbf16>
        %gather3A_310 = tpu.vector_load_idx %arg9[%shift_right_logical3A_182] : memref<10000xi32, #tpu.memory_space<vmem>>[vector<16xi32>], vector<16xi32>,
        %bitcast3A_311 = vector.bitcast %gather3A_310 : vector<16xi32> to vector<32xbf16>
        %gather3A_312 = tpu.vector_load_idx %arg10[%shift_right_logical3A_182] : memref<10000xi32, #tpu.memory_space<vmem>>[vector<16xi32>], vector<16xi32>,
        %bitcast3A_313 = vector.bitcast %gather3A_312 : vector<16xi32> to vector<32xbf16>
        %gather3A_314 = tpu.vector_load_idx %arg11[%shift_right_logical3A_185] : memref<10000xi32, #tpu.memory_space<vmem>>[vector<16xi32>], vector<16xi32>,
        %bitcast3A_315 = vector.bitcast %gather3A_314 : vector<16xi32> to vector<32xbf16>
        %gather3A_316 = tpu.vector_load_idx %arg12[%shift_right_logical3A_185] : memref<10000xi32, #tpu.memory_space<vmem>>[vector<16xi32>], vector<16xi32>,
        %bitcast3A_317 = vector.bitcast %gather3A_316 : vector<16xi32> to vector<32xbf16>
        %gather3A_318 = tpu.vector_load_idx %arg13[%shift_right_logical3A_188] : memref<10000xi32, #tpu.memory_space<vmem>>[vector<16xi32>], vector<16xi32>,
        %bitcast3A_319 = vector.bitcast %gather3A_318 : vector<16xi32> to vector<32xbf16>
        %gather3A_320 = tpu.vector_load_idx %arg14[%shift_right_logical3A_188] : memref<10000xi32, #tpu.memory_space<vmem>>[vector<16xi32>], vector<16xi32>,
        %bitcast3A_321 = vector.bitcast %gather3A_320 : vector<16xi32> to vector<32xbf16>
        %max3A_322 = arith.maximumf %bitcast3A_307, %bitcast3A_228 : vector<32xbf16>
        %bitcast3A_323 = vector.bitcast %max3A_322 : vector<32xbf16> to vector<16xi32>
        tpu.vector_store_idx %arg7[%shift_right_logical3A_179], %bitcast3A_323 masked %unique3A_260 : memref<10000xi32, #tpu.memory_space<vmem>>[vector<16xi32>], vector<16xi32>, vector<16xi1>
        %max3A_324 = arith.maximumf %bitcast3A_309, %bitcast3A_230 : vector<32xbf16>
        %bitcast3A_325 = vector.bitcast %max3A_324 : vector<32xbf16> to vector<16xi32>
        tpu.vector_store_idx %arg8[%shift_right_logical3A_179], %bitcast3A_325 masked %unique3A_260 : memref<10000xi32, #tpu.memory_space<vmem>>[vector<16xi32>], vector<16xi32>, vector<16xi1>
        %max3A_326 = arith.maximumf %bitcast3A_311, %bitcast3A_232 : vector<32xbf16>
        %bitcast3A_327 = vector.bitcast %max3A_326 : vector<32xbf16> to vector<16xi32>
        tpu.vector_store_idx %arg9[%shift_right_logical3A_182], %bitcast3A_327 masked %unique3A_264 : memref<10000xi32, #tpu.memory_space<vmem>>[vector<16xi32>], vector<16xi32>, vector<16xi1>
        %max3A_328 = arith.maximumf %bitcast3A_313, %bitcast3A_234 : vector<32xbf16>
        %bitcast3A_329 = vector.bitcast %max3A_328 : vector<32xbf16> to vector<16xi32>
        tpu.vector_store_idx %arg10[%shift_right_logical3A_182], %bitcast3A_329 masked %unique3A_264 : memref<10000xi32, #tpu.memory_space<vmem>>[vector<16xi32>], vector<16xi32>, vector<16xi1>
        %max3A_330 = arith.maximumf %bitcast3A_315, %bitcast3A_236 : vector<32xbf16>
        %bitcast3A_331 = vector.bitcast %max3A_330 : vector<32xbf16> to vector<16xi32>
        tpu.vector_store_idx %arg11[%shift_right_logical3A_185], %bitcast3A_331 masked %unique3A_268 : memref<10000xi32, #tpu.memory_space<vmem>>[vector<16xi32>], vector<16xi32>, vector<16xi1>
        %max3A_332 = arith.maximumf %bitcast3A_317, %bitcast3A_238 : vector<32xbf16>
        %bitcast3A_333 = vector.bitcast %max3A_332 : vector<32xbf16> to vector<16xi32>
        tpu.vector_store_idx %arg12[%shift_right_logical3A_185], %bitcast3A_333 masked %unique3A_268 : memref<10000xi32, #tpu.memory_space<vmem>>[vector<16xi32>], vector<16xi32>, vector<16xi1>
        %max3A_334 = arith.maximumf %bitcast3A_319, %bitcast3A_240 : vector<32xbf16>
        %bitcast3A_335 = vector.bitcast %max3A_334 : vector<32xbf16> to vector<16xi32>
        tpu.vector_store_idx %arg13[%shift_right_logical3A_188], %bitcast3A_335 masked %unique3A_272 : memref<10000xi32, #tpu.memory_space<vmem>>[vector<16xi32>], vector<16xi32>, vector<16xi1>
        %max3A_336 = arith.maximumf %bitcast3A_321, %bitcast3A_242 : vector<32xbf16>
        %bitcast3A_337 = vector.bitcast %max3A_336 : vector<32xbf16> to vector<16xi32>
        tpu.vector_store_idx %arg14[%shift_right_logical3A_188], %bitcast3A_337 masked %unique3A_272 : memref<10000xi32, #tpu.memory_space<vmem>>[vector<16xi32>], vector<16xi32>, vector<16xi1>
        %not3A = arith.constant dense<true> : vector<16xi1>
        %not3A_338 = arith.xori %unique3A, %not3A : vector<16xi1>
        %not3A_339 = arith.constant dense<true> : vector<16xi1>
        %not3A_340 = arith.xori %unique3A_248, %not3A_339 : vector<16xi1>
        %not3A_341 = arith.constant dense<true> : vector<16xi1>
        %not3A_342 = arith.xori %unique3A_252, %not3A_341 : vector<16xi1>
        %not3A_343 = arith.constant dense<true> : vector<16xi1>
        %not3A_344 = arith.xori %unique3A_256, %not3A_343 : vector<16xi1>
        %not3A_345 = arith.constant dense<true> : vector<16xi1>
        %not3A_346 = arith.xori %unique3A_260, %not3A_345 : vector<16xi1>
        %not3A_347 = arith.constant dense<true> : vector<16xi1>
        %not3A_348 = arith.xori %unique3A_264, %not3A_347 : vector<16xi1>
        %not3A_349 = arith.constant dense<true> : vector<16xi1>
        %not3A_350 = arith.xori %unique3A_268, %not3A_349 : vector<16xi1>
        %not3A_351 = arith.constant dense<true> : vector<16xi1>
        %not3A_352 = arith.xori %unique3A_272, %not3A_351 : vector<16xi1>
        %or3A = arith.ori %not3A_338, %not3A_340 : vector<16xi1>
        %or3A_353 = arith.ori %or3A, %not3A_342 : vector<16xi1>
        %or3A_354 = arith.ori %or3A_353, %not3A_344 : vector<16xi1>
        %or3A_355 = arith.ori %or3A_354, %not3A_346 : vector<16xi1>
        %or3A_356 = arith.ori %or3A_355, %not3A_348 : vector<16xi1>
        %or3A_357 = arith.ori %or3A_356, %not3A_350 : vector<16xi1>
        %or3A_358 = arith.ori %or3A_357, %not3A_352 : vector<16xi1>
        %reduce_or3A = arith.constant 1.000000e+00 : f32
        %reduce_or3A_359 = arith.constant 0.000000e+00 : f32
        %reduce_or3A_360 = vector.broadcast %reduce_or3A : f32 to vector<16xf32>
        %reduce_or3A_361 = vector.broadcast %reduce_or3A_359 : f32 to vector<16xf32>
        %reduce_or3A_362 = arith.select %or3A_358, %reduce_or3A_360, %reduce_or3A_361 : vector<16xi1>, vector<16xf32>
        %reduce_or3A_363 = arith.constant true
        %reduce_or3A_364 = vector.broadcast %reduce_or3A_363 : i1 to vector<16xi1>
        %reduce_or3A_365 = tpu.scan <max>, %reduce_or3A_362 masked %reduce_or3A_364 : vector<16xf32>, vector<16xi1> -> vector<16xf32>
        %reduce_or3A_366 = vector.extract %reduce_or3A_365[15] : f32 from vector<16xf32>
        %reduce_or3A_367 = arith.constant 0.000000e+00 : f32
        %reduce_or3A_368 = arith.cmpf ogt, %reduce_or3A_366, %reduce_or3A_367 : f32
        %convert_element_type3A_369 = arith.extui %reduce_or3A_368 : i1 to i32
        %cond3A_370 = arith.constant 0 : i32
        %cond3A_371 = arith.cmpi ne, %convert_element_type3A_369, %cond3A_370 : i32
        scf.if %cond3A_371 {
          %reduce_or3A_372 = arith.constant 1.000000e+00 : f32
          %reduce_or3A_373 = arith.constant 0.000000e+00 : f32
          %reduce_or3A_374 = vector.broadcast %reduce_or3A_372 : f32 to vector<16xf32>
          %reduce_or3A_375 = vector.broadcast %reduce_or3A_373 : f32 to vector<16xf32>
          %reduce_or3A_376 = arith.select %not3A_338, %reduce_or3A_374, %reduce_or3A_375 : vector<16xi1>, vector<16xf32>
          %reduce_or3A_377 = arith.constant true
          %reduce_or3A_378 = vector.broadcast %reduce_or3A_377 : i1 to vector<16xi1>
          %reduce_or3A_379 = tpu.scan <max>, %reduce_or3A_376 masked %reduce_or3A_378 : vector<16xf32>, vector<16xi1> -> vector<16xf32>
          %reduce_or3A_380 = vector.extract %reduce_or3A_379[15] : f32 from vector<16xf32>
          %reduce_or3A_381 = arith.constant 0.000000e+00 : f32
          %reduce_or3A_382 = arith.cmpf ogt, %reduce_or3A_380, %reduce_or3A_381 : f32
          %convert_element_type3A_383 = arith.extui %reduce_or3A_382 : i1 to i32
          %cond3A_384 = arith.constant 0 : i32
          %cond3A_385 = arith.cmpi ne, %convert_element_type3A_383, %cond3A_384 : i32
          scf.if %cond3A_385 {
            %while3A = scf.while (%while3A_484 = %not3A_338) : (vector<16xi1>) -> vector<16xi1> {
              %reduce_or3A_485 = arith.constant 1.000000e+00 : f32
              %reduce_or3A_486 = arith.constant 0.000000e+00 : f32
              %reduce_or3A_487 = vector.broadcast %reduce_or3A_485 : f32 to vector<16xf32>
              %reduce_or3A_488 = vector.broadcast %reduce_or3A_486 : f32 to vector<16xf32>
              %reduce_or3A_489 = arith.select %while3A_484, %reduce_or3A_487, %reduce_or3A_488 : vector<16xi1>, vector<16xf32>
              %reduce_or3A_490 = arith.constant true
              %reduce_or3A_491 = vector.broadcast %reduce_or3A_490 : i1 to vector<16xi1>
              %reduce_or3A_492 = tpu.scan <max>, %reduce_or3A_489 masked %reduce_or3A_491 : vector<16xf32>, vector<16xi1> -> vector<16xf32>
              %reduce_or3A_493 = vector.extract %reduce_or3A_492[15] : f32 from vector<16xf32>
              %reduce_or3A_494 = arith.constant 0.000000e+00 : f32
              %reduce_or3A_495 = arith.cmpf ogt, %reduce_or3A_493, %reduce_or3A_494 : f32
              scf.condition(%reduce_or3A_495) %while3A_484 : vector<16xi1>
            } do {
            ^bb0(%while3A_484: vector<16xi1>):
              %unique3A_485, %unique3A_486 = tpu.scan_count mask(%while3A_484 : vector<16xi1>) value(%shift_right_logical3A_167 : vector<16xi32>) : vector<16xi1>, vector<16xi32>
              %gather3A_487 = tpu.vector_load_idx %arg7[%shift_right_logical3A_167] : memref<10000xi32, #tpu.memory_space<vmem>>[vector<16xi32>], vector<16xi32>,
              %bitcast3A_488 = vector.bitcast %gather3A_487 : vector<16xi32> to vector<32xbf16>
              %max3A_489 = arith.maximumf %bitcast3A_488, %bitcast3A_212 : vector<32xbf16>
              %bitcast3A_490 = vector.bitcast %max3A_489 : vector<32xbf16> to vector<16xi32>
              tpu.vector_store_idx %arg7[%shift_right_logical3A_167], %bitcast3A_490 masked %unique3A_485 : memref<10000xi32, #tpu.memory_space<vmem>>[vector<16xi32>], vector<16xi32>, vector<16xi1>
              %gather3A_491 = tpu.vector_load_idx %arg8[%shift_right_logical3A_167] : memref<10000xi32, #tpu.memory_space<vmem>>[vector<16xi32>], vector<16xi32>,
              %bitcast3A_492 = vector.bitcast %gather3A_491 : vector<16xi32> to vector<32xbf16>
              %max3A_493 = arith.maximumf %bitcast3A_492, %bitcast3A_214 : vector<32xbf16>
              %bitcast3A_494 = vector.bitcast %max3A_493 : vector<32xbf16> to vector<16xi32>
              tpu.vector_store_idx %arg8[%shift_right_logical3A_167], %bitcast3A_494 masked %unique3A_485 : memref<10000xi32, #tpu.memory_space<vmem>>[vector<16xi32>], vector<16xi32>, vector<16xi1>
              %not3A_495 = arith.constant dense<true> : vector<16xi1>
              %not3A_496 = arith.xori %unique3A_485, %not3A_495 : vector<16xi1>
              %and3A_497 = arith.andi %while3A_484, %not3A_496 : vector<16xi1>
              scf.yield %and3A_497 : vector<16xi1>
            }
          } else {
          }
          %reduce_or3A_386 = arith.constant 1.000000e+00 : f32
          %reduce_or3A_387 = arith.constant 0.000000e+00 : f32
          %reduce_or3A_388 = vector.broadcast %reduce_or3A_386 : f32 to vector<16xf32>
          %reduce_or3A_389 = vector.broadcast %reduce_or3A_387 : f32 to vector<16xf32>
          %reduce_or3A_390 = arith.select %not3A_340, %reduce_or3A_388, %reduce_or3A_389 : vector<16xi1>, vector<16xf32>
          %reduce_or3A_391 = arith.constant true
          %reduce_or3A_392 = vector.broadcast %reduce_or3A_391 : i1 to vector<16xi1>
          %reduce_or3A_393 = tpu.scan <max>, %reduce_or3A_390 masked %reduce_or3A_392 : vector<16xf32>, vector<16xi1> -> vector<16xf32>
          %reduce_or3A_394 = vector.extract %reduce_or3A_393[15] : f32 from vector<16xf32>
          %reduce_or3A_395 = arith.constant 0.000000e+00 : f32
          %reduce_or3A_396 = arith.cmpf ogt, %reduce_or3A_394, %reduce_or3A_395 : f32
          %convert_element_type3A_397 = arith.extui %reduce_or3A_396 : i1 to i32
          %cond3A_398 = arith.constant 0 : i32
          %cond3A_399 = arith.cmpi ne, %convert_element_type3A_397, %cond3A_398 : i32
          scf.if %cond3A_399 {
            %while3A = scf.while (%while3A_484 = %not3A_340) : (vector<16xi1>) -> vector<16xi1> {
              %reduce_or3A_485 = arith.constant 1.000000e+00 : f32
              %reduce_or3A_486 = arith.constant 0.000000e+00 : f32
              %reduce_or3A_487 = vector.broadcast %reduce_or3A_485 : f32 to vector<16xf32>
              %reduce_or3A_488 = vector.broadcast %reduce_or3A_486 : f32 to vector<16xf32>
              %reduce_or3A_489 = arith.select %while3A_484, %reduce_or3A_487, %reduce_or3A_488 : vector<16xi1>, vector<16xf32>
              %reduce_or3A_490 = arith.constant true
              %reduce_or3A_491 = vector.broadcast %reduce_or3A_490 : i1 to vector<16xi1>
              %reduce_or3A_492 = tpu.scan <max>, %reduce_or3A_489 masked %reduce_or3A_491 : vector<16xf32>, vector<16xi1> -> vector<16xf32>
              %reduce_or3A_493 = vector.extract %reduce_or3A_492[15] : f32 from vector<16xf32>
              %reduce_or3A_494 = arith.constant 0.000000e+00 : f32
              %reduce_or3A_495 = arith.cmpf ogt, %reduce_or3A_493, %reduce_or3A_494 : f32
              scf.condition(%reduce_or3A_495) %while3A_484 : vector<16xi1>
            } do {
            ^bb0(%while3A_484: vector<16xi1>):
              %unique3A_485, %unique3A_486 = tpu.scan_count mask(%while3A_484 : vector<16xi1>) value(%shift_right_logical3A_170 : vector<16xi32>) : vector<16xi1>, vector<16xi32>
              %gather3A_487 = tpu.vector_load_idx %arg9[%shift_right_logical3A_170] : memref<10000xi32, #tpu.memory_space<vmem>>[vector<16xi32>], vector<16xi32>,
              %bitcast3A_488 = vector.bitcast %gather3A_487 : vector<16xi32> to vector<32xbf16>
              %max3A_489 = arith.maximumf %bitcast3A_488, %bitcast3A_216 : vector<32xbf16>
              %bitcast3A_490 = vector.bitcast %max3A_489 : vector<32xbf16> to vector<16xi32>
              tpu.vector_store_idx %arg9[%shift_right_logical3A_170], %bitcast3A_490 masked %unique3A_485 : memref<10000xi32, #tpu.memory_space<vmem>>[vector<16xi32>], vector<16xi32>, vector<16xi1>
              %gather3A_491 = tpu.vector_load_idx %arg10[%shift_right_logical3A_170] : memref<10000xi32, #tpu.memory_space<vmem>>[vector<16xi32>], vector<16xi32>,
              %bitcast3A_492 = vector.bitcast %gather3A_491 : vector<16xi32> to vector<32xbf16>
              %max3A_493 = arith.maximumf %bitcast3A_492, %bitcast3A_218 : vector<32xbf16>
              %bitcast3A_494 = vector.bitcast %max3A_493 : vector<32xbf16> to vector<16xi32>
              tpu.vector_store_idx %arg10[%shift_right_logical3A_170], %bitcast3A_494 masked %unique3A_485 : memref<10000xi32, #tpu.memory_space<vmem>>[vector<16xi32>], vector<16xi32>, vector<16xi1>
              %not3A_495 = arith.constant dense<true> : vector<16xi1>
              %not3A_496 = arith.xori %unique3A_485, %not3A_495 : vector<16xi1>
              %and3A_497 = arith.andi %while3A_484, %not3A_496 : vector<16xi1>
              scf.yield %and3A_497 : vector<16xi1>
            }
          } else {
          }
          %reduce_or3A_400 = arith.constant 1.000000e+00 : f32
          %reduce_or3A_401 = arith.constant 0.000000e+00 : f32
          %reduce_or3A_402 = vector.broadcast %reduce_or3A_400 : f32 to vector<16xf32>
          %reduce_or3A_403 = vector.broadcast %reduce_or3A_401 : f32 to vector<16xf32>
          %reduce_or3A_404 = arith.select %not3A_342, %reduce_or3A_402, %reduce_or3A_403 : vector<16xi1>, vector<16xf32>
          %reduce_or3A_405 = arith.constant true
          %reduce_or3A_406 = vector.broadcast %reduce_or3A_405 : i1 to vector<16xi1>
          %reduce_or3A_407 = tpu.scan <max>, %reduce_or3A_404 masked %reduce_or3A_406 : vector<16xf32>, vector<16xi1> -> vector<16xf32>
          %reduce_or3A_408 = vector.extract %reduce_or3A_407[15] : f32 from vector<16xf32>
          %reduce_or3A_409 = arith.constant 0.000000e+00 : f32
          %reduce_or3A_410 = arith.cmpf ogt, %reduce_or3A_408, %reduce_or3A_409 : f32
          %convert_element_type3A_411 = arith.extui %reduce_or3A_410 : i1 to i32
          %cond3A_412 = arith.constant 0 : i32
          %cond3A_413 = arith.cmpi ne, %convert_element_type3A_411, %cond3A_412 : i32
          scf.if %cond3A_413 {
            %while3A = scf.while (%while3A_484 = %not3A_342) : (vector<16xi1>) -> vector<16xi1> {
              %reduce_or3A_485 = arith.constant 1.000000e+00 : f32
              %reduce_or3A_486 = arith.constant 0.000000e+00 : f32
              %reduce_or3A_487 = vector.broadcast %reduce_or3A_485 : f32 to vector<16xf32>
              %reduce_or3A_488 = vector.broadcast %reduce_or3A_486 : f32 to vector<16xf32>
              %reduce_or3A_489 = arith.select %while3A_484, %reduce_or3A_487, %reduce_or3A_488 : vector<16xi1>, vector<16xf32>
              %reduce_or3A_490 = arith.constant true
              %reduce_or3A_491 = vector.broadcast %reduce_or3A_490 : i1 to vector<16xi1>
              %reduce_or3A_492 = tpu.scan <max>, %reduce_or3A_489 masked %reduce_or3A_491 : vector<16xf32>, vector<16xi1> -> vector<16xf32>
              %reduce_or3A_493 = vector.extract %reduce_or3A_492[15] : f32 from vector<16xf32>
              %reduce_or3A_494 = arith.constant 0.000000e+00 : f32
              %reduce_or3A_495 = arith.cmpf ogt, %reduce_or3A_493, %reduce_or3A_494 : f32
              scf.condition(%reduce_or3A_495) %while3A_484 : vector<16xi1>
            } do {
            ^bb0(%while3A_484: vector<16xi1>):
              %unique3A_485, %unique3A_486 = tpu.scan_count mask(%while3A_484 : vector<16xi1>) value(%shift_right_logical3A_173 : vector<16xi32>) : vector<16xi1>, vector<16xi32>
              %gather3A_487 = tpu.vector_load_idx %arg11[%shift_right_logical3A_173] : memref<10000xi32, #tpu.memory_space<vmem>>[vector<16xi32>], vector<16xi32>,
              %bitcast3A_488 = vector.bitcast %gather3A_487 : vector<16xi32> to vector<32xbf16>
              %max3A_489 = arith.maximumf %bitcast3A_488, %bitcast3A_220 : vector<32xbf16>
              %bitcast3A_490 = vector.bitcast %max3A_489 : vector<32xbf16> to vector<16xi32>
              tpu.vector_store_idx %arg11[%shift_right_logical3A_173], %bitcast3A_490 masked %unique3A_485 : memref<10000xi32, #tpu.memory_space<vmem>>[vector<16xi32>], vector<16xi32>, vector<16xi1>
              %gather3A_491 = tpu.vector_load_idx %arg12[%shift_right_logical3A_173] : memref<10000xi32, #tpu.memory_space<vmem>>[vector<16xi32>], vector<16xi32>,
              %bitcast3A_492 = vector.bitcast %gather3A_491 : vector<16xi32> to vector<32xbf16>
              %max3A_493 = arith.maximumf %bitcast3A_492, %bitcast3A_222 : vector<32xbf16>
              %bitcast3A_494 = vector.bitcast %max3A_493 : vector<32xbf16> to vector<16xi32>
              tpu.vector_store_idx %arg12[%shift_right_logical3A_173], %bitcast3A_494 masked %unique3A_485 : memref<10000xi32, #tpu.memory_space<vmem>>[vector<16xi32>], vector<16xi32>, vector<16xi1>
              %not3A_495 = arith.constant dense<true> : vector<16xi1>
              %not3A_496 = arith.xori %unique3A_485, %not3A_495 : vector<16xi1>
              %and3A_497 = arith.andi %while3A_484, %not3A_496 : vector<16xi1>
              scf.yield %and3A_497 : vector<16xi1>
            }
          } else {
          }
          %reduce_or3A_414 = arith.constant 1.000000e+00 : f32
          %reduce_or3A_415 = arith.constant 0.000000e+00 : f32
          %reduce_or3A_416 = vector.broadcast %reduce_or3A_414 : f32 to vector<16xf32>
          %reduce_or3A_417 = vector.broadcast %reduce_or3A_415 : f32 to vector<16xf32>
          %reduce_or3A_418 = arith.select %not3A_344, %reduce_or3A_416, %reduce_or3A_417 : vector<16xi1>, vector<16xf32>
          %reduce_or3A_419 = arith.constant true
          %reduce_or3A_420 = vector.broadcast %reduce_or3A_419 : i1 to vector<16xi1>
          %reduce_or3A_421 = tpu.scan <max>, %reduce_or3A_418 masked %reduce_or3A_420 : vector<16xf32>, vector<16xi1> -> vector<16xf32>
          %reduce_or3A_422 = vector.extract %reduce_or3A_421[15] : f32 from vector<16xf32>
          %reduce_or3A_423 = arith.constant 0.000000e+00 : f32
          %reduce_or3A_424 = arith.cmpf ogt, %reduce_or3A_422, %reduce_or3A_423 : f32
          %convert_element_type3A_425 = arith.extui %reduce_or3A_424 : i1 to i32
          %cond3A_426 = arith.constant 0 : i32
          %cond3A_427 = arith.cmpi ne, %convert_element_type3A_425, %cond3A_426 : i32
          scf.if %cond3A_427 {
            %while3A = scf.while (%while3A_484 = %not3A_344) : (vector<16xi1>) -> vector<16xi1> {
              %reduce_or3A_485 = arith.constant 1.000000e+00 : f32
              %reduce_or3A_486 = arith.constant 0.000000e+00 : f32
              %reduce_or3A_487 = vector.broadcast %reduce_or3A_485 : f32 to vector<16xf32>
              %reduce_or3A_488 = vector.broadcast %reduce_or3A_486 : f32 to vector<16xf32>
              %reduce_or3A_489 = arith.select %while3A_484, %reduce_or3A_487, %reduce_or3A_488 : vector<16xi1>, vector<16xf32>
              %reduce_or3A_490 = arith.constant true
              %reduce_or3A_491 = vector.broadcast %reduce_or3A_490 : i1 to vector<16xi1>
              %reduce_or3A_492 = tpu.scan <max>, %reduce_or3A_489 masked %reduce_or3A_491 : vector<16xf32>, vector<16xi1> -> vector<16xf32>
              %reduce_or3A_493 = vector.extract %reduce_or3A_492[15] : f32 from vector<16xf32>
              %reduce_or3A_494 = arith.constant 0.000000e+00 : f32
              %reduce_or3A_495 = arith.cmpf ogt, %reduce_or3A_493, %reduce_or3A_494 : f32
              scf.condition(%reduce_or3A_495) %while3A_484 : vector<16xi1>
            } do {
            ^bb0(%while3A_484: vector<16xi1>):
              %unique3A_485, %unique3A_486 = tpu.scan_count mask(%while3A_484 : vector<16xi1>) value(%shift_right_logical3A_176 : vector<16xi32>) : vector<16xi1>, vector<16xi32>
              %gather3A_487 = tpu.vector_load_idx %arg13[%shift_right_logical3A_176] : memref<10000xi32, #tpu.memory_space<vmem>>[vector<16xi32>], vector<16xi32>,
              %bitcast3A_488 = vector.bitcast %gather3A_487 : vector<16xi32> to vector<32xbf16>
              %max3A_489 = arith.maximumf %bitcast3A_488, %bitcast3A_224 : vector<32xbf16>
              %bitcast3A_490 = vector.bitcast %max3A_489 : vector<32xbf16> to vector<16xi32>
              tpu.vector_store_idx %arg13[%shift_right_logical3A_176], %bitcast3A_490 masked %unique3A_485 : memref<10000xi32, #tpu.memory_space<vmem>>[vector<16xi32>], vector<16xi32>, vector<16xi1>
              %gather3A_491 = tpu.vector_load_idx %arg14[%shift_right_logical3A_176] : memref<10000xi32, #tpu.memory_space<vmem>>[vector<16xi32>], vector<16xi32>,
              %bitcast3A_492 = vector.bitcast %gather3A_491 : vector<16xi32> to vector<32xbf16>
              %max3A_493 = arith.maximumf %bitcast3A_492, %bitcast3A_226 : vector<32xbf16>
              %bitcast3A_494 = vector.bitcast %max3A_493 : vector<32xbf16> to vector<16xi32>
              tpu.vector_store_idx %arg14[%shift_right_logical3A_176], %bitcast3A_494 masked %unique3A_485 : memref<10000xi32, #tpu.memory_space<vmem>>[vector<16xi32>], vector<16xi32>, vector<16xi1>
              %not3A_495 = arith.constant dense<true> : vector<16xi1>
              %not3A_496 = arith.xori %unique3A_485, %not3A_495 : vector<16xi1>
              %and3A_497 = arith.andi %while3A_484, %not3A_496 : vector<16xi1>
              scf.yield %and3A_497 : vector<16xi1>
            }
          } else {
          }
          %reduce_or3A_428 = arith.constant 1.000000e+00 : f32
          %reduce_or3A_429 = arith.constant 0.000000e+00 : f32
          %reduce_or3A_430 = vector.broadcast %reduce_or3A_428 : f32 to vector<16xf32>
          %reduce_or3A_431 = vector.broadcast %reduce_or3A_429 : f32 to vector<16xf32>
          %reduce_or3A_432 = arith.select %not3A_346, %reduce_or3A_430, %reduce_or3A_431 : vector<16xi1>, vector<16xf32>
          %reduce_or3A_433 = arith.constant true
          %reduce_or3A_434 = vector.broadcast %reduce_or3A_433 : i1 to vector<16xi1>
          %reduce_or3A_435 = tpu.scan <max>, %reduce_or3A_432 masked %reduce_or3A_434 : vector<16xf32>, vector<16xi1> -> vector<16xf32>
          %reduce_or3A_436 = vector.extract %reduce_or3A_435[15] : f32 from vector<16xf32>
          %reduce_or3A_437 = arith.constant 0.000000e+00 : f32
          %reduce_or3A_438 = arith.cmpf ogt, %reduce_or3A_436, %reduce_or3A_437 : f32
          %convert_element_type3A_439 = arith.extui %reduce_or3A_438 : i1 to i32
          %cond3A_440 = arith.constant 0 : i32
          %cond3A_441 = arith.cmpi ne, %convert_element_type3A_439, %cond3A_440 : i32
          scf.if %cond3A_441 {
            %while3A = scf.while (%while3A_484 = %not3A_346) : (vector<16xi1>) -> vector<16xi1> {
              %reduce_or3A_485 = arith.constant 1.000000e+00 : f32
              %reduce_or3A_486 = arith.constant 0.000000e+00 : f32
              %reduce_or3A_487 = vector.broadcast %reduce_or3A_485 : f32 to vector<16xf32>
              %reduce_or3A_488 = vector.broadcast %reduce_or3A_486 : f32 to vector<16xf32>
              %reduce_or3A_489 = arith.select %while3A_484, %reduce_or3A_487, %reduce_or3A_488 : vector<16xi1>, vector<16xf32>
              %reduce_or3A_490 = arith.constant true
              %reduce_or3A_491 = vector.broadcast %reduce_or3A_490 : i1 to vector<16xi1>
              %reduce_or3A_492 = tpu.scan <max>, %reduce_or3A_489 masked %reduce_or3A_491 : vector<16xf32>, vector<16xi1> -> vector<16xf32>
              %reduce_or3A_493 = vector.extract %reduce_or3A_492[15] : f32 from vector<16xf32>
              %reduce_or3A_494 = arith.constant 0.000000e+00 : f32
              %reduce_or3A_495 = arith.cmpf ogt, %reduce_or3A_493, %reduce_or3A_494 : f32
              scf.condition(%reduce_or3A_495) %while3A_484 : vector<16xi1>
            } do {
            ^bb0(%while3A_484: vector<16xi1>):
              %unique3A_485, %unique3A_486 = tpu.scan_count mask(%while3A_484 : vector<16xi1>) value(%shift_right_logical3A_179 : vector<16xi32>) : vector<16xi1>, vector<16xi32>
              %gather3A_487 = tpu.vector_load_idx %arg7[%shift_right_logical3A_179] : memref<10000xi32, #tpu.memory_space<vmem>>[vector<16xi32>], vector<16xi32>,
              %bitcast3A_488 = vector.bitcast %gather3A_487 : vector<16xi32> to vector<32xbf16>
              %max3A_489 = arith.maximumf %bitcast3A_488, %bitcast3A_228 : vector<32xbf16>
              %bitcast3A_490 = vector.bitcast %max3A_489 : vector<32xbf16> to vector<16xi32>
              tpu.vector_store_idx %arg7[%shift_right_logical3A_179], %bitcast3A_490 masked %unique3A_485 : memref<10000xi32, #tpu.memory_space<vmem>>[vector<16xi32>], vector<16xi32>, vector<16xi1>
              %gather3A_491 = tpu.vector_load_idx %arg8[%shift_right_logical3A_179] : memref<10000xi32, #tpu.memory_space<vmem>>[vector<16xi32>], vector<16xi32>,
              %bitcast3A_492 = vector.bitcast %gather3A_491 : vector<16xi32> to vector<32xbf16>
              %max3A_493 = arith.maximumf %bitcast3A_492, %bitcast3A_230 : vector<32xbf16>
              %bitcast3A_494 = vector.bitcast %max3A_493 : vector<32xbf16> to vector<16xi32>
              tpu.vector_store_idx %arg8[%shift_right_logical3A_179], %bitcast3A_494 masked %unique3A_485 : memref<10000xi32, #tpu.memory_space<vmem>>[vector<16xi32>], vector<16xi32>, vector<16xi1>
              %not3A_495 = arith.constant dense<true> : vector<16xi1>
              %not3A_496 = arith.xori %unique3A_485, %not3A_495 : vector<16xi1>
              %and3A_497 = arith.andi %while3A_484, %not3A_496 : vector<16xi1>
              scf.yield %and3A_497 : vector<16xi1>
            }
          } else {
          }
          %reduce_or3A_442 = arith.constant 1.000000e+00 : f32
          %reduce_or3A_443 = arith.constant 0.000000e+00 : f32
          %reduce_or3A_444 = vector.broadcast %reduce_or3A_442 : f32 to vector<16xf32>
          %reduce_or3A_445 = vector.broadcast %reduce_or3A_443 : f32 to vector<16xf32>
          %reduce_or3A_446 = arith.select %not3A_348, %reduce_or3A_444, %reduce_or3A_445 : vector<16xi1>, vector<16xf32>
          %reduce_or3A_447 = arith.constant true
          %reduce_or3A_448 = vector.broadcast %reduce_or3A_447 : i1 to vector<16xi1>
          %reduce_or3A_449 = tpu.scan <max>, %reduce_or3A_446 masked %reduce_or3A_448 : vector<16xf32>, vector<16xi1> -> vector<16xf32>
          %reduce_or3A_450 = vector.extract %reduce_or3A_449[15] : f32 from vector<16xf32>
          %reduce_or3A_451 = arith.constant 0.000000e+00 : f32
          %reduce_or3A_452 = arith.cmpf ogt, %reduce_or3A_450, %reduce_or3A_451 : f32
          %convert_element_type3A_453 = arith.extui %reduce_or3A_452 : i1 to i32
          %cond3A_454 = arith.constant 0 : i32
          %cond3A_455 = arith.cmpi ne, %convert_element_type3A_453, %cond3A_454 : i32
          scf.if %cond3A_455 {
            %while3A = scf.while (%while3A_484 = %not3A_348) : (vector<16xi1>) -> vector<16xi1> {
              %reduce_or3A_485 = arith.constant 1.000000e+00 : f32
              %reduce_or3A_486 = arith.constant 0.000000e+00 : f32
              %reduce_or3A_487 = vector.broadcast %reduce_or3A_485 : f32 to vector<16xf32>
              %reduce_or3A_488 = vector.broadcast %reduce_or3A_486 : f32 to vector<16xf32>
              %reduce_or3A_489 = arith.select %while3A_484, %reduce_or3A_487, %reduce_or3A_488 : vector<16xi1>, vector<16xf32>
              %reduce_or3A_490 = arith.constant true
              %reduce_or3A_491 = vector.broadcast %reduce_or3A_490 : i1 to vector<16xi1>
              %reduce_or3A_492 = tpu.scan <max>, %reduce_or3A_489 masked %reduce_or3A_491 : vector<16xf32>, vector<16xi1> -> vector<16xf32>
              %reduce_or3A_493 = vector.extract %reduce_or3A_492[15] : f32 from vector<16xf32>
              %reduce_or3A_494 = arith.constant 0.000000e+00 : f32
              %reduce_or3A_495 = arith.cmpf ogt, %reduce_or3A_493, %reduce_or3A_494 : f32
              scf.condition(%reduce_or3A_495) %while3A_484 : vector<16xi1>
            } do {
            ^bb0(%while3A_484: vector<16xi1>):
              %unique3A_485, %unique3A_486 = tpu.scan_count mask(%while3A_484 : vector<16xi1>) value(%shift_right_logical3A_182 : vector<16xi32>) : vector<16xi1>, vector<16xi32>
              %gather3A_487 = tpu.vector_load_idx %arg9[%shift_right_logical3A_182] : memref<10000xi32, #tpu.memory_space<vmem>>[vector<16xi32>], vector<16xi32>,
              %bitcast3A_488 = vector.bitcast %gather3A_487 : vector<16xi32> to vector<32xbf16>
              %max3A_489 = arith.maximumf %bitcast3A_488, %bitcast3A_232 : vector<32xbf16>
              %bitcast3A_490 = vector.bitcast %max3A_489 : vector<32xbf16> to vector<16xi32>
              tpu.vector_store_idx %arg9[%shift_right_logical3A_182], %bitcast3A_490 masked %unique3A_485 : memref<10000xi32, #tpu.memory_space<vmem>>[vector<16xi32>], vector<16xi32>, vector<16xi1>
              %gather3A_491 = tpu.vector_load_idx %arg10[%shift_right_logical3A_182] : memref<10000xi32, #tpu.memory_space<vmem>>[vector<16xi32>], vector<16xi32>,
              %bitcast3A_492 = vector.bitcast %gather3A_491 : vector<16xi32> to vector<32xbf16>
              %max3A_493 = arith.maximumf %bitcast3A_492, %bitcast3A_234 : vector<32xbf16>
              %bitcast3A_494 = vector.bitcast %max3A_493 : vector<32xbf16> to vector<16xi32>
              tpu.vector_store_idx %arg10[%shift_right_logical3A_182], %bitcast3A_494 masked %unique3A_485 : memref<10000xi32, #tpu.memory_space<vmem>>[vector<16xi32>], vector<16xi32>, vector<16xi1>
              %not3A_495 = arith.constant dense<true> : vector<16xi1>
              %not3A_496 = arith.xori %unique3A_485, %not3A_495 : vector<16xi1>
              %and3A_497 = arith.andi %while3A_484, %not3A_496 : vector<16xi1>
              scf.yield %and3A_497 : vector<16xi1>
            }
          } else {
          }
          %reduce_or3A_456 = arith.constant 1.000000e+00 : f32
          %reduce_or3A_457 = arith.constant 0.000000e+00 : f32
          %reduce_or3A_458 = vector.broadcast %reduce_or3A_456 : f32 to vector<16xf32>
          %reduce_or3A_459 = vector.broadcast %reduce_or3A_457 : f32 to vector<16xf32>
          %reduce_or3A_460 = arith.select %not3A_350, %reduce_or3A_458, %reduce_or3A_459 : vector<16xi1>, vector<16xf32>
          %reduce_or3A_461 = arith.constant true
          %reduce_or3A_462 = vector.broadcast %reduce_or3A_461 : i1 to vector<16xi1>
          %reduce_or3A_463 = tpu.scan <max>, %reduce_or3A_460 masked %reduce_or3A_462 : vector<16xf32>, vector<16xi1> -> vector<16xf32>
          %reduce_or3A_464 = vector.extract %reduce_or3A_463[15] : f32 from vector<16xf32>
          %reduce_or3A_465 = arith.constant 0.000000e+00 : f32
          %reduce_or3A_466 = arith.cmpf ogt, %reduce_or3A_464, %reduce_or3A_465 : f32
          %convert_element_type3A_467 = arith.extui %reduce_or3A_466 : i1 to i32
          %cond3A_468 = arith.constant 0 : i32
          %cond3A_469 = arith.cmpi ne, %convert_element_type3A_467, %cond3A_468 : i32
          scf.if %cond3A_469 {
            %while3A = scf.while (%while3A_484 = %not3A_350) : (vector<16xi1>) -> vector<16xi1> {
              %reduce_or3A_485 = arith.constant 1.000000e+00 : f32
              %reduce_or3A_486 = arith.constant 0.000000e+00 : f32
              %reduce_or3A_487 = vector.broadcast %reduce_or3A_485 : f32 to vector<16xf32>
              %reduce_or3A_488 = vector.broadcast %reduce_or3A_486 : f32 to vector<16xf32>
              %reduce_or3A_489 = arith.select %while3A_484, %reduce_or3A_487, %reduce_or3A_488 : vector<16xi1>, vector<16xf32>
              %reduce_or3A_490 = arith.constant true
              %reduce_or3A_491 = vector.broadcast %reduce_or3A_490 : i1 to vector<16xi1>
              %reduce_or3A_492 = tpu.scan <max>, %reduce_or3A_489 masked %reduce_or3A_491 : vector<16xf32>, vector<16xi1> -> vector<16xf32>
              %reduce_or3A_493 = vector.extract %reduce_or3A_492[15] : f32 from vector<16xf32>
              %reduce_or3A_494 = arith.constant 0.000000e+00 : f32
              %reduce_or3A_495 = arith.cmpf ogt, %reduce_or3A_493, %reduce_or3A_494 : f32
              scf.condition(%reduce_or3A_495) %while3A_484 : vector<16xi1>
            } do {
            ^bb0(%while3A_484: vector<16xi1>):
              %unique3A_485, %unique3A_486 = tpu.scan_count mask(%while3A_484 : vector<16xi1>) value(%shift_right_logical3A_185 : vector<16xi32>) : vector<16xi1>, vector<16xi32>
              %gather3A_487 = tpu.vector_load_idx %arg11[%shift_right_logical3A_185] : memref<10000xi32, #tpu.memory_space<vmem>>[vector<16xi32>], vector<16xi32>,
              %bitcast3A_488 = vector.bitcast %gather3A_487 : vector<16xi32> to vector<32xbf16>
              %max3A_489 = arith.maximumf %bitcast3A_488, %bitcast3A_236 : vector<32xbf16>
              %bitcast3A_490 = vector.bitcast %max3A_489 : vector<32xbf16> to vector<16xi32>
              tpu.vector_store_idx %arg11[%shift_right_logical3A_185], %bitcast3A_490 masked %unique3A_485 : memref<10000xi32, #tpu.memory_space<vmem>>[vector<16xi32>], vector<16xi32>, vector<16xi1>
              %gather3A_491 = tpu.vector_load_idx %arg12[%shift_right_logical3A_185] : memref<10000xi32, #tpu.memory_space<vmem>>[vector<16xi32>], vector<16xi32>,
              %bitcast3A_492 = vector.bitcast %gather3A_491 : vector<16xi32> to vector<32xbf16>
              %max3A_493 = arith.maximumf %bitcast3A_492, %bitcast3A_238 : vector<32xbf16>
              %bitcast3A_494 = vector.bitcast %max3A_493 : vector<32xbf16> to vector<16xi32>
              tpu.vector_store_idx %arg12[%shift_right_logical3A_185], %bitcast3A_494 masked %unique3A_485 : memref<10000xi32, #tpu.memory_space<vmem>>[vector<16xi32>], vector<16xi32>, vector<16xi1>
              %not3A_495 = arith.constant dense<true> : vector<16xi1>
              %not3A_496 = arith.xori %unique3A_485, %not3A_495 : vector<16xi1>
              %and3A_497 = arith.andi %while3A_484, %not3A_496 : vector<16xi1>
              scf.yield %and3A_497 : vector<16xi1>
            }
          } else {
          }
          %reduce_or3A_470 = arith.constant 1.000000e+00 : f32
          %reduce_or3A_471 = arith.constant 0.000000e+00 : f32
          %reduce_or3A_472 = vector.broadcast %reduce_or3A_470 : f32 to vector<16xf32>
          %reduce_or3A_473 = vector.broadcast %reduce_or3A_471 : f32 to vector<16xf32>
          %reduce_or3A_474 = arith.select %not3A_352, %reduce_or3A_472, %reduce_or3A_473 : vector<16xi1>, vector<16xf32>
          %reduce_or3A_475 = arith.constant true
          %reduce_or3A_476 = vector.broadcast %reduce_or3A_475 : i1 to vector<16xi1>
          %reduce_or3A_477 = tpu.scan <max>, %reduce_or3A_474 masked %reduce_or3A_476 : vector<16xf32>, vector<16xi1> -> vector<16xf32>
          %reduce_or3A_478 = vector.extract %reduce_or3A_477[15] : f32 from vector<16xf32>
          %reduce_or3A_479 = arith.constant 0.000000e+00 : f32
          %reduce_or3A_480 = arith.cmpf ogt, %reduce_or3A_478, %reduce_or3A_479 : f32
          %convert_element_type3A_481 = arith.extui %reduce_or3A_480 : i1 to i32
          %cond3A_482 = arith.constant 0 : i32
          %cond3A_483 = arith.cmpi ne, %convert_element_type3A_481, %cond3A_482 : i32
          scf.if %cond3A_483 {
            %while3A = scf.while (%while3A_484 = %not3A_352) : (vector<16xi1>) -> vector<16xi1> {
              %reduce_or3A_485 = arith.constant 1.000000e+00 : f32
              %reduce_or3A_486 = arith.constant 0.000000e+00 : f32
              %reduce_or3A_487 = vector.broadcast %reduce_or3A_485 : f32 to vector<16xf32>
              %reduce_or3A_488 = vector.broadcast %reduce_or3A_486 : f32 to vector<16xf32>
              %reduce_or3A_489 = arith.select %while3A_484, %reduce_or3A_487, %reduce_or3A_488 : vector<16xi1>, vector<16xf32>
              %reduce_or3A_490 = arith.constant true
              %reduce_or3A_491 = vector.broadcast %reduce_or3A_490 : i1 to vector<16xi1>
              %reduce_or3A_492 = tpu.scan <max>, %reduce_or3A_489 masked %reduce_or3A_491 : vector<16xf32>, vector<16xi1> -> vector<16xf32>
              %reduce_or3A_493 = vector.extract %reduce_or3A_492[15] : f32 from vector<16xf32>
              %reduce_or3A_494 = arith.constant 0.000000e+00 : f32
              %reduce_or3A_495 = arith.cmpf ogt, %reduce_or3A_493, %reduce_or3A_494 : f32
              scf.condition(%reduce_or3A_495) %while3A_484 : vector<16xi1>
            } do {
            ^bb0(%while3A_484: vector<16xi1>):
              %unique3A_485, %unique3A_486 = tpu.scan_count mask(%while3A_484 : vector<16xi1>) value(%shift_right_logical3A_188 : vector<16xi32>) : vector<16xi1>, vector<16xi32>
              %gather3A_487 = tpu.vector_load_idx %arg13[%shift_right_logical3A_188] : memref<10000xi32, #tpu.memory_space<vmem>>[vector<16xi32>], vector<16xi32>,
              %bitcast3A_488 = vector.bitcast %gather3A_487 : vector<16xi32> to vector<32xbf16>
              %max3A_489 = arith.maximumf %bitcast3A_488, %bitcast3A_240 : vector<32xbf16>
              %bitcast3A_490 = vector.bitcast %max3A_489 : vector<32xbf16> to vector<16xi32>
              tpu.vector_store_idx %arg13[%shift_right_logical3A_188], %bitcast3A_490 masked %unique3A_485 : memref<10000xi32, #tpu.memory_space<vmem>>[vector<16xi32>], vector<16xi32>, vector<16xi1>
              %gather3A_491 = tpu.vector_load_idx %arg14[%shift_right_logical3A_188] : memref<10000xi32, #tpu.memory_space<vmem>>[vector<16xi32>], vector<16xi32>,
              %bitcast3A_492 = vector.bitcast %gather3A_491 : vector<16xi32> to vector<32xbf16>
              %max3A_493 = arith.maximumf %bitcast3A_492, %bitcast3A_242 : vector<32xbf16>
              %bitcast3A_494 = vector.bitcast %max3A_493 : vector<32xbf16> to vector<16xi32>
              tpu.vector_store_idx %arg14[%shift_right_logical3A_188], %bitcast3A_494 masked %unique3A_485 : memref<10000xi32, #tpu.memory_space<vmem>>[vector<16xi32>], vector<16xi32>, vector<16xi1>
              %not3A_495 = arith.constant dense<true> : vector<16xi1>
              %not3A_496 = arith.xori %unique3A_485, %not3A_495 : vector<16xi1>
              %and3A_497 = arith.andi %while3A_484, %not3A_496 : vector<16xi1>
              scf.yield %and3A_497 : vector<16xi1>
            }
          } else {
          }
        } else {
        }
      }
      %scan3A_130 = arith.constant 50 : i32
    }
    %scan3A_49 = arith.constant 25 : i32
    %scan3A_50 = arith.constant 0 : i32
    %scan3A_51 = arith.constant 0 : i32
    %scan3A_52 = arith.constant 624 : i32
    %scan3A_53 = arith.addi %scan3A_51, %scan3A_52 : i32
    %scan3A_54 = arith.constant 4 : i32
    scf.for %scan3A_95 = %scan3A_51 to %scan3A_53 step %scan3A_54  : i32 {
      %mul3A_96 = arith.constant 16 : i32
      %mul3A_97 = arith.muli %scan3A_95, %mul3A_96 : i32
      %get3A_98 = arith.index_cast %mul3A_97 : i32 to index
      %get3A_99 = tpu.vector_load %arg7[%get3A_98] {strides = array<i32>} : memref<10000xi32, #tpu.memory_space<vmem>>, vector<16xi32>,
      %bitcast3A_100 = vector.bitcast %get3A_99 : vector<16xi32> to vector<32xbf16>
      %get3A_101 = arith.index_cast %mul3A_97 : i32 to index
      %get3A_102 = tpu.vector_load %arg9[%get3A_101] {strides = array<i32>} : memref<10000xi32, #tpu.memory_space<vmem>>, vector<16xi32>,
      %bitcast3A_103 = vector.bitcast %get3A_102 : vector<16xi32> to vector<32xbf16>
      %max3A_104 = arith.maximumf %bitcast3A_100, %bitcast3A_103 : vector<32xbf16>
      %get3A_105 = arith.index_cast %mul3A_97 : i32 to index
      %get3A_106 = tpu.vector_load %arg11[%get3A_105] {strides = array<i32>} : memref<10000xi32, #tpu.memory_space<vmem>>, vector<16xi32>,
      %bitcast3A_107 = vector.bitcast %get3A_106 : vector<16xi32> to vector<32xbf16>
      %get3A_108 = arith.index_cast %mul3A_97 : i32 to index
      %get3A_109 = tpu.vector_load %arg13[%get3A_108] {strides = array<i32>} : memref<10000xi32, #tpu.memory_space<vmem>>, vector<16xi32>,
      %bitcast3A_110 = vector.bitcast %get3A_109 : vector<16xi32> to vector<32xbf16>
      %max3A_111 = arith.maximumf %bitcast3A_107, %bitcast3A_110 : vector<32xbf16>
      %max3A_112 = arith.maximumf %max3A_104, %max3A_111 : vector<32xbf16>
      %bitcast3A_113 = vector.bitcast %max3A_112 : vector<32xbf16> to vector<16xi32>
      %swap3A_114 = arith.index_cast %mul3A_97 : i32 to index
      %swap3A_115 = tpu.vector_load %arg7[%swap3A_114] {strides = array<i32>} : memref<10000xi32, #tpu.memory_space<vmem>>, vector<16xi32>,
      tpu.vector_store %arg7[%swap3A_114], %bitcast3A_113 {strides = array<i32>} : memref<10000xi32, #tpu.memory_space<vmem>>, vector<16xi32>,
      %get3A_116 = arith.index_cast %mul3A_97 : i32 to index
      %get3A_117 = tpu.vector_load %arg8[%get3A_116] {strides = array<i32>} : memref<10000xi32, #tpu.memory_space<vmem>>, vector<16xi32>,
      %bitcast3A_118 = vector.bitcast %get3A_117 : vector<16xi32> to vector<32xbf16>
      %get3A_119 = arith.index_cast %mul3A_97 : i32 to index
      %get3A_120 = tpu.vector_load %arg10[%get3A_119] {strides = array<i32>} : memref<10000xi32, #tpu.memory_space<vmem>>, vector<16xi32>,
      %bitcast3A_121 = vector.bitcast %get3A_120 : vector<16xi32> to vector<32xbf16>
      %max3A_122 = arith.maximumf %bitcast3A_118, %bitcast3A_121 : vector<32xbf16>
      %get3A_123 = arith.index_cast %mul3A_97 : i32 to index
      %get3A_124 = tpu.vector_load %arg12[%get3A_123] {strides = array<i32>} : memref<10000xi32, #tpu.memory_space<vmem>>, vector<16xi32>,
      %bitcast3A_125 = vector.bitcast %get3A_124 : vector<16xi32> to vector<32xbf16>
      %get3A_126 = arith.index_cast %mul3A_97 : i32 to index
      %get3A_127 = tpu.vector_load %arg14[%get3A_126] {strides = array<i32>} : memref<10000xi32, #tpu.memory_space<vmem>>, vector<16xi32>,
      %bitcast3A_128 = vector.bitcast %get3A_127 : vector<16xi32> to vector<32xbf16>
      %max3A_129 = arith.maximumf %bitcast3A_125, %bitcast3A_128 : vector<32xbf16>
      %max3A_130 = arith.maximumf %max3A_122, %max3A_129 : vector<32xbf16>
      %bitcast3A_131 = vector.bitcast %max3A_130 : vector<32xbf16> to vector<16xi32>
      %swap3A_132 = arith.index_cast %mul3A_97 : i32 to index
      %swap3A_133 = tpu.vector_load %arg8[%swap3A_132] {strides = array<i32>} : memref<10000xi32, #tpu.memory_space<vmem>>, vector<16xi32>,
      tpu.vector_store %arg8[%swap3A_132], %bitcast3A_131 {strides = array<i32>} : memref<10000xi32, #tpu.memory_space<vmem>>, vector<16xi32>,
      %scan3A_134 = arith.constant 1 : i32
      %scan3A_135 = arith.addi %scan3A_95, %scan3A_134 : i32
      %mul3A_136 = arith.constant 16 : i32
      %mul3A_137 = arith.muli %scan3A_135, %mul3A_136 : i32
      %get3A_138 = arith.index_cast %mul3A_137 : i32 to index
      %get3A_139 = tpu.vector_load %arg7[%get3A_138] {strides = array<i32>} : memref<10000xi32, #tpu.memory_space<vmem>>, vector<16xi32>,
      %bitcast3A_140 = vector.bitcast %get3A_139 : vector<16xi32> to vector<32xbf16>
      %get3A_141 = arith.index_cast %mul3A_137 : i32 to index
      %get3A_142 = tpu.vector_load %arg9[%get3A_141] {strides = array<i32>} : memref<10000xi32, #tpu.memory_space<vmem>>, vector<16xi32>,
      %bitcast3A_143 = vector.bitcast %get3A_142 : vector<16xi32> to vector<32xbf16>
      %max3A_144 = arith.maximumf %bitcast3A_140, %bitcast3A_143 : vector<32xbf16>
      %get3A_145 = arith.index_cast %mul3A_137 : i32 to index
      %get3A_146 = tpu.vector_load %arg11[%get3A_145] {strides = array<i32>} : memref<10000xi32, #tpu.memory_space<vmem>>, vector<16xi32>,
      %bitcast3A_147 = vector.bitcast %get3A_146 : vector<16xi32> to vector<32xbf16>
      %get3A_148 = arith.index_cast %mul3A_137 : i32 to index
      %get3A_149 = tpu.vector_load %arg13[%get3A_148] {strides = array<i32>} : memref<10000xi32, #tpu.memory_space<vmem>>, vector<16xi32>,
      %bitcast3A_150 = vector.bitcast %get3A_149 : vector<16xi32> to vector<32xbf16>
      %max3A_151 = arith.maximumf %bitcast3A_147, %bitcast3A_150 : vector<32xbf16>
      %max3A_152 = arith.maximumf %max3A_144, %max3A_151 : vector<32xbf16>
      %bitcast3A_153 = vector.bitcast %max3A_152 : vector<32xbf16> to vector<16xi32>
      %swap3A_154 = arith.index_cast %mul3A_137 : i32 to index
      %swap3A_155 = tpu.vector_load %arg7[%swap3A_154] {strides = array<i32>} : memref<10000xi32, #tpu.memory_space<vmem>>, vector<16xi32>,
      tpu.vector_store %arg7[%swap3A_154], %bitcast3A_153 {strides = array<i32>} : memref<10000xi32, #tpu.memory_space<vmem>>, vector<16xi32>,
      %get3A_156 = arith.index_cast %mul3A_137 : i32 to index
      %get3A_157 = tpu.vector_load %arg8[%get3A_156] {strides = array<i32>} : memref<10000xi32, #tpu.memory_space<vmem>>, vector<16xi32>,
      %bitcast3A_158 = vector.bitcast %get3A_157 : vector<16xi32> to vector<32xbf16>
      %get3A_159 = arith.index_cast %mul3A_137 : i32 to index
      %get3A_160 = tpu.vector_load %arg10[%get3A_159] {strides = array<i32>} : memref<10000xi32, #tpu.memory_space<vmem>>, vector<16xi32>,
      %bitcast3A_161 = vector.bitcast %get3A_160 : vector<16xi32> to vector<32xbf16>
      %max3A_162 = arith.maximumf %bitcast3A_158, %bitcast3A_161 : vector<32xbf16>
      %get3A_163 = arith.index_cast %mul3A_137 : i32 to index
      %get3A_164 = tpu.vector_load %arg12[%get3A_163] {strides = array<i32>} : memref<10000xi32, #tpu.memory_space<vmem>>, vector<16xi32>,
      %bitcast3A_165 = vector.bitcast %get3A_164 : vector<16xi32> to vector<32xbf16>
      %get3A_166 = arith.index_cast %mul3A_137 : i32 to index
      %get3A_167 = tpu.vector_load %arg14[%get3A_166] {strides = array<i32>} : memref<10000xi32, #tpu.memory_space<vmem>>, vector<16xi32>,
      %bitcast3A_168 = vector.bitcast %get3A_167 : vector<16xi32> to vector<32xbf16>
      %max3A_169 = arith.maximumf %bitcast3A_165, %bitcast3A_168 : vector<32xbf16>
      %max3A_170 = arith.maximumf %max3A_162, %max3A_169 : vector<32xbf16>
      %bitcast3A_171 = vector.bitcast %max3A_170 : vector<32xbf16> to vector<16xi32>
      %swap3A_172 = arith.index_cast %mul3A_137 : i32 to index
      %swap3A_173 = tpu.vector_load %arg8[%swap3A_172] {strides = array<i32>} : memref<10000xi32, #tpu.memory_space<vmem>>, vector<16xi32>,
      tpu.vector_store %arg8[%swap3A_172], %bitcast3A_171 {strides = array<i32>} : memref<10000xi32, #tpu.memory_space<vmem>>, vector<16xi32>,
      %scan3A_174 = arith.constant 2 : i32
      %scan3A_175 = arith.addi %scan3A_95, %scan3A_174 : i32
      %mul3A_176 = arith.constant 16 : i32
      %mul3A_177 = arith.muli %scan3A_175, %mul3A_176 : i32
      %get3A_178 = arith.index_cast %mul3A_177 : i32 to index
      %get3A_179 = tpu.vector_load %arg7[%get3A_178] {strides = array<i32>} : memref<10000xi32, #tpu.memory_space<vmem>>, vector<16xi32>,
      %bitcast3A_180 = vector.bitcast %get3A_179 : vector<16xi32> to vector<32xbf16>
      %get3A_181 = arith.index_cast %mul3A_177 : i32 to index
      %get3A_182 = tpu.vector_load %arg9[%get3A_181] {strides = array<i32>} : memref<10000xi32, #tpu.memory_space<vmem>>, vector<16xi32>,
      %bitcast3A_183 = vector.bitcast %get3A_182 : vector<16xi32> to vector<32xbf16>
      %max3A_184 = arith.maximumf %bitcast3A_180, %bitcast3A_183 : vector<32xbf16>
      %get3A_185 = arith.index_cast %mul3A_177 : i32 to index
      %get3A_186 = tpu.vector_load %arg11[%get3A_185] {strides = array<i32>} : memref<10000xi32, #tpu.memory_space<vmem>>, vector<16xi32>,
      %bitcast3A_187 = vector.bitcast %get3A_186 : vector<16xi32> to vector<32xbf16>
      %get3A_188 = arith.index_cast %mul3A_177 : i32 to index
      %get3A_189 = tpu.vector_load %arg13[%get3A_188] {strides = array<i32>} : memref<10000xi32, #tpu.memory_space<vmem>>, vector<16xi32>,
      %bitcast3A_190 = vector.bitcast %get3A_189 : vector<16xi32> to vector<32xbf16>
      %max3A_191 = arith.maximumf %bitcast3A_187, %bitcast3A_190 : vector<32xbf16>
      %max3A_192 = arith.maximumf %max3A_184, %max3A_191 : vector<32xbf16>
      %bitcast3A_193 = vector.bitcast %max3A_192 : vector<32xbf16> to vector<16xi32>
      %swap3A_194 = arith.index_cast %mul3A_177 : i32 to index
      %swap3A_195 = tpu.vector_load %arg7[%swap3A_194] {strides = array<i32>} : memref<10000xi32, #tpu.memory_space<vmem>>, vector<16xi32>,
      tpu.vector_store %arg7[%swap3A_194], %bitcast3A_193 {strides = array<i32>} : memref<10000xi32, #tpu.memory_space<vmem>>, vector<16xi32>,
      %get3A_196 = arith.index_cast %mul3A_177 : i32 to index
      %get3A_197 = tpu.vector_load %arg8[%get3A_196] {strides = array<i32>} : memref<10000xi32, #tpu.memory_space<vmem>>, vector<16xi32>,
      %bitcast3A_198 = vector.bitcast %get3A_197 : vector<16xi32> to vector<32xbf16>
      %get3A_199 = arith.index_cast %mul3A_177 : i32 to index
      %get3A_200 = tpu.vector_load %arg10[%get3A_199] {strides = array<i32>} : memref<10000xi32, #tpu.memory_space<vmem>>, vector<16xi32>,
      %bitcast3A_201 = vector.bitcast %get3A_200 : vector<16xi32> to vector<32xbf16>
      %max3A_202 = arith.maximumf %bitcast3A_198, %bitcast3A_201 : vector<32xbf16>
      %get3A_203 = arith.index_cast %mul3A_177 : i32 to index
      %get3A_204 = tpu.vector_load %arg12[%get3A_203] {strides = array<i32>} : memref<10000xi32, #tpu.memory_space<vmem>>, vector<16xi32>,
      %bitcast3A_205 = vector.bitcast %get3A_204 : vector<16xi32> to vector<32xbf16>
      %get3A_206 = arith.index_cast %mul3A_177 : i32 to index
      %get3A_207 = tpu.vector_load %arg14[%get3A_206] {strides = array<i32>} : memref<10000xi32, #tpu.memory_space<vmem>>, vector<16xi32>,
      %bitcast3A_208 = vector.bitcast %get3A_207 : vector<16xi32> to vector<32xbf16>
      %max3A_209 = arith.maximumf %bitcast3A_205, %bitcast3A_208 : vector<32xbf16>
      %max3A_210 = arith.maximumf %max3A_202, %max3A_209 : vector<32xbf16>
      %bitcast3A_211 = vector.bitcast %max3A_210 : vector<32xbf16> to vector<16xi32>
      %swap3A_212 = arith.index_cast %mul3A_177 : i32 to index
      %swap3A_213 = tpu.vector_load %arg8[%swap3A_212] {strides = array<i32>} : memref<10000xi32, #tpu.memory_space<vmem>>, vector<16xi32>,
      tpu.vector_store %arg8[%swap3A_212], %bitcast3A_211 {strides = array<i32>} : memref<10000xi32, #tpu.memory_space<vmem>>, vector<16xi32>,
      %scan3A_214 = arith.constant 3 : i32
      %scan3A_215 = arith.addi %scan3A_95, %scan3A_214 : i32
      %mul3A_216 = arith.constant 16 : i32
      %mul3A_217 = arith.muli %scan3A_215, %mul3A_216 : i32
      %get3A_218 = arith.index_cast %mul3A_217 : i32 to index
      %get3A_219 = tpu.vector_load %arg7[%get3A_218] {strides = array<i32>} : memref<10000xi32, #tpu.memory_space<vmem>>, vector<16xi32>,
      %bitcast3A_220 = vector.bitcast %get3A_219 : vector<16xi32> to vector<32xbf16>
      %get3A_221 = arith.index_cast %mul3A_217 : i32 to index
      %get3A_222 = tpu.vector_load %arg9[%get3A_221] {strides = array<i32>} : memref<10000xi32, #tpu.memory_space<vmem>>, vector<16xi32>,
      %bitcast3A_223 = vector.bitcast %get3A_222 : vector<16xi32> to vector<32xbf16>
      %max3A_224 = arith.maximumf %bitcast3A_220, %bitcast3A_223 : vector<32xbf16>
      %get3A_225 = arith.index_cast %mul3A_217 : i32 to index
      %get3A_226 = tpu.vector_load %arg11[%get3A_225] {strides = array<i32>} : memref<10000xi32, #tpu.memory_space<vmem>>, vector<16xi32>,
      %bitcast3A_227 = vector.bitcast %get3A_226 : vector<16xi32> to vector<32xbf16>
      %get3A_228 = arith.index_cast %mul3A_217 : i32 to index
      %get3A_229 = tpu.vector_load %arg13[%get3A_228] {strides = array<i32>} : memref<10000xi32, #tpu.memory_space<vmem>>, vector<16xi32>,
      %bitcast3A_230 = vector.bitcast %get3A_229 : vector<16xi32> to vector<32xbf16>
      %max3A_231 = arith.maximumf %bitcast3A_227, %bitcast3A_230 : vector<32xbf16>
      %max3A_232 = arith.maximumf %max3A_224, %max3A_231 : vector<32xbf16>
      %bitcast3A_233 = vector.bitcast %max3A_232 : vector<32xbf16> to vector<16xi32>
      %swap3A_234 = arith.index_cast %mul3A_217 : i32 to index
      %swap3A_235 = tpu.vector_load %arg7[%swap3A_234] {strides = array<i32>} : memref<10000xi32, #tpu.memory_space<vmem>>, vector<16xi32>,
      tpu.vector_store %arg7[%swap3A_234], %bitcast3A_233 {strides = array<i32>} : memref<10000xi32, #tpu.memory_space<vmem>>, vector<16xi32>,
      %get3A_236 = arith.index_cast %mul3A_217 : i32 to index
      %get3A_237 = tpu.vector_load %arg8[%get3A_236] {strides = array<i32>} : memref<10000xi32, #tpu.memory_space<vmem>>, vector<16xi32>,
      %bitcast3A_238 = vector.bitcast %get3A_237 : vector<16xi32> to vector<32xbf16>
      %get3A_239 = arith.index_cast %mul3A_217 : i32 to index
      %get3A_240 = tpu.vector_load %arg10[%get3A_239] {strides = array<i32>} : memref<10000xi32, #tpu.memory_space<vmem>>, vector<16xi32>,
      %bitcast3A_241 = vector.bitcast %get3A_240 : vector<16xi32> to vector<32xbf16>
      %max3A_242 = arith.maximumf %bitcast3A_238, %bitcast3A_241 : vector<32xbf16>
      %get3A_243 = arith.index_cast %mul3A_217 : i32 to index
      %get3A_244 = tpu.vector_load %arg12[%get3A_243] {strides = array<i32>} : memref<10000xi32, #tpu.memory_space<vmem>>, vector<16xi32>,
      %bitcast3A_245 = vector.bitcast %get3A_244 : vector<16xi32> to vector<32xbf16>
      %get3A_246 = arith.index_cast %mul3A_217 : i32 to index
      %get3A_247 = tpu.vector_load %arg14[%get3A_246] {strides = array<i32>} : memref<10000xi32, #tpu.memory_space<vmem>>, vector<16xi32>,
      %bitcast3A_248 = vector.bitcast %get3A_247 : vector<16xi32> to vector<32xbf16>
      %max3A_249 = arith.maximumf %bitcast3A_245, %bitcast3A_248 : vector<32xbf16>
      %max3A_250 = arith.maximumf %max3A_242, %max3A_249 : vector<32xbf16>
      %bitcast3A_251 = vector.bitcast %max3A_250 : vector<32xbf16> to vector<16xi32>
      %swap3A_252 = arith.index_cast %mul3A_217 : i32 to index
      %swap3A_253 = tpu.vector_load %arg8[%swap3A_252] {strides = array<i32>} : memref<10000xi32, #tpu.memory_space<vmem>>, vector<16xi32>,
      tpu.vector_store %arg8[%swap3A_252], %bitcast3A_251 {strides = array<i32>} : memref<10000xi32, #tpu.memory_space<vmem>>, vector<16xi32>,
    }
    %scan3A_55 = arith.constant 624 : i32
    %scan3A_56 = arith.addi %scan3A_51, %scan3A_55 : i32
    %mul3A_57 = arith.constant 16 : i32
    %mul3A_58 = arith.muli %scan3A_56, %mul3A_57 : i32
    %get3A = arith.index_cast %mul3A_58 : i32 to index
    %get3A_59 = tpu.vector_load %arg7[%get3A] {strides = array<i32>} : memref<10000xi32, #tpu.memory_space<vmem>>, vector<16xi32>,
    %bitcast3A = vector.bitcast %get3A_59 : vector<16xi32> to vector<32xbf16>
    %get3A_60 = arith.index_cast %mul3A_58 : i32 to index
    %get3A_61 = tpu.vector_load %arg9[%get3A_60] {strides = array<i32>} : memref<10000xi32, #tpu.memory_space<vmem>>, vector<16xi32>,
    %bitcast3A_62 = vector.bitcast %get3A_61 : vector<16xi32> to vector<32xbf16>
    %max3A = arith.maximumf %bitcast3A, %bitcast3A_62 : vector<32xbf16>
    %get3A_63 = arith.index_cast %mul3A_58 : i32 to index
    %get3A_64 = tpu.vector_load %arg11[%get3A_63] {strides = array<i32>} : memref<10000xi32, #tpu.memory_space<vmem>>, vector<16xi32>,
    %bitcast3A_65 = vector.bitcast %get3A_64 : vector<16xi32> to vector<32xbf16>
    %get3A_66 = arith.index_cast %mul3A_58 : i32 to index
    %get3A_67 = tpu.vector_load %arg13[%get3A_66] {strides = array<i32>} : memref<10000xi32, #tpu.memory_space<vmem>>, vector<16xi32>,
    %bitcast3A_68 = vector.bitcast %get3A_67 : vector<16xi32> to vector<32xbf16>
    %max3A_69 = arith.maximumf %bitcast3A_65, %bitcast3A_68 : vector<32xbf16>
    %max3A_70 = arith.maximumf %max3A, %max3A_69 : vector<32xbf16>
    %bitcast3A_71 = vector.bitcast %max3A_70 : vector<32xbf16> to vector<16xi32>
    %swap3A_72 = arith.index_cast %mul3A_58 : i32 to index
    %swap3A_73 = tpu.vector_load %arg7[%swap3A_72] {strides = array<i32>} : memref<10000xi32, #tpu.memory_space<vmem>>, vector<16xi32>,
    tpu.vector_store %arg7[%swap3A_72], %bitcast3A_71 {strides = array<i32>} : memref<10000xi32, #tpu.memory_space<vmem>>, vector<16xi32>,
    %get3A_74 = arith.index_cast %mul3A_58 : i32 to index
    %get3A_75 = tpu.vector_load %arg8[%get3A_74] {strides = array<i32>} : memref<10000xi32, #tpu.memory_space<vmem>>, vector<16xi32>,
    %bitcast3A_76 = vector.bitcast %get3A_75 : vector<16xi32> to vector<32xbf16>
    %get3A_77 = arith.index_cast %mul3A_58 : i32 to index
    %get3A_78 = tpu.vector_load %arg10[%get3A_77] {strides = array<i32>} : memref<10000xi32, #tpu.memory_space<vmem>>, vector<16xi32>,
    %bitcast3A_79 = vector.bitcast %get3A_78 : vector<16xi32> to vector<32xbf16>
    %max3A_80 = arith.maximumf %bitcast3A_76, %bitcast3A_79 : vector<32xbf16>
    %get3A_81 = arith.index_cast %mul3A_58 : i32 to index
    %get3A_82 = tpu.vector_load %arg12[%get3A_81] {strides = array<i32>} : memref<10000xi32, #tpu.memory_space<vmem>>, vector<16xi32>,
    %bitcast3A_83 = vector.bitcast %get3A_82 : vector<16xi32> to vector<32xbf16>
    %get3A_84 = arith.index_cast %mul3A_58 : i32 to index
    %get3A_85 = tpu.vector_load %arg14[%get3A_84] {strides = array<i32>} : memref<10000xi32, #tpu.memory_space<vmem>>, vector<16xi32>,
    %bitcast3A_86 = vector.bitcast %get3A_85 : vector<16xi32> to vector<32xbf16>
    %max3A_87 = arith.maximumf %bitcast3A_83, %bitcast3A_86 : vector<32xbf16>
    %max3A_88 = arith.maximumf %max3A_80, %max3A_87 : vector<32xbf16>
    %bitcast3A_89 = vector.bitcast %max3A_88 : vector<32xbf16> to vector<16xi32>
    %swap3A_90 = arith.index_cast %mul3A_58 : i32 to index
    %swap3A_91 = tpu.vector_load %arg8[%swap3A_90] {strides = array<i32>} : memref<10000xi32, #tpu.memory_space<vmem>>, vector<16xi32>,
    tpu.vector_store %arg8[%swap3A_90], %bitcast3A_89 {strides = array<i32>} : memref<10000xi32, #tpu.memory_space<vmem>>, vector<16xi32>,
    %scan3A_92 = arith.constant 625 : i32
    %run_scoped3A_93 = arith.constant 0 : i32
    "tpu.region"() ({
      %run_scoped3A_95 = tpu.sem_alloc : memref<!tpu.dma_semaphore, #tpu.memory_space<semaphore_mem>>
      %dma_start3A_96 = arith.constant 0 : i32
      %dma_start3A_97 = tpu.memref_slice %arg4[%add3A, %run_scoped3A_93, %dma_start3A_96] : memref<32x2x10000xi32, #tpu.memory_space<hbm>> -> memref<1x1x10000xi32, #tpu.memory_space<hbm>>
      %dma_start3A_98 = tpu.memref_squeeze %dma_start3A_97 : memref<1x1x10000xi32, #tpu.memory_space<hbm>> -> memref<10000xi32, #tpu.memory_space<hbm>>
      %dma_start3A_99 = arith.constant 0 : i32
      %dma_start3A_100 = tpu.memref_slice %arg4[%add3A, %run_scoped3A_93, %dma_start3A_99] : memref<32x2x10000xi32, #tpu.memory_space<hbm>> -> memref<1x1x10000xi32, #tpu.memory_space<hbm>>
      %dma_start3A_101 = tpu.memref_squeeze %dma_start3A_100 : memref<1x1x10000xi32, #tpu.memory_space<hbm>> -> memref<10000xi32, #tpu.memory_space<hbm>>
      tpu.enqueue_dma source(%arg7 : memref<10000xi32, #tpu.memory_space<vmem>>) target(%dma_start3A_101 : memref<10000xi32, #tpu.memory_space<hbm>>) target_semaphore(%run_scoped3A_95 : memref<!tpu.dma_semaphore, #tpu.memory_space<semaphore_mem>>)
      %dma_wait3A = arith.constant 0 : i32
      %dma_wait3A_102 = tpu.memref_slice %arg4[%add3A, %run_scoped3A_93, %dma_wait3A] : memref<32x2x10000xi32, #tpu.memory_space<hbm>> -> memref<1x1x10000xi32, #tpu.memory_space<hbm>>
      %dma_wait3A_103 = tpu.memref_squeeze %dma_wait3A_102 : memref<1x1x10000xi32, #tpu.memory_space<hbm>> -> memref<10000xi32, #tpu.memory_space<hbm>>
      %dma_wait3A_104 = arith.constant 0 : i32
      %dma_wait3A_105 = tpu.memref_slice %arg4[%add3A, %run_scoped3A_93, %dma_wait3A_104] : memref<32x2x10000xi32, #tpu.memory_space<hbm>> -> memref<1x1x10000xi32, #tpu.memory_space<hbm>>
      %dma_wait3A_106 = tpu.memref_squeeze %dma_wait3A_105 : memref<1x1x10000xi32, #tpu.memory_space<hbm>> -> memref<10000xi32, #tpu.memory_space<hbm>>
      tpu.wait_dma2 semaphore(%run_scoped3A_95 : memref<!tpu.dma_semaphore, #tpu.memory_space<semaphore_mem>>) src(%arg7 : memref<10000xi32, #tpu.memory_space<vmem>>) dst(%dma_wait3A_106 : memref<10000xi32, #tpu.memory_space<hbm>>)
      tpu.yield
    }) : () -> ()
    %run_scoped3A_94 = arith.constant 1 : i32
    "tpu.region"() ({
      %run_scoped3A_95 = tpu.sem_alloc : memref<!tpu.dma_semaphore, #tpu.memory_space<semaphore_mem>>
      %dma_start3A_96 = arith.constant 0 : i32
      %dma_start3A_97 = tpu.memref_slice %arg4[%add3A, %run_scoped3A_94, %dma_start3A_96] : memref<32x2x10000xi32, #tpu.memory_space<hbm>> -> memref<1x1x10000xi32, #tpu.memory_space<hbm>>
      %dma_start3A_98 = tpu.memref_squeeze %dma_start3A_97 : memref<1x1x10000xi32, #tpu.memory_space<hbm>> -> memref<10000xi32, #tpu.memory_space<hbm>>
      %dma_start3A_99 = arith.constant 0 : i32
      %dma_start3A_100 = tpu.memref_slice %arg4[%add3A, %run_scoped3A_94, %dma_start3A_99] : memref<32x2x10000xi32, #tpu.memory_space<hbm>> -> memref<1x1x10000xi32, #tpu.memory_space<hbm>>
      %dma_start3A_101 = tpu.memref_squeeze %dma_start3A_100 : memref<1x1x10000xi32, #tpu.memory_space<hbm>> -> memref<10000xi32, #tpu.memory_space<hbm>>
      tpu.enqueue_dma source(%arg8 : memref<10000xi32, #tpu.memory_space<vmem>>) target(%dma_start3A_101 : memref<10000xi32, #tpu.memory_space<hbm>>) target_semaphore(%run_scoped3A_95 : memref<!tpu.dma_semaphore, #tpu.memory_space<semaphore_mem>>)
      %dma_wait3A = arith.constant 0 : i32
      %dma_wait3A_102 = tpu.memref_slice %arg4[%add3A, %run_scoped3A_94, %dma_wait3A] : memref<32x2x10000xi32, #tpu.memory_space<hbm>> -> memref<1x1x10000xi32, #tpu.memory_space<hbm>>
      %dma_wait3A_103 = tpu.memref_squeeze %dma_wait3A_102 : memref<1x1x10000xi32, #tpu.memory_space<hbm>> -> memref<10000xi32, #tpu.memory_space<hbm>>
      %dma_wait3A_104 = arith.constant 0 : i32
      %dma_wait3A_105 = tpu.memref_slice %arg4[%add3A, %run_scoped3A_94, %dma_wait3A_104] : memref<32x2x10000xi32, #tpu.memory_space<hbm>> -> memref<1x1x10000xi32, #tpu.memory_space<hbm>>
      %dma_wait3A_106 = tpu.memref_squeeze %dma_wait3A_105 : memref<1x1x10000xi32, #tpu.memory_space<hbm>> -> memref<10000xi32, #tpu.memory_space<hbm>>
      tpu.wait_dma2 semaphore(%run_scoped3A_95 : memref<!tpu.dma_semaphore, #tpu.memory_space<semaphore_mem>>) src(%arg8 : memref<10000xi32, #tpu.memory_space<vmem>>) dst(%dma_wait3A_106 : memref<10000xi32, #tpu.memory_space<hbm>>)
      tpu.yield
    }) : () -> ()
    return
  }
}

module attributes {stable_mosaic.version = 14 : i64} {
  func.func @_ab_body(%arg0: i32, %arg1: memref<1000x128xf32, #tpu.memory_space<vmem>>, %arg2: memref<128x128xf32, #tpu.memory_space<vmem>>, %arg3: memref<128x128xf32, #tpu.memory_space<vmem>>, %arg4: memref<1x128xf32, #tpu.memory_space<vmem>>, %arg5: memref<1x128xf32, #tpu.memory_space<vmem>>, %arg6: memref<1000x128xf32, #tpu.memory_space<vmem>>, %arg7: memref<1000x128xbf16, #tpu.memory_space<vmem>>) attributes {dimension_semantics = [#tpu.dimension_semantics<arbitrary>], iteration_bounds = array<i64: 10>, scalar_prefetch = 0 : i64, scratch_operands = 0 : i64, tpu.core_type = #tpu.core_type<tc>, window_params = [{transform_indices = @transform_0, window_bounds = array<i64: 1000, 128>}, {pipeline_mode = #tpu.pipeline_mode<synchronous>, transform_indices = @transform_1, window_bounds = array<i64: 128, 128>}, {pipeline_mode = #tpu.pipeline_mode<synchronous>, transform_indices = @transform_2, window_bounds = array<i64: 128, 128>}, {pipeline_mode = #tpu.pipeline_mode<synchronous>, transform_indices = @transform_3, window_bounds = array<i64: 1, 128>}, {pipeline_mode = #tpu.pipeline_mode<synchronous>, transform_indices = @transform_4, window_bounds = array<i64: 1, 128>}, {transform_indices = @transform_5, window_bounds = array<i64: 1000, 128>}, {transform_indices = @transform_6, window_bounds = array<i64: 1000, 128>}]} {
    %get3A = arith.constant 0 : index
    %get3A_0 = arith.constant 0 : index
    %get3A_1 = vector.load %arg1[%get3A, %get3A_0] : memref<1000x128xf32, #tpu.memory_space<vmem>>, vector<1000x128xf32>
    %get3A_2 = arith.constant 0 : index
    %get3A_3 = arith.constant 0 : index
    %get3A_4 = vector.load %arg2[%get3A_2, %get3A_3] : memref<128x128xf32, #tpu.memory_space<vmem>>, vector<128x128xf32>
    %dot_general3A = arith.constant dense<0.000000e+00> : vector<1000x128xf32>
    %dot_general3A_5 = tpu.matmul %get3A_1, %get3A_4, %dot_general3A {dimension_numbers = #tpu.dot_dimension_numbers<[1], [0], [0], [1], [0, 0, 1, 1], [], []>, transpose_lhs_hint = false} : vector<1000x128xf32>, vector<128x128xf32>, vector<1000x128xf32> -> vector<1000x128xf32>
    %swap3A = arith.constant 0 : index
    %swap3A_6 = arith.constant 0 : index
    %swap3A_7 = vector.load %arg6[%swap3A, %swap3A_6] : memref<1000x128xf32, #tpu.memory_space<vmem>>, vector<1000x128xf32>
    tpu.vector_store %arg6[%swap3A, %swap3A_6], %dot_general3A_5 {strides = array<i32>} : memref<1000x128xf32, #tpu.memory_space<vmem>>, vector<1000x128xf32>,
    %get3A_8 = arith.constant 0 : index
    %get3A_9 = arith.constant 0 : index
    %get3A_10 = vector.load %arg3[%get3A_8, %get3A_9] : memref<128x128xf32, #tpu.memory_space<vmem>>, vector<128x128xf32>
    %sub3A = arith.subf %get3A_10, %get3A_4 : vector<128x128xf32>
    %dot_general3A_11 = arith.constant dense<0.000000e+00> : vector<1000x128xf32>
    %dot_general3A_12 = tpu.matmul %get3A_1, %sub3A, %dot_general3A_11 {dimension_numbers = #tpu.dot_dimension_numbers<[1], [0], [0], [1], [0, 0, 1, 1], [], []>, transpose_lhs_hint = false} : vector<1000x128xf32>, vector<128x128xf32>, vector<1000x128xf32> -> vector<1000x128xf32>
    %get3A_13 = arith.constant 0 : index
    %get3A_14 = arith.constant 0 : index
    %get3A_15 = vector.load %arg4[%get3A_13, %get3A_14] : memref<1x128xf32, #tpu.memory_space<vmem>>, vector<1x128xf32>
    %add3A = vector.broadcast %get3A_15 : vector<1x128xf32> to vector<1000x128xf32>
    %add3A_16 = arith.addf %dot_general3A_12, %add3A : vector<1000x128xf32>
    %get3A_17 = arith.constant 0 : index
    %get3A_18 = arith.constant 0 : index
    %get3A_19 = vector.load %arg5[%get3A_17, %get3A_18] : memref<1x128xf32, #tpu.memory_space<vmem>>, vector<1x128xf32>
    %add3A_20 = vector.broadcast %get3A_19 : vector<1x128xf32> to vector<1000x128xf32>
    %add3A_21 = arith.addf %add3A_16, %add3A_20 : vector<1000x128xf32>
    %convert_element_type3A = arith.truncf %add3A_21 : vector<1000x128xf32> to vector<1000x128xbf16>
    %swap3A_22 = arith.constant 0 : index
    %swap3A_23 = arith.constant 0 : index
    %swap3A_24 = vector.load %arg7[%swap3A_22, %swap3A_23] : memref<1000x128xbf16, #tpu.memory_space<vmem>>, vector<1000x128xbf16>
    tpu.vector_store %arg7[%swap3A_22, %swap3A_23], %convert_element_type3A {strides = array<i32>} : memref<1000x128xbf16, #tpu.memory_space<vmem>>, vector<1000x128xbf16>,
    return
  }
  func.func @transform_0(%arg0: i32) -> (i32, i32) {
    %c0_i32 = arith.constant 0 : i32
    %c0_i32_0 = arith.constant 0 : i32
    return %arg0, %c0_i32 : i32, i32
  }
  func.func @transform_1(%arg0: i32) -> (i32, i32) {
    %c0_i32 = arith.constant 0 : i32
    %c0_i32_0 = arith.constant 0 : i32
    %c0_i32_1 = arith.constant 0 : i32
    return %c0_i32, %c0_i32_0 : i32, i32
  }
  func.func @transform_2(%arg0: i32) -> (i32, i32) {
    %c0_i32 = arith.constant 0 : i32
    %c0_i32_0 = arith.constant 0 : i32
    %c0_i32_1 = arith.constant 0 : i32
    return %c0_i32, %c0_i32_0 : i32, i32
  }
  func.func @transform_3(%arg0: i32) -> (i32, i32) {
    %c0_i32 = arith.constant 0 : i32
    %c0_i32_0 = arith.constant 0 : i32
    %c0_i32_1 = arith.constant 0 : i32
    return %c0_i32, %c0_i32_0 : i32, i32
  }
  func.func @transform_4(%arg0: i32) -> (i32, i32) {
    %c0_i32 = arith.constant 0 : i32
    %c0_i32_0 = arith.constant 0 : i32
    %c0_i32_1 = arith.constant 0 : i32
    return %c0_i32, %c0_i32_0 : i32, i32
  }
  func.func @transform_5(%arg0: i32) -> (i32, i32) {
    %c0_i32 = arith.constant 0 : i32
    %c0_i32_0 = arith.constant 0 : i32
    return %arg0, %c0_i32 : i32, i32
  }
  func.func @transform_6(%arg0: i32) -> (i32, i32) {
    %c0_i32 = arith.constant 0 : i32
    %c0_i32_0 = arith.constant 0 : i32
    return %arg0, %c0_i32 : i32, i32
  }
}

module attributes {stable_mosaic.version = 14 : i64} {
  func.func @_combine_body(%arg0: i32, %arg1: memref<1000x128xf32, #tpu.memory_space<vmem>>, %arg2: memref<1000x128xbf16, #tpu.memory_space<vmem>>, %arg3: memref<1000x128xf32, #tpu.memory_space<vmem>>) attributes {dimension_semantics = [#tpu.dimension_semantics<arbitrary>], iteration_bounds = array<i64: 10>, scalar_prefetch = 0 : i64, scratch_operands = 0 : i64, tpu.core_type = #tpu.core_type<tc>, window_params = [{transform_indices = @transform_0, window_bounds = array<i64: 1000, 128>}, {transform_indices = @transform_1, window_bounds = array<i64: 1000, 128>}, {transform_indices = @transform_2, window_bounds = array<i64: 1000, 128>}]} {
    %get3A = arith.constant 0 : index
    %get3A_0 = arith.constant 0 : index
    %get3A_1 = vector.load %arg2[%get3A, %get3A_0] : memref<1000x128xbf16, #tpu.memory_space<vmem>>, vector<1000x128xbf16>
    %convert_element_type3A = arith.extf %get3A_1 : vector<1000x128xbf16> to vector<1000x128xf32>
    %is_finite3A = tpu.weird %convert_element_type3A : vector<1000x128xf32> -> vector<1000x128xi1>
    %is_finite3A_2 = arith.constant dense<true> : vector<1000x128xi1>
    %is_finite3A_3 = arith.xori %is_finite3A, %is_finite3A_2 : vector<1000x128xi1>
    %get3A_4 = arith.constant 0 : index
    %get3A_5 = arith.constant 0 : index
    %get3A_6 = vector.load %arg1[%get3A_4, %get3A_5] : memref<1000x128xf32, #tpu.memory_space<vmem>>, vector<1000x128xf32>
    %add3A = arith.addf %get3A_6, %convert_element_type3A : vector<1000x128xf32>
    %jit3A = arith.constant 0.000000e+00 : f32
    %broadcast_in_dim3A = vector.broadcast %jit3A : f32 to vector<1000x128xf32>
    %select_n3A = arith.select %is_finite3A_3, %add3A, %broadcast_in_dim3A : vector<1000x128xi1>, vector<1000x128xf32>
    %swap3A = arith.constant 0 : index
    %swap3A_7 = arith.constant 0 : index
    %swap3A_8 = vector.load %arg3[%swap3A, %swap3A_7] : memref<1000x128xf32, #tpu.memory_space<vmem>>, vector<1000x128xf32>
    tpu.vector_store %arg3[%swap3A, %swap3A_7], %select_n3A {strides = array<i32>} : memref<1000x128xf32, #tpu.memory_space<vmem>>, vector<1000x128xf32>,
    return
  }
  func.func @transform_0(%arg0: i32) -> (i32, i32) {
    %c0_i32 = arith.constant 0 : i32
    %c0_i32_0 = arith.constant 0 : i32
    return %arg0, %c0_i32 : i32, i32
  }
  func.func @transform_1(%arg0: i32) -> (i32, i32) {
    %c0_i32 = arith.constant 0 : i32
    %c0_i32_0 = arith.constant 0 : i32
    return %arg0, %c0_i32 : i32, i32
  }
  func.func @transform_2(%arg0: i32) -> (i32, i32) {
    %c0_i32 = arith.constant 0 : i32
    %c0_i32_0 = arith.constant 0 : i32
    return %arg0, %c0_i32 : i32, i32
  }
}

</mosaic_0001>

<sc_bundles>
// kernel: kernel.5.cloned.1.call-start
scs
__scs_entry_jumppad:
0x0: {  	(pc) =	sbr.rel $0x88, $3  }
0x1: {  	(tag) =	ssettag $0x0;
	lr =	simm.s32 $0x1  }
0x2: {  	[smem:$0x3F9B] =	sst lr;
	_ =	strace $0xD0000000  }
0x3: {  	_ = 	snop  }
0x4: {  	_ = 	snop  }
0x5: {  	_ = 	snop  }
0x6: {  	_ = 	snop  }
0x7: {  	_ = 	snop  }
__scs_overlays_trampoline_lowered:
0x8: {  	[smem:$0x3FAA] =	sst s0  }
0x9: {  	[smem:$0x3FAB] =	sst s1  }
0xa: {  	[smem:$0x3FAC] =	sst s2  }
0xb: {  	[smem:$0x3FAD] =	sst s3  }
0xc: {  	[smem:$0x3FAE] =	sst s4  }
0xd: {  	[smem:$0x3FAF] =	sst s5  }
0xe: {  	[smem:$0x3FB0] =	sst s6  }
0xf: {  	[smem:$0x3FB1] =	sst s7  }
0x10: {  	[smem:$0x3FB2] =	sst s8  }
0x11: {  	[smem:$0x3FB3] =	sst s9;
	s0 =	simm.s32 @!p0 $0x0  }
0x12: {  	s1 =	sld [smem:$0x3F99];
	s0 =	simm.s32 @p0 $0x1  }
0x13: {  	[smem:$0x3FB4] =	sst s0;
	s0 =	simm.s32 @!p1 $0x0  }
0x14: {  	s2 =	sld [smem:$0x3F98];
	s0 =	simm.s32 @p1 $0x1  }
0x15: {  	[smem:$0x3FB5] =	sst s0;
	s0 =	simm.s32 @!p2 $0x0  }
0x16: {  	s3 =	sld [smem:$0x3FDB];
	s0 =	simm.s32 @p2 $0x1  }
0x17: {  	s4 =	simm.s32 $0x1BF5;
	[smem:$0x3FB7] =	sst s0  }
0x18: {  	s0 =	sld [smem:$0x3F9A];
	_ =	swait.ge [sflag:s4], $0x0  }
0x19: {  	s7 =	sld [smem:$0x3F9B]  }
0x1a: {  	s8 =	sadd.s32 $0xFFFFE003, lr  }
0x1b: {  	s9 =	sadd.s32 $0xFFFFFEF7, lr;
	s5 =	simm.s32 $0xFFFFFFFF;
	p2 =	slt.u32 s8, $0xFFFFF086  }
0x1c: {  	p1 =	slt.u32 s9, $0xF7A;
	s5 =	simm.s32 @!p2 $0x0  }
0x1d: {  	s5 =	simm.s32 @p1 $0x1;
	p0 =	seq.s32 s7, s2  }
0x1e: {  	s7 =	smul.u32 @!p0 $0xF7A, s2;
	p2 =	seq.s32 @!p0 s5, $0x0  }
0x1f: {  	s9 =	smul.u32 $0xF7A, s1;
	s8 =	simm.s32 @!p0 $0x1BF5;
	p2 =	por !p2, p0  }
0x20: {  	[sflag:s8] =	ssyncset.s32 @!p0 $0xFFFFF086;
	s6 =	sadd.s32 @!p0 s3, s7;
	s7 =	simm.s32 @!p0 $0x108  }
0x21: {  	s3 =	sadd.s32 s3, s9;
	s6 =	sadd.s32 @!p0 $0x88, s6;
	s7 =	simm.s32 @p2 $0x1082  }
0x22: {  	[simem:s7], [sflag:s8] =	dma.local @!p0 [hbm:s6], $0xF7A  }
0x23: {  	s9 =	sor.u32 $0xD0000000, s2;
	s6 =	simm.s32 $0x108;
	_ =	swait.ge @!p0 [sflag:s8], $0x0  }
0x24: {  	s3 =	sadd.s32 $0x88, s3;
	s6 =	simm.s32 @!p1 $0x1082;
	[sflag:s4] =	ssyncset.s32 $0xFFFFF086  }
0x25: {  	[simem:s6], [sflag:s4] =	dma.local [hbm:s3], $0xF7A  }
0x26: {  	[smem:$0x3F9B] =	sst s1;
	(tag) =	ssettag s2;
	_ =	strace s9  }
0x27: {  	s1 =	sld [smem:$0x3FAB]  }
0x28: {  	s2 =	sld [smem:$0x3FAC]  }
0x29: {  	s4 =	sld [smem:$0x3FAE]  }
0x2a: {  	p0 =	seq.s32 s5, $0x0;
	s5 =	sld [smem:$0x3FAF]  }
0x2b: {  	s6 =	sld [smem:$0x3FB0]  }
0x2c: {  	s7 =	sld [smem:$0x3FB1]  }
0x2d: {  	s3 =	simm.s32 $0x108;
	s8 =	sld [smem:$0x3FB2]  }
0x2e: {  	s3 =	simm.s32 @!p0 $0x1082;
	s9 =	sld [smem:$0x3FB3]  }
0x2f: {  	lr =	sadd.s32 s0, s3;
	s0 =	sld [smem:$0x3FAA]  }
0x30: {  	s3 =	sld [smem:$0x3FAD]  }
0x31: {  	[smem:$0x3FB6] =	sst s10  }
0x32: {  	s10 =	sld [smem:$0x3FB4];
	_ =	sdelay $0x3  }
0x33: {  	p0 =	seq.s32 s10, $0x1;
	s10 =	sld [smem:$0x3FB6];
	_ =	sdelay $0x3  }
0x34: {  	[smem:$0x3FB6] =	sst s10  }
0x35: {  	s10 =	sld [smem:$0x3FB5];
	_ =	sdelay $0x3  }
0x36: {  	p1 =	seq.s32 s10, $0x1;
	s10 =	sld [smem:$0x3FB6];
	_ =	sdelay $0x3  }
0x37: {  	[smem:$0x3FB6] =	sst s10  }
0x38: {  	s10 =	sld [smem:$0x3FB7]  }
0x39: {  	_ = 	snop;
	(pc) =	sbr.ind lr, $3  }
0x3a: {  	_ = 	snop  }
0x3b: {  	_ = 	snop  }
0x3c: {  	p2 =	seq.s32 s10, $0x1;
	s10 =	sld [smem:$0x3FB6]  }
0x3d: {  	_ =	shalt  }
0x3e: {  	_ =	shalt  }
0x3f: {  	_ =	shalt  }
0x40: {  	_ =	shalt  }
0x41: {  	_ =	shalt  }
0x42: {  	_ =	shalt  }
0x43: {  	_ =	shalt  }
0x44: {  	_ =	shalt  }
0x45: {  	_ =	shalt  }
0x46: {  	_ =	shalt  }
0x47: {  	_ =	shalt  }
0x48: {  	_ =	shalt  }
0x49: {  	_ =	shalt  }
0x4a: {  	_ =	shalt  }
0x4b: {  	_ =	shalt  }
0x4c: {  	_ =	shalt  }
0x4d: {  	_ =	shalt  }
0x4e: {  	_ =	shalt  }
0x4f: {  	_ =	shalt  }
0x50: {  	_ =	shalt  }
0x51: {  	_ =	shalt  }
0x52: {  	_ =	shalt  }
0x53: {  	_ =	shalt  }
0x54: {  	_ =	shalt  }
0x55: {  	_ =	shalt  }
0x56: {  	_ =	shalt  }
0x57: {  	_ =	shalt  }
0x58: {  	_ =	shalt  }
0x59: {  	_ =	shalt  }
0x5a: {  	_ =	shalt  }
0x5b: {  	_ =	shalt  }
0x5c: {  	_ =	shalt  }
0x5d: {  	_ =	shalt  }
0x5e: {  	_ =	shalt  }
0x5f: {  	_ =	shalt  }
0x60: {  	_ =	shalt  }
0x61: {  	_ =	shalt  }
0x62: {  	_ =	shalt  }
0x63: {  	_ =	shalt  }
0x64: {  	_ =	shalt  }
0x65: {  	_ =	shalt  }
0x66: {  	_ =	shalt  }
0x67: {  	_ =	shalt  }
0x68: {  	_ =	shalt  }
0x69: {  	_ =	shalt  }
0x6a: {  	_ =	shalt  }
0x6b: {  	_ =	shalt  }
0x6c: {  	_ =	shalt  }
0x6d: {  	_ =	shalt  }
0x6e: {  	_ =	shalt  }
0x6f: {  	_ =	shalt  }
0x70: {  	_ =	shalt  }
0x71: {  	_ =	shalt  }
0x72: {  	_ =	shalt  }
0x73: {  	_ =	shalt  }
0x74: {  	_ =	shalt  }
0x75: {  	_ =	shalt  }
0x76: {  	_ =	shalt  }
0x77: {  	_ =	shalt  }
0x78: {  	_ =	shalt  }
0x79: {  	_ =	shalt  }
0x7a: {  	_ =	shalt  }
0x7b: {  	_ =	shalt  }
0x7c: {  	_ =	shalt  }
0x7d: {  	_ =	shalt  }
0x7e: {  	_ =	shalt  }
0x7f: {  	_ =	shalt  }
0x80: {  	_ =	shalt  }
0x81: {  	_ =	shalt  }
0x82: {  	_ =	shalt  }
0x83: {  	_ =	shalt  }
0x84: {  	_ =	shalt  }
0x85: {  	_ =	shalt  }
0x86: {  	_ =	shalt  }
0x87: {  	_ =	shalt  }
.Lfunc_end0:
.L_simem_size_0:
called_computation_lowered:
.L_overlay_start_0:
0x88: {  	s2 =	sld [smem:$0x3FD9]  }
0x89: {  	s3 =	sld [smem:$0x3FFE];
	_ =	sdelay $0x1  }
0x8a: {  	s1 =	srdreg.scid  }
0x8b: {  	s0 =	sand.u32 $0x1, s1  }
0x8c: {  	s17 =	sshll.u32 s0, $0xA;
	s2 =	sadd.s32 s3, s2  }
0x8d: {  	s2 =	sadd.s32 s2, s17  }
0x8e: {  	[smem:$0x3FC2] =	sst s2  }
0x8f: {  	_ = 	snop  }
0x90: {  	s2 =	sld [smem:$0x3FD0];
	(tm) =	ssettm $0x1  }
0x91: {  	s18 =	sld [smem:$0x3FFB];
	_ =	sdelay $0x3  }
0x92: {  	_ =	strace s18  }
0x93: {  	s3 =	sld [smem:$0x3FFC];
	_ =	sdelay $0x3  }
0x94: {  	_ =	strace s3  }
0x95: {  	s3 =	sld [smem:$0x3FFD];
	_ =	sdelay $0x3  }
0x96: {  	_ =	strace s3  }
0x97: {  	_ =	strace $0x8FFFFFFF  }
0x98: {  	s19 =	sld [smem:$0x3FDB];
	_ =	sdelay $0x1  }
0x99: {  	s4 =	simm.s32 $_scs_section_size  }
0x9a: {  	s5 =	simm.s32 $_size__tile_overlayer_lowered;
	s6 =	simm.s32 $_tile_overlayer_lowered  }
0x9b: {  	s22 =	simm.s32 $0x1BFF;
	s21 =	sshll.u32 s6, $0x1;
	s3 =	sadd.s32 s4, s19  }
0x9c: {  	s7 =	simm.s32 $0x0;
	s20 =	sshll.u32 s5, $0x1;
	s5 =	sadd.s32 s21, s3  }
0x9d: {  	[timem:s7], [sflag:s22] =	dma.local [hbm:s5], s20  }
0x9e: {  	_ =	swait.ge [sflag:s22], s20  }
0x9f: {  	s4 =	ssub.s32 $0x0, s20;
	[sflag:s22] =	ssyncset.done $0x0  }
0xa0: {  	[sflag:s22] =	ssyncadd.s32 s4;
	_ =	sdelay $0x1  }
0xa1: {  	s23 =	simm.s32 $0x1B8B  }
0xa2: {  	_ =	swait.ge [sflag:s23], $0x1  }
0xa3: {  	[sflag:s23] =	ssyncset.done $0x0  }
0xa4: {  	s25 =	simm.s32 $0x1B8E;
	s24 =	sld [smem:$0x3FFE];
	[sflag:s23] =	ssyncadd.s32 $0xFFFFFFFF  }
0xa5: {  	s26 =	simm.s32 $execute0_lowered;
	[smem:$0x3FD2] =	sst s25  }
0xa6: {  	s5 =	sshll.u32 s26, $0x1;
	_ =	strace $0x80000046;
	[dreg:$0x1] =	wrdreg $0xFFFFFFFF  }
0xa7: {  	s28 =	simm.s32 $_size_execute0_lowered;
	s3 =	sadd.s32 s3, s5;
	[dreg:$0x0] =	wrdreg $0x0  }
0xa8: {  	s5 =	sshll.u32 s28, $0x1;
	[dreg:$0x2] =	wrdreg s3  }
0xa9: {  	[dreg:$0x3] =	wrdreg s5  }
0xaa: {  	[dreg:$0x4] =	wrdreg $0xC0  }
0xab: {  	_ =	task [dreg:s7], $0x5FFFF  }
0xac: {  	[dreg:$0x1] =	wrdreg $0xFFFFFFFF  }
0xad: {  	[dreg:$0x0] =	wrdreg $0x60  }
0xae: {  	[dreg:$0x2] =	wrdreg s2  }
0xaf: {  	[dreg:$0x3] =	wrdreg s24  }
0xb0: {  	[dreg:$0x4] =	wrdreg $0x9  }
0xb1: {  	_ =	task.clear_ibuf [dreg:s7], $0x5FFFF;
	_ =	strace $0x90000046  }
0xb2: {  	s29 =	simm.s32 $0x9;
	_ =	strace $0x80000048  }
0xb3: {  	_ =	swait.ge [sflag:s29], $0x1  }
0xb4: {  	[sflag:s29] =	ssyncadd.s32 $0xFFFFFFFF  }
0xb5: {  	_ =	strace $0x90000048  }
0xb6: {  	_ =	sfence  }
0xb7: {  	s30 =	sld [smem:$0x0];
	_ =	sdelay $0x2  }
0xb8: {  	s31 =	sshll.u32 s1, $0xD;
	s1 =	sshrl.u32 s1, $0x2  }
0xb9: {  	s3 =	sand.u32 $0x4000, s31;
	s1 =	sadd.s32 s1, s30  }
0xba: {  	s0 =	sor.u32 s3, s0;
	s1 =	sshll.u32 s1, $0x11  }
0xbb: {  	s0 =	sor.u32 s1, s0  }
0xbc: {  	s0 =	sadd.s32 $0x8F2B, s0  }
0xbd: {  	[sflag:s0] =	ssyncadd.remote.s32 $0x1  }
0xbe: {  	_ =	sfence.sel $0xFFFF  }
0xbf: {  	[dreg:$0x0] =	wrdreg $0xFFFFFFFF;
	(pc) =	sbr.abs _section_cstart, $3  }
0xc0: {  	[dreg:$0x1] =	wrdreg $0xFFFFFFFF  }
0xc1: {  	_ =	task.clear_ibuf [dreg:s7], $0x2FFFF;
	_ =	strace $0x9FFFFFFF  }
0xc2: {  	(tm) =	ssettm $0x7FFFFFFF  }
0xc3: {  	_ =	shalt  }
tec
execute0_lowered:
.L_overlay_start_1:
0x0: {  	(tag) =	ssettag $0x1  }
0x1: {  	s0 =	rddreg [dreg:$0x0]  }
0x2: {  	s1 =	rddreg [dreg:$0x1];
	s3 =	srdreg.scid  }
0x3: {  	s4 =	stileid.u32;
	s2 =	simm.s32 $0x0;
	s9 =	simm.s32 $0x80  }
0x4: {  	s10 =	simm.s32 $0x100;
	s11 =	simm.s32 $0x3;
	s12 =	simm.s32 $0x2780  }
0x5: {  	s14 =	simm.s32 $0x1A400;
	s15 =	simm.s32 $0x1;
	s16 =	simm.s32 $0x4F00  }
0x6: {  	s17 =	simm.s32 $0x7680;
	s18 =	simm.s32 $0x9E00;
	s19 =	simm.s32 $0xC580  }
0x7: {  	s20 =	simm.s32 $0xED00;
	s21 =	simm.s32 $0x11480;
	s22 =	simm.s32 $0x13C00  }
0x8: {  	s23 =	simm.s32 $0x16380;
	s3 =	sand.u32 $0x1, s3;
	s4 =	sshll.u32 s4, $0x1  }
0x9: {  	s24 =	simm.s32 $0x2;
	s25 =	simm.s32 $0x0;
	s4 =	sor.u32 s3, s4  }
0xa: {  	[smem:$0x7FF] =	sst s2;
	s5 =	ssub.s32 $0x2, s3;
	s4 =	smul.u32 $0x9E0, s4  }
0xb: {  	_ =	strace $0x80000047;
	s3 =	sadd.s32 $0x400, s1;
	s6 =	sshrl.u32 s5, $0x1  }
0xc: {  	s1 =	sadd.s32 $0xA200, s1;
	s8 =	ssub.s32 s5, s6;
	s31 =	sadd.s32 s0, s4  }
0xd: {  	s7 =	sor.u32 $0x10, s4;
	s6 =	sadd.s32 s1, s4;
	s8 =	smax.u32 s8, $0x1  }
0xe: {  	v0 =	vimm.s32 $0xFF80FF80;
	v1 =	vimm.f32 $1.000000000e+00;
	v2 =	vimm.f32 $0.0e+00;
	[dreg:$0x3] =	wrdreg s31;
	s5 =	sadd.s32 s0, s7;
	s7 =	sadd.s32 s1, s7  }
.LBB2_1:
0xf: {  	s0 =	rddreg [dreg:$0x3]  }
0x10: {  	[tilespmem:s2], [sflag:$0x3] =	stream.strided.gather [hbm4b:s0+s9], $0x2780, s10, s9, $0x38;
	[tilespmem:$0x1BD00] =	vst v63  }
0x11: {  	_ =	swait.ge [sflag:s11], $0x2780  }
0x12: {  	[sflag:s11] =	ssyncset.done $0x0  }
0x13: {  	[sflag:s11] =	ssyncadd.s32 $0xFFFFD880  }
0x14: {  	[tilespmem:s12], [sflag:$0x3] =	stream.strided.gather [hbm4b:s5+s9], $0x2780, s10, s9, $0x38;
	[tilespmem:$0x1BD00] =	vst v63  }
0x15: {  	_ =	swait.ge [sflag:s11], $0x2780  }
0x16: {  	[sflag:s11] =	ssyncset.done $0x0  }
0x17: {  	s4 =	simm.s32 $0x4F20;
	[sflag:s11] =	ssyncadd.s32 $0xFFFFD880  }
0x18: {  	s13 =	simm.s32 $0x76A0;
	[tilespmem:s4+$0xFFFFFFE0] =	vst v0  }
0x19: {  	s26 =	simm.s32 $0x9E20;
	[tilespmem:s13+$0xFFFFFFE0] =	vst v0  }
0x1a: {  	s28 =	simm.s32 $0xC5A0;
	[tilespmem:s26+$0xFFFFFFE0] =	vst v0  }
0x1b: {  	s29 =	simm.s32 $0xED20;
	[tilespmem:s28+$0xFFFFFFE0] =	vst v0  }
0x1c: {  	s30 =	simm.s32 $0x114A0;
	[tilespmem:s29+$0xFFFFFFE0] =	vst v0  }
0x1d: {  	s0 =	simm.s32 $0x13C20;
	[tilespmem:s30+$0xFFFFFFE0] =	vst v0  }
0x1e: {  	s1 =	simm.s32 $0x163A0;
	[tilespmem:s0+$0xFFFFFFE0] =	vst v0  }
0x1f: {  	[tilespmem:s1+$0xFFFFFFE0] =	vst v0  }
0x20: {  	[tilespmem:s4+$0xFFFFFFF0] =	vst v0  }
0x21: {  	[tilespmem:s13+$0xFFFFFFF0] =	vst v0  }
0x22: {  	[tilespmem:s26+$0xFFFFFFF0] =	vst v0  }
0x23: {  	[tilespmem:s28+$0xFFFFFFF0] =	vst v0  }
0x24: {  	[tilespmem:s29+$0xFFFFFFF0] =	vst v0  }
0x25: {  	[tilespmem:s30+$0xFFFFFFF0] =	vst v0  }
0x26: {  	[tilespmem:s0+$0xFFFFFFF0] =	vst v0  }
0x27: {  	[tilespmem:s1+$0xFFFFFFF0] =	vst v0  }
0x28: {  	[tilespmem:s4+$0x0] =	vst v0  }
0x29: {  	[tilespmem:s13+$0x0] =	vst v0  }
0x2a: {  	[tilespmem:s26+$0x0] =	vst v0  }
0x2b: {  	[tilespmem:s28+$0x0] =	vst v0  }
0x2c: {  	[tilespmem:s29+$0x0] =	vst v0  }
0x2d: {  	[tilespmem:s30+$0x0] =	vst v0  }
0x2e: {  	[tilespmem:s0+$0x0] =	vst v0  }
0x2f: {  	[tilespmem:s1+$0x0] =	vst v0  }
0x30: {  	[tilespmem:s4+$0x10] =	vst v0  }
0x31: {  	[tilespmem:s13+$0x10] =	vst v0  }
0x32: {  	[tilespmem:s26+$0x10] =	vst v0  }
0x33: {  	[tilespmem:s28+$0x10] =	vst v0  }
0x34: {  	s31 =	simm.s32 $0xC5E0;
	[tilespmem:s29+$0x10] =	vst v0  }
0x35: {  	s4 =	simm.s32 $0x0;
	s13 =	simm.s32 $0x9E60;
	s26 =	simm.s32 $0x76E0;
	[tilespmem:s30+$0x10] =	vst v0  }
0x36: {  	s28 =	simm.s32 $0x4F60;
	s29 =	simm.s32 $0x114E0;
	s30 =	simm.s32 $0xED60;
	[tilespmem:s0+$0x10] =	vst v0  }
.LBB2_2:
0x37: {  	s4 =	sadd.s32 $0x4, s4;
	[tilespmem:s1+$0x10] =	vst v0;
	s1 =	sadd.s32 $0x40, s1;
	s0 =	sadd.s32 $0x40, s0  }
0x38: {  	[tilespmem:s28+$0xFFFFFFE0] =	vst v0;
	p0 =	slt.u32 s4, $0x26C  }
0x39: {  	[tilespmem:s26+$0xFFFFFFE0] =	vst v0  }
0x3a: {  	[tilespmem:s13+$0xFFFFFFE0] =	vst v0  }
0x3b: {  	[tilespmem:s31+$0xFFFFFFE0] =	vst v0  }
0x3c: {  	[tilespmem:s30+$0xFFFFFFE0] =	vst v0  }
0x3d: {  	[tilespmem:s29+$0xFFFFFFE0] =	vst v0  }
0x3e: {  	[tilespmem:s0+$0xFFFFFFE0] =	vst v0  }
0x3f: {  	[tilespmem:s1+$0xFFFFFFE0] =	vst v0  }
0x40: {  	[tilespmem:s28+$0xFFFFFFF0] =	vst v0  }
0x41: {  	[tilespmem:s26+$0xFFFFFFF0] =	vst v0  }
0x42: {  	[tilespmem:s13+$0xFFFFFFF0] =	vst v0  }
0x43: {  	[tilespmem:s31+$0xFFFFFFF0] =	vst v0  }
0x44: {  	[tilespmem:s30+$0xFFFFFFF0] =	vst v0  }
0x45: {  	[tilespmem:s29+$0xFFFFFFF0] =	vst v0  }
0x46: {  	[tilespmem:s0+$0xFFFFFFF0] =	vst v0  }
0x47: {  	[tilespmem:s1+$0xFFFFFFF0] =	vst v0  }
0x48: {  	[tilespmem:s28+$0x0] =	vst v0  }
0x49: {  	[tilespmem:s26+$0x0] =	vst v0  }
0x4a: {  	[tilespmem:s13+$0x0] =	vst v0  }
0x4b: {  	[tilespmem:s31+$0x0] =	vst v0  }
0x4c: {  	[tilespmem:s30+$0x0] =	vst v0  }
0x4d: {  	[tilespmem:s29+$0x0] =	vst v0  }
0x4e: {  	[tilespmem:s0+$0x0] =	vst v0  }
0x4f: {  	[tilespmem:s1+$0x0] =	vst v0  }
0x50: {  	[tilespmem:s28+$0x10] =	vst v0  }
0x51: {  	[tilespmem:s26+$0x10] =	vst v0  }
.Ltmp0:
0x52: {  	[tilespmem:s13+$0x10] =	vst v0;
	(pc) =	sbr.rel @p0 .LBB2_2-.Ltmp0, $4  }
0x53: {  	[tilespmem:s31+$0x10] =	vst v0  }
0x54: {  	[tilespmem:s30+$0x10] =	vst v0  }
0x55: {  	s28 =	sadd.s32 $0x40, s28;
	s26 =	sadd.s32 $0x40, s26;
	s13 =	sadd.s32 $0x40, s13;
	[tilespmem:s29+$0x10] =	vst v0  }
0x56: {  	s31 =	sadd.s32 $0x40, s31;
	s30 =	sadd.s32 $0x40, s30;
	s29 =	sadd.s32 $0x40, s29;
	[tilespmem:s0+$0x10] =	vst v0  }
0x57: {  	[tilespmem:s1+$0x10] =	vst v0  }
0x58: {  	[tilespmem:$0x7600] =	vst v0  }
0x59: {  	[tilespmem:$0x9D80] =	vst v0  }
0x5a: {  	[tilespmem:$0xC500] =	vst v0  }
0x5b: {  	[tilespmem:$0xEC80] =	vst v0  }
.Ltmp1:
0x5c: {  	[tilespmem:$0x11400] =	vst v0;
	(pc) =	sbr.rel .LBB2_4-.Ltmp1, $4  }
0x5d: {  	[tilespmem:$0x13B80] =	vst v0  }
0x5e: {  	[tilespmem:$0x16300] =	vst v0  }
0x5f: {  	s26 =	simm.s32 $0x0;
	s0 =	simm.s32 $0x18B00;
	s28 =	simm.s32 $0x0;
	[tilespmem:$0x18A80] =	vst v0  }
0x60: {  	[tilespmem:s0], [sflag:$0x1] =	stream.linear.gather [hbm4b:s3+s26], $0x1900, $0x38;
	[tilespmem:$0x1BD00] =	vst v63  }
.LBB2_58:
0x61: {  	s28 =	sadd.s32 $0x1, s28  }
0x62: {  	p0 =	sne.s32 s28, $0x19  }
.Ltmp2:
0x63: {  	_ = 	snop;
	(pc) =	sbr.rel @!p0 .LBB2_59-.Ltmp2, $1  }
0x64: {  	_ =	sdelay $0x3  }
.LBB2_4:
0x65: {  	s29 =	smul.u32 $0x3200, s28;
	_ =	sdelay $0x1  }
0x66: {  	s0 =	sshrl.u32 s29, $0x3  }
0x67: {  	s0 =	sadd.s32 s3, s0  }
.Ltmp3:
0x68: {  	s0 =	sadd.s32 $0x320, s0;
	(pc) =	sbr.rel .LBB2_5-.Ltmp3, $4  }
0x69: {  	[tilespmem:s14], [sflag:$0x2] =	stream.linear.gather [hbm4b:s0+s26], $0x1900, $0x38;
	[tilespmem:$0x1BD00] =	vst v63  }
0x6a: {  	_ =	swait.ge [sflag:s15], $0x1900  }
0x6b: {  	[sflag:s15] =	ssyncset.done $0x0  }
0x6c: {  	s30 =	simm.s32 $0x0;
	[sflag:s15] =	ssyncadd.s32 $0xFFFFE700  }
.LBB2_30:
0x6d: {  	s30 =	sadd.s32 $0x1, s30  }
0x6e: {  	p0 =	sne.s32 s30, $0x32  }
.Ltmp4:
0x6f: {  	_ = 	snop;
	(pc) =	sbr.rel @!p0 .LBB2_31-.Ltmp4, $1  }
0x70: {  	_ =	sdelay $0x3  }
.LBB2_5:
0x71: {  	s0 =	sshll.u32 s30, $0x7  }
0x72: {  	s0 =	sand.u32 $0x3FFFFF80, s0  }
0x73: {  	v3 =	vld [tilespmem:s0+$0x18B00]  }
0x74: {  	v4 =	vld [tilespmem:s0+$0x18B10]  }
0x75: {  	v5 =	vld [tilespmem:s0+$0x18B20]  }
0x76: {  	v6 =	vld [tilespmem:s0+$0x18B30]  }
0x77: {  	v7 =	vld [tilespmem:s0+$0x18B40]  }
0x78: {  	v10 =	vld [tilespmem:s0+$0x18B50];
	v8 =	vand.u32 $0xFFFF, v3;
	v24 =	vshrl.u32 v3, $0x10  }
0x79: {  	v11 =	vld [tilespmem:s0+$0x18B60];
	v21 =	vshrl.u32 v4, $0x10;
	(xrf1) =	vunique.msk.u32 $0xffff, v24  }
0x7a: {  	v27 =	vld [tilespmem:s0+$0x18B70];
	v18 =	vshrl.u32 v5, $0x10;
	(xrf1) =	vunique.msk.u32 $0xffff, v21  }
0x7b: {  	v4 =	vand.u32 $0xFFFF, v4;
	v15 =	vshrl.u32 v6, $0x10;
	(xrf1) =	vunique.msk.u32 $0xffff, v18  }
0x7c: {  	v12 =	vshrl.u32 v7, $0x10;
	(xrf1) =	vunique.msk.u32 $0xffff, v15  }
0x7d: {  	v9 =	vshrl.u32 v10, $0x10;
	v25 =	vld.idx.msk [tilespmem:v8+s2+$0x0], $0xffff;
	(xrf1) =	vunique.msk.u32 $0xffff, v12  }
0x7e: {  	v5 =	vand.u32 $0xFFFF, v5;
	v26 =	vld.idx.msk [tilespmem:v8+s12+$0x0], $0xffff;
	v8 =	vand.u32 $0xFFFF, v6;
	v6 =	vshrl.u32 v11, $0x10;
	(xrf1) =	vunique.msk.u32 $0xffff, v9  }
0x7f: {  	v3 =	vshrl.u32 v27, $0x10;
	(xrf1) =	vunique.msk.u32 $0xffff, v6  }
0x80: {  	v22 =	vld.idx.msk [tilespmem:v4+s2+$0x0], $0xffff;
	(xrf1) =	vunique.msk.u32 $0xffff, v3  }
0x81: {  	v23 =	vld.idx.msk [tilespmem:v4+s12+$0x0], $0xffff;
	v4 =	vand.u32 $0xFFFF, v7;
	_ =	sdelay $0x1  }
0x82: {  	v19 =	vld.idx.msk [tilespmem:v5+s2+$0x0], $0xffff  }
0x83: {  	v20 =	vld.idx.msk [tilespmem:v5+s12+$0x0], $0xffff;
	v5 =	vand.u32 $0xFFFF, v10  }
0x84: {  	v16 =	vld.idx.msk [tilespmem:v8+s2+$0x0], $0xffff  }
0x85: {  	v27 =	vand.u32 $0xFFFF, v27;
	v13 =	vld.idx.msk [tilespmem:v4+s2+$0x0], $0xffff  }
0x86: {  	v14 =	vld.idx.msk [tilespmem:v4+s12+$0x0], $0xffff;
	_, v4, vm7 =	vpop (xrf1)  }
0x87: {  	v17 =	vld.idx.msk [tilespmem:v8+s12+$0x0], $0xffff;
	_, v4, vm6 =	vpop (xrf1)  }
0x88: {  	v10 =	vld.idx.msk [tilespmem:v5+s2+$0x0], $0xffff;
	_, v4, vm5 =	vpop (xrf1)  }
0x89: {  	v8 =	vand.u32 $0xFFFF, v11;
	v11 =	vld.idx.msk [tilespmem:v5+s12+$0x0], $0xffff;
	_, v4, vm4 =	vpop (xrf1);
	vm0 =	vmand vm6, vm5  }
0x8a: {  	v4 =	vld.idx.msk [tilespmem:v27+s2+$0x0], $0xffff;
	_, v5, vm3 =	vpop (xrf1);
	vm0 =	vmand vm0, vm4  }
0x8b: {  	v5 =	vld.idx.msk [tilespmem:v27+s12+$0x0], $0xffff;
	_, v27, vm2 =	vpop (xrf1);
	vm0 =	vmand vm0, vm3  }
0x8c: {  	_, v28, vm1 =	vpop (xrf1);
	vm8 =	vmand vm0, vm2  }
0x8d: {  	_, v29, vm0 =	vpop (xrf1);
	vm8 =	vmand vm8, vm1  }
0x8e: {  	v30 =	vld.idx.msk [tilespmem:v21+s19+$0x0], $0xffff;
	vm8 =	vmand vm8, vm0  }
0x8f: {  	v31 =	vld.idx.msk [tilespmem:v18+s20+$0x0], $0xffff;
	vm8 =	vmand vm7, vm8  }
0x90: {  	v32 =	vld.idx.msk [tilespmem:v18+s21+$0x0], $0xffff;
	v33 =	vsel vm8, $0x0, v1  }
0x91: {  	v27 =	vld.idx.msk [tilespmem:v24+s16+$0x0], $0xffff;
	(xrf0) =	vmax.scan.msk.f32 $0xffff, v33  }
0x92: {  	v28 =	vld.idx.msk [tilespmem:v24+s17+$0x0], $0xffff  }
0x93: {  	v29 =	vld.idx.msk [tilespmem:v21+s18+$0x0], $0xffff  }
0x94: {  	v34 =	vld.idx.msk [tilespmem:v15+s22+$0x0], $0xffff  }
0x95: {  	v55 =	vld.idx.msk [tilespmem:v15+s23+$0x0], $0xffff  }
0x96: {  	v7 =	vld.idx.msk [tilespmem:v8+s2+$0x0], $0xffff;
	v27 =	vmax.bf16 v27, v25  }
0x97: {  	v8 =	vld.idx.msk [tilespmem:v8+s12+$0x0], $0xffff;
	[tilespmem:v24+s16+$0x0] =	vst.idx.msk vm7, v27;
	v27 =	vmax.bf16 v28, v26;
	v56, _, _ =	vpop (xrf0)  }
0x98: {  	[tilespmem:v24+s17+$0x0] =	vst.idx.msk vm7, v27;
	v27 =	vmax.bf16 v29, v22;
	(v2sf) =	vpush v56, $0xF  }
0x99: {  	[tilespmem:v21+s18+$0x0] =	vst.idx.msk vm6, v27;
	v27 =	vmax.bf16 v30, v23  }
0x9a: {  	[tilespmem:v21+s19+$0x0] =	vst.idx.msk vm6, v27;
	v27 =	vmax.bf16 v31, v19  }
0x9b: {  	[tilespmem:v18+s20+$0x0] =	vst.idx.msk vm5, v27;
	v27 =	vmax.bf16 v32, v20  }
0x9c: {  	[tilespmem:v18+s21+$0x0] =	vst.idx.msk vm5, v27;
	v27 =	vmax.bf16 v34, v16  }
0x9d: {  	[tilespmem:v15+s22+$0x0] =	vst.idx.msk vm4, v27;
	v27 =	vmax.bf16 v55, v17  }
0x9e: {  	[tilespmem:v15+s23+$0x0] =	vst.idx.msk vm4, v27  }
0x9f: {  	v27 =	vld.idx.msk [tilespmem:v12+s16+$0x0], $0xffff  }
0xa0: {  	v57 =	vld.idx.msk [tilespmem:v12+s17+$0x0], $0xffff  }
0xa1: {  	v58 =	vld.idx.msk [tilespmem:v9+s18+$0x0], $0xffff  }
0xa2: {  	v59 =	vld.idx.msk [tilespmem:v9+s19+$0x0], $0xffff  }
0xa3: {  	v60 =	vld.idx.msk [tilespmem:v6+s20+$0x0], $0xffff  }
0xa4: {  	v61 =	vld.idx.msk [tilespmem:v6+s21+$0x0], $0xffff  }
0xa5: {  	v62 =	vld.idx.msk [tilespmem:v3+s22+$0x0], $0xffff;
	v27 =	vmax.bf16 v27, v13  }
0xa6: {  	v63 =	vld.idx.msk [tilespmem:v3+s23+$0x0], $0xffff;
	[tilespmem:v12+s16+$0x0] =	vst.idx.msk vm3, v27;
	v27 =	vmax.bf16 v57, v14  }
0xa7: {  	[tilespmem:v12+s17+$0x0] =	vst.idx.msk vm3, v27;
	v27 =	vmax.bf16 v58, v10;
	s31 =	spop (v2sf)  }
0xa8: {  	[tilespmem:v9+s18+$0x0] =	vst.idx.msk vm2, v27;
	v27 =	vmax.bf16 v59, v11;
	p0 =	sgt.f32 s31, $0.0e+00  }
.Ltmp5:
0xa9: {  	[tilespmem:v9+s19+$0x0] =	vst.idx.msk vm2, v27;
	v27 =	vmax.bf16 v60, v7;
	(pc) =	sbr.rel @!p0 .LBB2_30-.Ltmp5, $4  }
0xaa: {  	[tilespmem:v6+s20+$0x0] =	vst.idx.msk vm1, v27;
	v27 =	vmax.bf16 v61, v8  }
0xab: {  	[tilespmem:v6+s21+$0x0] =	vst.idx.msk vm1, v27;
	v27 =	vmax.bf16 v62, v4  }
0xac: {  	[tilespmem:v3+s22+$0x0] =	vst.idx.msk vm0, v27;
	v27 =	vmax.bf16 v63, v5  }
0xad: {  	[tilespmem:v3+s23+$0x0] =	vst.idx.msk vm0, v27  }
0xae: {  	v27 =	vsel vm7, $0x0, v1  }
0xaf: {  	(xrf0) =	vmax.scan.msk.f32 $0xffff, v27;
	_ =	sdelay $0x5  }
0xb0: {  	v27, _, _ =	vpop (xrf0)  }
0xb1: {  	(v2sf) =	vpush v27, $0xF;
	_ =	sdelay $0xe  }
0xb2: {  	s0 =	spop (v2sf)  }
0xb3: {  	p0 =	sgt.f32 s0, $0.0e+00  }
.Ltmp6:
0xb4: {  	_ = 	snop;
	(pc) =	sbr.rel @!p0 .LBB2_9-.Ltmp6, $1  }
0xb5: {  	_ =	sdelay $0x3  }
0xb6: {  	vm7 =	vmneg vm7  }
.LBB2_8:
0xb7: {  	(xrf1) =	vunique.msk.u32 vm7, v24;
	_ =	sdelay $0xd  }
0xb8: {  	_, v27, vm8 =	vpop (xrf1)  }
0xb9: {  	vm9 =	vmneg vm8  }
0xba: {  	vm7 =	vmand vm7, vm9  }
0xbb: {  	v27 =	vsel vm7, $0x3F800000, v2  }
0xbc: {  	(xrf0) =	vmax.scan.msk.f32 $0xffff, v27;
	_ =	sdelay $0x5  }
0xbd: {  	v27, _, _ =	vpop (xrf0)  }
0xbe: {  	(v2sf) =	vpush v27, $0xF;
	_ =	sdelay $0x7  }
0xbf: {  	v27 =	vld.idx.msk [tilespmem:v24+s16+$0x0], $0xffff;
	_ =	sdelay $0x4  }
0xc0: {  	v27 =	vmax.bf16 v27, v25  }
0xc1: {  	[tilespmem:v24+s16+$0x0] =	vst.idx.msk vm8, v27  }
0xc2: {  	v27 =	vld.idx.msk [tilespmem:v24+s17+$0x0], $0xffff;
	s0 =	spop (v2sf)  }
0xc3: {  	p0 =	sgt.f32 s0, $0.0e+00  }
.Ltmp7:
0xc4: {  	_ = 	snop;
	(pc) =	sbr.rel @p0 .LBB2_8-.Ltmp7, $3  }
0xc5: {  	_ =	sdelay $0x1  }
0xc6: {  	v27 =	vmax.bf16 v27, v26  }
0xc7: {  	[tilespmem:v24+s17+$0x0] =	vst.idx.msk vm8, v27  }
.LBB2_9:
0xc8: {  	v24 =	vsel vm6, $0x0, v1  }
0xc9: {  	(xrf0) =	vmax.scan.msk.f32 $0xffff, v24;
	_ =	sdelay $0x5  }
0xca: {  	v24, _, _ =	vpop (xrf0)  }
0xcb: {  	(v2sf) =	vpush v24, $0xF;
	_ =	sdelay $0xe  }
0xcc: {  	s0 =	spop (v2sf)  }
0xcd: {  	p0 =	sgt.f32 s0, $0.0e+00  }
.Ltmp8:
0xce: {  	_ = 	snop;
	(pc) =	sbr.rel @!p0 .LBB2_12-.Ltmp8, $1  }
0xcf: {  	_ =	sdelay $0x3  }
0xd0: {  	vm6 =	vmneg vm6  }
.LBB2_11:
0xd1: {  	(xrf1) =	vunique.msk.u32 vm6, v21;
	_ =	sdelay $0xd  }
0xd2: {  	_, v24, vm7 =	vpop (xrf1)  }
0xd3: {  	vm8 =	vmneg vm7  }
0xd4: {  	vm6 =	vmand vm6, vm8  }
0xd5: {  	v24 =	vsel vm6, $0x3F800000, v2  }
0xd6: {  	(xrf0) =	vmax.scan.msk.f32 $0xffff, v24;
	_ =	sdelay $0x5  }
0xd7: {  	v24, _, _ =	vpop (xrf0)  }
0xd8: {  	(v2sf) =	vpush v24, $0xF;
	_ =	sdelay $0x7  }
0xd9: {  	v63 =	vld.idx.msk [tilespmem:v21+s18+$0x0], $0xffff;
	_ =	sdelay $0x4  }
0xda: {  	v24 =	vmax.bf16 v63, v22  }
0xdb: {  	[tilespmem:v21+s18+$0x0] =	vst.idx.msk vm7, v24  }
0xdc: {  	v24 =	vld.idx.msk [tilespmem:v21+s19+$0x0], $0xffff;
	s0 =	spop (v2sf)  }
0xdd: {  	p0 =	sgt.f32 s0, $0.0e+00  }
.Ltmp9:
0xde: {  	_ = 	snop;
	(pc) =	sbr.rel @p0 .LBB2_11-.Ltmp9, $3  }
0xdf: {  	_ =	sdelay $0x1  }
0xe0: {  	v24 =	vmax.bf16 v24, v23  }
0xe1: {  	[tilespmem:v21+s19+$0x0] =	vst.idx.msk vm7, v24  }
.LBB2_12:
0xe2: {  	v21 =	vsel vm5, $0x0, v1  }
0xe3: {  	(xrf0) =	vmax.scan.msk.f32 $0xffff, v21;
	_ =	sdelay $0x5  }
0xe4: {  	v21, _, _ =	vpop (xrf0)  }
0xe5: {  	(v2sf) =	vpush v21, $0xF;
	_ =	sdelay $0xe  }
0xe6: {  	s0 =	spop (v2sf)  }
0xe7: {  	p0 =	sgt.f32 s0, $0.0e+00  }
.Ltmp10:
0xe8: {  	_ = 	snop;
	(pc) =	sbr.rel @!p0 .LBB2_15-.Ltmp10, $1  }
0xe9: {  	_ =	sdelay $0x3  }
0xea: {  	vm5 =	vmneg vm5  }
.LBB2_14:
0xeb: {  	(xrf1) =	vunique.msk.u32 vm5, v18;
	_ =	sdelay $0xd  }
0xec: {  	_, v21, vm6 =	vpop (xrf1)  }
0xed: {  	vm7 =	vmneg vm6  }
0xee: {  	vm5 =	vmand vm5, vm7  }
0xef: {  	v21 =	vsel vm5, $0x3F800000, v2  }
0xf0: {  	(xrf0) =	vmax.scan.msk.f32 $0xffff, v21;
	_ =	sdelay $0x5  }
0xf1: {  	v21, _, _ =	vpop (xrf0)  }
0xf2: {  	(v2sf) =	vpush v21, $0xF;
	_ =	sdelay $0x7  }
0xf3: {  	v21 =	vld.idx.msk [tilespmem:v18+s20+$0x0], $0xffff;
	_ =	sdelay $0x4  }
0xf4: {  	v21 =	vmax.bf16 v21, v19  }
0xf5: {  	[tilespmem:v18+s20+$0x0] =	vst.idx.msk vm6, v21  }
0xf6: {  	v21 =	vld.idx.msk [tilespmem:v18+s21+$0x0], $0xffff;
	s0 =	spop (v2sf)  }
0xf7: {  	p0 =	sgt.f32 s0, $0.0e+00  }
.Ltmp11:
0xf8: {  	_ = 	snop;
	(pc) =	sbr.rel @p0 .LBB2_14-.Ltmp11, $3  }
0xf9: {  	_ =	sdelay $0x1  }
0xfa: {  	v21 =	vmax.bf16 v21, v20  }
0xfb: {  	[tilespmem:v18+s21+$0x0] =	vst.idx.msk vm6, v21  }
.LBB2_15:
0xfc: {  	v18 =	vsel vm4, $0x0, v1  }
0xfd: {  	(xrf0) =	vmax.scan.msk.f32 $0xffff, v18;
	_ =	sdelay $0x5  }
0xfe: {  	v18, _, _ =	vpop (xrf0)  }
0xff: {  	(v2sf) =	vpush v18, $0xF;
	_ =	sdelay $0xe  }
0x100: {  	s0 =	spop (v2sf)  }
0x101: {  	p0 =	sgt.f32 s0, $0.0e+00  }
.Ltmp12:
0x102: {  	_ = 	snop;
	(pc) =	sbr.rel @!p0 .LBB2_18-.Ltmp12, $1  }
0x103: {  	_ =	sdelay $0x3  }
0x104: {  	vm4 =	vmneg vm4  }
.LBB2_17:
0x105: {  	(xrf1) =	vunique.msk.u32 vm4, v15;
	_ =	sdelay $0xd  }
0x106: {  	_, v18, vm5 =	vpop (xrf1)  }
0x107: {  	vm6 =	vmneg vm5  }
0x108: {  	vm4 =	vmand vm4, vm6  }
0x109: {  	v18 =	vsel vm4, $0x3F800000, v2  }
0x10a: {  	(xrf0) =	vmax.scan.msk.f32 $0xffff, v18;
	_ =	sdelay $0x5  }
0x10b: {  	v18, _, _ =	vpop (xrf0)  }
0x10c: {  	(v2sf) =	vpush v18, $0xF;
	_ =	sdelay $0x7  }
0x10d: {  	v18 =	vld.idx.msk [tilespmem:v15+s22+$0x0], $0xffff;
	_ =	sdelay $0x4  }
0x10e: {  	v18 =	vmax.bf16 v18, v16  }
0x10f: {  	[tilespmem:v15+s22+$0x0] =	vst.idx.msk vm5, v18  }
0x110: {  	v18 =	vld.idx.msk [tilespmem:v15+s23+$0x0], $0xffff;
	s0 =	spop (v2sf)  }
0x111: {  	p0 =	sgt.f32 s0, $0.0e+00  }
.Ltmp13:
0x112: {  	_ = 	snop;
	(pc) =	sbr.rel @p0 .LBB2_17-.Ltmp13, $3  }
0x113: {  	_ =	sdelay $0x1  }
0x114: {  	v18 =	vmax.bf16 v18, v17  }
0x115: {  	[tilespmem:v15+s23+$0x0] =	vst.idx.msk vm5, v18  }
.LBB2_18:
0x116: {  	v15 =	vsel vm3, $0x0, v1  }
0x117: {  	(xrf0) =	vmax.scan.msk.f32 $0xffff, v15;
	_ =	sdelay $0x5  }
0x118: {  	v15, _, _ =	vpop (xrf0)  }
0x119: {  	(v2sf) =	vpush v15, $0xF;
	_ =	sdelay $0xe  }
0x11a: {  	s0 =	spop (v2sf)  }
0x11b: {  	p0 =	sgt.f32 s0, $0.0e+00  }
.Ltmp14:
0x11c: {  	_ = 	snop;
	(pc) =	sbr.rel @!p0 .LBB2_21-.Ltmp14, $1  }
0x11d: {  	_ =	sdelay $0x3  }
0x11e: {  	vm3 =	vmneg vm3  }
.LBB2_20:
0x11f: {  	(xrf1) =	vunique.msk.u32 vm3, v12;
	_ =	sdelay $0xd  }
0x120: {  	_, v15, vm4 =	vpop (xrf1)  }
0x121: {  	vm5 =	vmneg vm4  }
0x122: {  	vm3 =	vmand vm3, vm5  }
0x123: {  	v15 =	vsel vm3, $0x3F800000, v2  }
0x124: {  	(xrf0) =	vmax.scan.msk.f32 $0xffff, v15;
	_ =	sdelay $0x5  }
0x125: {  	v15, _, _ =	vpop (xrf0)  }
0x126: {  	(v2sf) =	vpush v15, $0xF;
	_ =	sdelay $0x7  }
0x127: {  	v15 =	vld.idx.msk [tilespmem:v12+s16+$0x0], $0xffff;
	_ =	sdelay $0x4  }
0x128: {  	v15 =	vmax.bf16 v15, v13  }
0x129: {  	[tilespmem:v12+s16+$0x0] =	vst.idx.msk vm4, v15  }
0x12a: {  	v15 =	vld.idx.msk [tilespmem:v12+s17+$0x0], $0xffff;
	s0 =	spop (v2sf)  }
0x12b: {  	p0 =	sgt.f32 s0, $0.0e+00  }
.Ltmp15:
0x12c: {  	_ = 	snop;
	(pc) =	sbr.rel @p0 .LBB2_20-.Ltmp15, $3  }
0x12d: {  	_ =	sdelay $0x1  }
0x12e: {  	v15 =	vmax.bf16 v15, v14  }
0x12f: {  	[tilespmem:v12+s17+$0x0] =	vst.idx.msk vm4, v15  }
.LBB2_21:
0x130: {  	v12 =	vsel vm2, $0x0, v1  }
0x131: {  	(xrf0) =	vmax.scan.msk.f32 $0xffff, v12;
	_ =	sdelay $0x5  }
0x132: {  	v12, _, _ =	vpop (xrf0)  }
0x133: {  	(v2sf) =	vpush v12, $0xF;
	_ =	sdelay $0xe  }
0x134: {  	s0 =	spop (v2sf)  }
0x135: {  	p0 =	sgt.f32 s0, $0.0e+00  }
.Ltmp16:
0x136: {  	_ = 	snop;
	(pc) =	sbr.rel @!p0 .LBB2_24-.Ltmp16, $1  }
0x137: {  	_ =	sdelay $0x3  }
0x138: {  	vm2 =	vmneg vm2  }
.LBB2_23:
0x139: {  	(xrf1) =	vunique.msk.u32 vm2, v9;
	_ =	sdelay $0xd  }
0x13a: {  	_, v12, vm3 =	vpop (xrf1)  }
0x13b: {  	vm4 =	vmneg vm3  }
0x13c: {  	vm2 =	vmand vm2, vm4  }
0x13d: {  	v12 =	vsel vm2, $0x3F800000, v2  }
0x13e: {  	(xrf0) =	vmax.scan.msk.f32 $0xffff, v12;
	_ =	sdelay $0x5  }
0x13f: {  	v12, _, _ =	vpop (xrf0)  }
0x140: {  	(v2sf) =	vpush v12, $0xF;
	_ =	sdelay $0x7  }
0x141: {  	v63 =	vld.idx.msk [tilespmem:v9+s18+$0x0], $0xffff;
	_ =	sdelay $0x4  }
0x142: {  	v12 =	vmax.bf16 v63, v10  }
0x143: {  	[tilespmem:v9+s18+$0x0] =	vst.idx.msk vm3, v12  }
0x144: {  	v12 =	vld.idx.msk [tilespmem:v9+s19+$0x0], $0xffff;
	s0 =	spop (v2sf)  }
0x145: {  	p0 =	sgt.f32 s0, $0.0e+00  }
.Ltmp17:
0x146: {  	_ = 	snop;
	(pc) =	sbr.rel @p0 .LBB2_23-.Ltmp17, $3  }
0x147: {  	_ =	sdelay $0x1  }
0x148: {  	v12 =	vmax.bf16 v12, v11  }
0x149: {  	[tilespmem:v9+s19+$0x0] =	vst.idx.msk vm3, v12  }
.LBB2_24:
0x14a: {  	v9 =	vsel vm1, $0x0, v1  }
0x14b: {  	(xrf0) =	vmax.scan.msk.f32 $0xffff, v9;
	_ =	sdelay $0x5  }
0x14c: {  	v9, _, _ =	vpop (xrf0)  }
0x14d: {  	(v2sf) =	vpush v9, $0xF;
	_ =	sdelay $0xe  }
0x14e: {  	s0 =	spop (v2sf)  }
0x14f: {  	p0 =	sgt.f32 s0, $0.0e+00  }
.Ltmp18:
0x150: {  	_ = 	snop;
	(pc) =	sbr.rel @!p0 .LBB2_27-.Ltmp18, $1  }
0x151: {  	_ =	sdelay $0x3  }
0x152: {  	vm1 =	vmneg vm1  }
.LBB2_26:
0x153: {  	(xrf1) =	vunique.msk.u32 vm1, v6;
	_ =	sdelay $0xd  }
0x154: {  	_, v9, vm2 =	vpop (xrf1)  }
0x155: {  	vm3 =	vmneg vm2  }
0x156: {  	vm1 =	vmand vm1, vm3  }
0x157: {  	v9 =	vsel vm1, $0x3F800000, v2  }
0x158: {  	(xrf0) =	vmax.scan.msk.f32 $0xffff, v9;
	_ =	sdelay $0x5  }
0x159: {  	v9, _, _ =	vpop (xrf0)  }
0x15a: {  	(v2sf) =	vpush v9, $0xF;
	_ =	sdelay $0x7  }
0x15b: {  	v9 =	vld.idx.msk [tilespmem:v6+s20+$0x0], $0xffff;
	_ =	sdelay $0x4  }
0x15c: {  	v9 =	vmax.bf16 v9, v7  }
0x15d: {  	[tilespmem:v6+s20+$0x0] =	vst.idx.msk vm2, v9  }
0x15e: {  	v9 =	vld.idx.msk [tilespmem:v6+s21+$0x0], $0xffff;
	s0 =	spop (v2sf)  }
0x15f: {  	p0 =	sgt.f32 s0, $0.0e+00  }
.Ltmp19:
0x160: {  	_ = 	snop;
	(pc) =	sbr.rel @p0 .LBB2_26-.Ltmp19, $3  }
0x161: {  	_ =	sdelay $0x1  }
0x162: {  	v9 =	vmax.bf16 v9, v8  }
0x163: {  	[tilespmem:v6+s21+$0x0] =	vst.idx.msk vm2, v9  }
.LBB2_27:
0x164: {  	v6 =	vsel vm0, $0x0, v1  }
0x165: {  	(xrf0) =	vmax.scan.msk.f32 $0xffff, v6;
	_ =	sdelay $0x5  }
0x166: {  	v6, _, _ =	vpop (xrf0)  }
0x167: {  	(v2sf) =	vpush v6, $0xF;
	_ =	sdelay $0xe  }
0x168: {  	s0 =	spop (v2sf)  }
0x169: {  	p0 =	sgt.f32 s0, $0.0e+00  }
.Ltmp20:
0x16a: {  	_ = 	snop;
	(pc) =	sbr.rel @!p0 .LBB2_30-.Ltmp20, $1  }
0x16b: {  	_ =	sdelay $0x3  }
0x16c: {  	vm0 =	vmneg vm0  }
.LBB2_29:
0x16d: {  	(xrf1) =	vunique.msk.u32 vm0, v3;
	_ =	sdelay $0xd  }
0x16e: {  	_, v6, vm1 =	vpop (xrf1)  }
0x16f: {  	vm2 =	vmneg vm1  }
0x170: {  	vm0 =	vmand vm0, vm2  }
0x171: {  	v6 =	vsel vm0, $0x3F800000, v2  }
0x172: {  	(xrf0) =	vmax.scan.msk.f32 $0xffff, v6;
	_ =	sdelay $0x5  }
0x173: {  	v6, _, _ =	vpop (xrf0)  }
0x174: {  	(v2sf) =	vpush v6, $0xF;
	_ =	sdelay $0x7  }
0x175: {  	v6 =	vld.idx.msk [tilespmem:v3+s22+$0x0], $0xffff;
	_ =	sdelay $0x4  }
0x176: {  	v6 =	vmax.bf16 v6, v4  }
0x177: {  	[tilespmem:v3+s22+$0x0] =	vst.idx.msk vm1, v6  }
0x178: {  	v6 =	vld.idx.msk [tilespmem:v3+s23+$0x0], $0xffff;
	s0 =	spop (v2sf)  }
0x179: {  	p0 =	sgt.f32 s0, $0.0e+00  }
.Ltmp21:
0x17a: {  	_ = 	snop;
	(pc) =	sbr.rel @p0 .LBB2_29-.Ltmp21, $3  }
0x17b: {  	_ =	sdelay $0x1  }
0x17c: {  	v6 =	vmax.bf16 v6, v5  }
0x17d: {  	[tilespmem:v3+s23+$0x0] =	vst.idx.msk vm1, v6  }
.Ltmp22:
0x17e: {  	_ = 	snop;
	(pc) =	sbr.rel .LBB2_30-.Ltmp22, $1  }
0x17f: {  	_ =	sdelay $0x3  }
.LBB2_31:
0x180: {  	p0 =	seq.s32 s28, $0x18  }
0x181: {  	s0 =	sshrl.u32 @!p0 s29, $0x3  }
0x182: {  	s1 =	simm.s32 @!p0 $0x0;
	s0 =	sadd.s32 @!p0 s3, s0  }
.Ltmp23:
0x183: {  	s4 =	simm.s32 @!p0 $0x18B00;
	s0 =	sadd.s32 @!p0 $0x640, s0;
	(pc) =	sbr.rel .LBB2_32-.Ltmp23, $4  }
0x184: {  	[tilespmem:s4], [sflag:$0x1] =	stream.linear.gather @!p0 [hbm4b:s0+s1], $0x1900, $0x38;
	[tilespmem:$0x1BD00] =	vst v63  }
0x185: {  	_ =	swait.ge [sflag:s24], $0x1900  }
0x186: {  	[sflag:s24] =	ssyncset.done $0x0  }
0x187: {  	s29 =	simm.s32 $0x0;
	[sflag:s24] =	ssyncadd.s32 $0xFFFFE700  }
.LBB2_57:
0x188: {  	s29 =	sadd.s32 $0x1, s29  }
0x189: {  	p0 =	sne.s32 s29, $0x32  }
.Ltmp24:
0x18a: {  	_ = 	snop;
	(pc) =	sbr.rel @!p0 .LBB2_58-.Ltmp24, $1  }
0x18b: {  	_ =	sdelay $0x3  }
.LBB2_32:
0x18c: {  	s0 =	sshll.u32 s29, $0x7  }
0x18d: {  	s0 =	sand.u32 $0x3FFFFF80, s0  }
0x18e: {  	v3 =	vld [tilespmem:s0+$0x1A400]  }
0x18f: {  	v4 =	vld [tilespmem:s0+$0x1A410]  }
0x190: {  	v5 =	vld [tilespmem:s0+$0x1A420]  }
0x191: {  	v6 =	vld [tilespmem:s0+$0x1A430]  }
0x192: {  	v7 =	vld [tilespmem:s0+$0x1A440]  }
0x193: {  	v10 =	vld [tilespmem:s0+$0x1A450];
	v8 =	vand.u32 $0xFFFF, v3;
	v24 =	vshrl.u32 v3, $0x10  }
0x194: {  	v11 =	vld [tilespmem:s0+$0x1A460];
	v21 =	vshrl.u32 v4, $0x10;
	(xrf1) =	vunique.msk.u32 $0xffff, v24  }
0x195: {  	v27 =	vld [tilespmem:s0+$0x1A470];
	v18 =	vshrl.u32 v5, $0x10;
	(xrf1) =	vunique.msk.u32 $0xffff, v21  }
0x196: {  	v4 =	vand.u32 $0xFFFF, v4;
	v15 =	vshrl.u32 v6, $0x10;
	(xrf1) =	vunique.msk.u32 $0xffff, v18  }
0x197: {  	v12 =	vshrl.u32 v7, $0x10;
	(xrf1) =	vunique.msk.u32 $0xffff, v15  }
0x198: {  	v9 =	vshrl.u32 v10, $0x10;
	v25 =	vld.idx.msk [tilespmem:v8+s2+$0x0], $0xffff;
	(xrf1) =	vunique.msk.u32 $0xffff, v12  }
0x199: {  	v5 =	vand.u32 $0xFFFF, v5;
	v26 =	vld.idx.msk [tilespmem:v8+s12+$0x0], $0xffff;
	v8 =	vand.u32 $0xFFFF, v6;
	v6 =	vshrl.u32 v11, $0x10;
	(xrf1) =	vunique.msk.u32 $0xffff, v9  }
0x19a: {  	v3 =	vshrl.u32 v27, $0x10;
	(xrf1) =	vunique.msk.u32 $0xffff, v6  }
0x19b: {  	v22 =	vld.idx.msk [tilespmem:v4+s2+$0x0], $0xffff;
	(xrf1) =	vunique.msk.u32 $0xffff, v3  }
0x19c: {  	v23 =	vld.idx.msk [tilespmem:v4+s12+$0x0], $0xffff;
	v4 =	vand.u32 $0xFFFF, v7;
	_ =	sdelay $0x1  }
0x19d: {  	v19 =	vld.idx.msk [tilespmem:v5+s2+$0x0], $0xffff  }
0x19e: {  	v20 =	vld.idx.msk [tilespmem:v5+s12+$0x0], $0xffff;
	v5 =	vand.u32 $0xFFFF, v10  }
0x19f: {  	v16 =	vld.idx.msk [tilespmem:v8+s2+$0x0], $0xffff  }
0x1a0: {  	v27 =	vand.u32 $0xFFFF, v27;
	v13 =	vld.idx.msk [tilespmem:v4+s2+$0x0], $0xffff  }
0x1a1: {  	v14 =	vld.idx.msk [tilespmem:v4+s12+$0x0], $0xffff;
	_, v4, vm7 =	vpop (xrf1)  }
0x1a2: {  	v17 =	vld.idx.msk [tilespmem:v8+s12+$0x0], $0xffff;
	_, v4, vm6 =	vpop (xrf1)  }
0x1a3: {  	v10 =	vld.idx.msk [tilespmem:v5+s2+$0x0], $0xffff;
	_, v4, vm5 =	vpop (xrf1)  }
0x1a4: {  	v8 =	vand.u32 $0xFFFF, v11;
	v11 =	vld.idx.msk [tilespmem:v5+s12+$0x0], $0xffff;
	_, v4, vm4 =	vpop (xrf1);
	vm0 =	vmand vm6, vm5  }
0x1a5: {  	v4 =	vld.idx.msk [tilespmem:v27+s2+$0x0], $0xffff;
	_, v5, vm3 =	vpop (xrf1);
	vm0 =	vmand vm0, vm4  }
0x1a6: {  	v5 =	vld.idx.msk [tilespmem:v27+s12+$0x0], $0xffff;
	_, v27, vm2 =	vpop (xrf1);
	vm0 =	vmand vm0, vm3  }
0x1a7: {  	_, v28, vm1 =	vpop (xrf1);
	vm8 =	vmand vm0, vm2  }
0x1a8: {  	_, v29, vm0 =	vpop (xrf1);
	vm8 =	vmand vm8, vm1  }
0x1a9: {  	v30 =	vld.idx.msk [tilespmem:v21+s19+$0x0], $0xffff;
	vm8 =	vmand vm8, vm0  }
0x1aa: {  	v31 =	vld.idx.msk [tilespmem:v18+s20+$0x0], $0xffff;
	vm8 =	vmand vm7, vm8  }
0x1ab: {  	v32 =	vld.idx.msk [tilespmem:v18+s21+$0x0], $0xffff;
	v33 =	vsel vm8, $0x0, v1  }
0x1ac: {  	v27 =	vld.idx.msk [tilespmem:v24+s16+$0x0], $0xffff;
	(xrf0) =	vmax.scan.msk.f32 $0xffff, v33  }
0x1ad: {  	v28 =	vld.idx.msk [tilespmem:v24+s17+$0x0], $0xffff  }
0x1ae: {  	v29 =	vld.idx.msk [tilespmem:v21+s18+$0x0], $0xffff  }
0x1af: {  	v34 =	vld.idx.msk [tilespmem:v15+s22+$0x0], $0xffff  }
0x1b0: {  	v55 =	vld.idx.msk [tilespmem:v15+s23+$0x0], $0xffff  }
0x1b1: {  	v7 =	vld.idx.msk [tilespmem:v8+s2+$0x0], $0xffff;
	v27 =	vmax.bf16 v27, v25  }
0x1b2: {  	v8 =	vld.idx.msk [tilespmem:v8+s12+$0x0], $0xffff;
	[tilespmem:v24+s16+$0x0] =	vst.idx.msk vm7, v27;
	v27 =	vmax.bf16 v28, v26;
	v56, _, _ =	vpop (xrf0)  }
0x1b3: {  	[tilespmem:v24+s17+$0x0] =	vst.idx.msk vm7, v27;
	v27 =	vmax.bf16 v29, v22;
	(v2sf) =	vpush v56, $0xF  }
0x1b4: {  	[tilespmem:v21+s18+$0x0] =	vst.idx.msk vm6, v27;
	v27 =	vmax.bf16 v30, v23  }
0x1b5: {  	[tilespmem:v21+s19+$0x0] =	vst.idx.msk vm6, v27;
	v27 =	vmax.bf16 v31, v19  }
0x1b6: {  	[tilespmem:v18+s20+$0x0] =	vst.idx.msk vm5, v27;
	v27 =	vmax.bf16 v32, v20  }
0x1b7: {  	[tilespmem:v18+s21+$0x0] =	vst.idx.msk vm5, v27;
	v27 =	vmax.bf16 v34, v16  }
0x1b8: {  	[tilespmem:v15+s22+$0x0] =	vst.idx.msk vm4, v27;
	v27 =	vmax.bf16 v55, v17  }
0x1b9: {  	[tilespmem:v15+s23+$0x0] =	vst.idx.msk vm4, v27  }
0x1ba: {  	v27 =	vld.idx.msk [tilespmem:v12+s16+$0x0], $0xffff  }
0x1bb: {  	v57 =	vld.idx.msk [tilespmem:v12+s17+$0x0], $0xffff  }
0x1bc: {  	v58 =	vld.idx.msk [tilespmem:v9+s18+$0x0], $0xffff  }
0x1bd: {  	v59 =	vld.idx.msk [tilespmem:v9+s19+$0x0], $0xffff  }
0x1be: {  	v60 =	vld.idx.msk [tilespmem:v6+s20+$0x0], $0xffff  }
0x1bf: {  	v61 =	vld.idx.msk [tilespmem:v6+s21+$0x0], $0xffff  }
0x1c0: {  	v62 =	vld.idx.msk [tilespmem:v3+s22+$0x0], $0xffff;
	v27 =	vmax.bf16 v27, v13  }
0x1c1: {  	v63 =	vld.idx.msk [tilespmem:v3+s23+$0x0], $0xffff;
	[tilespmem:v12+s16+$0x0] =	vst.idx.msk vm3, v27;
	v27 =	vmax.bf16 v57, v14  }
0x1c2: {  	[tilespmem:v12+s17+$0x0] =	vst.idx.msk vm3, v27;
	v27 =	vmax.bf16 v58, v10;
	s31 =	spop (v2sf)  }
0x1c3: {  	[tilespmem:v9+s18+$0x0] =	vst.idx.msk vm2, v27;
	v27 =	vmax.bf16 v59, v11;
	p0 =	sgt.f32 s31, $0.0e+00  }
.Ltmp25:
0x1c4: {  	[tilespmem:v9+s19+$0x0] =	vst.idx.msk vm2, v27;
	v27 =	vmax.bf16 v60, v7;
	(pc) =	sbr.rel @!p0 .LBB2_57-.Ltmp25, $4  }
0x1c5: {  	[tilespmem:v6+s20+$0x0] =	vst.idx.msk vm1, v27;
	v27 =	vmax.bf16 v61, v8  }
0x1c6: {  	[tilespmem:v6+s21+$0x0] =	vst.idx.msk vm1, v27;
	v27 =	vmax.bf16 v62, v4  }
0x1c7: {  	[tilespmem:v3+s22+$0x0] =	vst.idx.msk vm0, v27;
	v27 =	vmax.bf16 v63, v5  }
0x1c8: {  	[tilespmem:v3+s23+$0x0] =	vst.idx.msk vm0, v27  }
0x1c9: {  	v27 =	vsel vm7, $0x0, v1  }
0x1ca: {  	(xrf0) =	vmax.scan.msk.f32 $0xffff, v27;
	_ =	sdelay $0x5  }
0x1cb: {  	v27, _, _ =	vpop (xrf0)  }
0x1cc: {  	(v2sf) =	vpush v27, $0xF;
	_ =	sdelay $0xe  }
0x1cd: {  	s0 =	spop (v2sf)  }
0x1ce: {  	p0 =	sgt.f32 s0, $0.0e+00  }
.Ltmp26:
0x1cf: {  	_ = 	snop;
	(pc) =	sbr.rel @!p0 .LBB2_36-.Ltmp26, $1  }
0x1d0: {  	_ =	sdelay $0x3  }
0x1d1: {  	vm7 =	vmneg vm7  }
.LBB2_35:
0x1d2: {  	(xrf1) =	vunique.msk.u32 vm7, v24;
	_ =	sdelay $0xd  }
0x1d3: {  	_, v27, vm8 =	vpop (xrf1)  }
0x1d4: {  	vm9 =	vmneg vm8  }
0x1d5: {  	vm7 =	vmand vm7, vm9  }
0x1d6: {  	v27 =	vsel vm7, $0x3F800000, v2  }
0x1d7: {  	(xrf0) =	vmax.scan.msk.f32 $0xffff, v27;
	_ =	sdelay $0x5  }
0x1d8: {  	v27, _, _ =	vpop (xrf0)  }
0x1d9: {  	(v2sf) =	vpush v27, $0xF;
	_ =	sdelay $0x7  }
0x1da: {  	v27 =	vld.idx.msk [tilespmem:v24+s16+$0x0], $0xffff;
	_ =	sdelay $0x4  }
0x1db: {  	v27 =	vmax.bf16 v27, v25  }
0x1dc: {  	[tilespmem:v24+s16+$0x0] =	vst.idx.msk vm8, v27  }
0x1dd: {  	v27 =	vld.idx.msk [tilespmem:v24+s17+$0x0], $0xffff;
	s0 =	spop (v2sf)  }
0x1de: {  	p0 =	sgt.f32 s0, $0.0e+00  }
.Ltmp27:
0x1df: {  	_ = 	snop;
	(pc) =	sbr.rel @p0 .LBB2_35-.Ltmp27, $3  }
0x1e0: {  	_ =	sdelay $0x1  }
0x1e1: {  	v27 =	vmax.bf16 v27, v26  }
0x1e2: {  	[tilespmem:v24+s17+$0x0] =	vst.idx.msk vm8, v27  }
.LBB2_36:
0x1e3: {  	v24 =	vsel vm6, $0x0, v1  }
0x1e4: {  	(xrf0) =	vmax.scan.msk.f32 $0xffff, v24;
	_ =	sdelay $0x5  }
0x1e5: {  	v24, _, _ =	vpop (xrf0)  }
0x1e6: {  	(v2sf) =	vpush v24, $0xF;
	_ =	sdelay $0xe  }
0x1e7: {  	s0 =	spop (v2sf)  }
0x1e8: {  	p0 =	sgt.f32 s0, $0.0e+00  }
.Ltmp28:
0x1e9: {  	_ = 	snop;
	(pc) =	sbr.rel @!p0 .LBB2_39-.Ltmp28, $1  }
0x1ea: {  	_ =	sdelay $0x3  }
0x1eb: {  	vm6 =	vmneg vm6  }
.LBB2_38:
0x1ec: {  	(xrf1) =	vunique.msk.u32 vm6, v21;
	_ =	sdelay $0xd  }
0x1ed: {  	_, v24, vm7 =	vpop (xrf1)  }
0x1ee: {  	vm8 =	vmneg vm7  }
0x1ef: {  	vm6 =	vmand vm6, vm8  }
0x1f0: {  	v24 =	vsel vm6, $0x3F800000, v2  }
0x1f1: {  	(xrf0) =	vmax.scan.msk.f32 $0xffff, v24;
	_ =	sdelay $0x5  }
0x1f2: {  	v24, _, _ =	vpop (xrf0)  }
0x1f3: {  	(v2sf) =	vpush v24, $0xF;
	_ =	sdelay $0x7  }
0x1f4: {  	v63 =	vld.idx.msk [tilespmem:v21+s18+$0x0], $0xffff;
	_ =	sdelay $0x4  }
0x1f5: {  	v24 =	vmax.bf16 v63, v22  }
0x1f6: {  	[tilespmem:v21+s18+$0x0] =	vst.idx.msk vm7, v24  }
0x1f7: {  	v24 =	vld.idx.msk [tilespmem:v21+s19+$0x0], $0xffff;
	s0 =	spop (v2sf)  }
0x1f8: {  	p0 =	sgt.f32 s0, $0.0e+00  }
.Ltmp29:
0x1f9: {  	_ = 	snop;
	(pc) =	sbr.rel @p0 .LBB2_38-.Ltmp29, $3  }
0x1fa: {  	_ =	sdelay $0x1  }
0x1fb: {  	v24 =	vmax.bf16 v24, v23  }
0x1fc: {  	[tilespmem:v21+s19+$0x0] =	vst.idx.msk vm7, v24  }
.LBB2_39:
0x1fd: {  	v21 =	vsel vm5, $0x0, v1  }
0x1fe: {  	(xrf0) =	vmax.scan.msk.f32 $0xffff, v21;
	_ =	sdelay $0x5  }
0x1ff: {  	v21, _, _ =	vpop (xrf0)  }
0x200: {  	(v2sf) =	vpush v21, $0xF;
	_ =	sdelay $0xe  }
0x201: {  	s0 =	spop (v2sf)  }
0x202: {  	p0 =	sgt.f32 s0, $0.0e+00  }
.Ltmp30:
0x203: {  	_ = 	snop;
	(pc) =	sbr.rel @!p0 .LBB2_42-.Ltmp30, $1  }
0x204: {  	_ =	sdelay $0x3  }
0x205: {  	vm5 =	vmneg vm5  }
.LBB2_41:
0x206: {  	(xrf1) =	vunique.msk.u32 vm5, v18;
	_ =	sdelay $0xd  }
0x207: {  	_, v21, vm6 =	vpop (xrf1)  }
0x208: {  	vm7 =	vmneg vm6  }
0x209: {  	vm5 =	vmand vm5, vm7  }
0x20a: {  	v21 =	vsel vm5, $0x3F800000, v2  }
0x20b: {  	(xrf0) =	vmax.scan.msk.f32 $0xffff, v21;
	_ =	sdelay $0x5  }
0x20c: {  	v21, _, _ =	vpop (xrf0)  }
0x20d: {  	(v2sf) =	vpush v21, $0xF;
	_ =	sdelay $0x7  }
0x20e: {  	v21 =	vld.idx.msk [tilespmem:v18+s20+$0x0], $0xffff;
	_ =	sdelay $0x4  }
0x20f: {  	v21 =	vmax.bf16 v21, v19  }
0x210: {  	[tilespmem:v18+s20+$0x0] =	vst.idx.msk vm6, v21  }
0x211: {  	v21 =	vld.idx.msk [tilespmem:v18+s21+$0x0], $0xffff;
	s0 =	spop (v2sf)  }
0x212: {  	p0 =	sgt.f32 s0, $0.0e+00  }
.Ltmp31:
0x213: {  	_ = 	snop;
	(pc) =	sbr.rel @p0 .LBB2_41-.Ltmp31, $3  }
0x214: {  	_ =	sdelay $0x1  }
0x215: {  	v21 =	vmax.bf16 v21, v20  }
0x216: {  	[tilespmem:v18+s21+$0x0] =	vst.idx.msk vm6, v21  }
.LBB2_42:
0x217: {  	v18 =	vsel vm4, $0x0, v1  }
0x218: {  	(xrf0) =	vmax.scan.msk.f32 $0xffff, v18;
	_ =	sdelay $0x5  }
0x219: {  	v18, _, _ =	vpop (xrf0)  }
0x21a: {  	(v2sf) =	vpush v18, $0xF;
	_ =	sdelay $0xe  }
0x21b: {  	s0 =	spop (v2sf)  }
0x21c: {  	p0 =	sgt.f32 s0, $0.0e+00  }
.Ltmp32:
0x21d: {  	_ = 	snop;
	(pc) =	sbr.rel @!p0 .LBB2_45-.Ltmp32, $1  }
0x21e: {  	_ =	sdelay $0x3  }
0x21f: {  	vm4 =	vmneg vm4  }
.LBB2_44:
0x220: {  	(xrf1) =	vunique.msk.u32 vm4, v15;
	_ =	sdelay $0xd  }
0x221: {  	_, v18, vm5 =	vpop (xrf1)  }
0x222: {  	vm6 =	vmneg vm5  }
0x223: {  	vm4 =	vmand vm4, vm6  }
0x224: {  	v18 =	vsel vm4, $0x3F800000, v2  }
0x225: {  	(xrf0) =	vmax.scan.msk.f32 $0xffff, v18;
	_ =	sdelay $0x5  }
0x226: {  	v18, _, _ =	vpop (xrf0)  }
0x227: {  	(v2sf) =	vpush v18, $0xF;
	_ =	sdelay $0x7  }
0x228: {  	v18 =	vld.idx.msk [tilespmem:v15+s22+$0x0], $0xffff;
	_ =	sdelay $0x4  }
0x229: {  	v18 =	vmax.bf16 v18, v16  }
0x22a: {  	[tilespmem:v15+s22+$0x0] =	vst.idx.msk vm5, v18  }
0x22b: {  	v18 =	vld.idx.msk [tilespmem:v15+s23+$0x0], $0xffff;
	s0 =	spop (v2sf)  }
0x22c: {  	p0 =	sgt.f32 s0, $0.0e+00  }
.Ltmp33:
0x22d: {  	_ = 	snop;
	(pc) =	sbr.rel @p0 .LBB2_44-.Ltmp33, $3  }
0x22e: {  	_ =	sdelay $0x1  }
0x22f: {  	v18 =	vmax.bf16 v18, v17  }
0x230: {  	[tilespmem:v15+s23+$0x0] =	vst.idx.msk vm5, v18  }
.LBB2_45:
0x231: {  	v15 =	vsel vm3, $0x0, v1  }
0x232: {  	(xrf0) =	vmax.scan.msk.f32 $0xffff, v15;
	_ =	sdelay $0x5  }
0x233: {  	v15, _, _ =	vpop (xrf0)  }
0x234: {  	(v2sf) =	vpush v15, $0xF;
	_ =	sdelay $0xe  }
0x235: {  	s0 =	spop (v2sf)  }
0x236: {  	p0 =	sgt.f32 s0, $0.0e+00  }
.Ltmp34:
0x237: {  	_ = 	snop;
	(pc) =	sbr.rel @!p0 .LBB2_48-.Ltmp34, $1  }
0x238: {  	_ =	sdelay $0x3  }
0x239: {  	vm3 =	vmneg vm3  }
.LBB2_47:
0x23a: {  	(xrf1) =	vunique.msk.u32 vm3, v12;
	_ =	sdelay $0xd  }
0x23b: {  	_, v15, vm4 =	vpop (xrf1)  }
0x23c: {  	vm5 =	vmneg vm4  }
0x23d: {  	vm3 =	vmand vm3, vm5  }
0x23e: {  	v15 =	vsel vm3, $0x3F800000, v2  }
0x23f: {  	(xrf0) =	vmax.scan.msk.f32 $0xffff, v15;
	_ =	sdelay $0x5  }
0x240: {  	v15, _, _ =	vpop (xrf0)  }
0x241: {  	(v2sf) =	vpush v15, $0xF;
	_ =	sdelay $0x7  }
0x242: {  	v15 =	vld.idx.msk [tilespmem:v12+s16+$0x0], $0xffff;
	_ =	sdelay $0x4  }
0x243: {  	v15 =	vmax.bf16 v15, v13  }
0x244: {  	[tilespmem:v12+s16+$0x0] =	vst.idx.msk vm4, v15  }
0x245: {  	v15 =	vld.idx.msk [tilespmem:v12+s17+$0x0], $0xffff;
	s0 =	spop (v2sf)  }
0x246: {  	p0 =	sgt.f32 s0, $0.0e+00  }
.Ltmp35:
0x247: {  	_ = 	snop;
	(pc) =	sbr.rel @p0 .LBB2_47-.Ltmp35, $3  }
0x248: {  	_ =	sdelay $0x1  }
0x249: {  	v15 =	vmax.bf16 v15, v14  }
0x24a: {  	[tilespmem:v12+s17+$0x0] =	vst.idx.msk vm4, v15  }
.LBB2_48:
0x24b: {  	v12 =	vsel vm2, $0x0, v1  }
0x24c: {  	(xrf0) =	vmax.scan.msk.f32 $0xffff, v12;
	_ =	sdelay $0x5  }
0x24d: {  	v12, _, _ =	vpop (xrf0)  }
0x24e: {  	(v2sf) =	vpush v12, $0xF;
	_ =	sdelay $0xe  }
0x24f: {  	s0 =	spop (v2sf)  }
0x250: {  	p0 =	sgt.f32 s0, $0.0e+00  }
.Ltmp36:
0x251: {  	_ = 	snop;
	(pc) =	sbr.rel @!p0 .LBB2_51-.Ltmp36, $1  }
0x252: {  	_ =	sdelay $0x3  }
0x253: {  	vm2 =	vmneg vm2  }
.LBB2_50:
0x254: {  	(xrf1) =	vunique.msk.u32 vm2, v9;
	_ =	sdelay $0xd  }
0x255: {  	_, v12, vm3 =	vpop (xrf1)  }
0x256: {  	vm4 =	vmneg vm3  }
0x257: {  	vm2 =	vmand vm2, vm4  }
0x258: {  	v12 =	vsel vm2, $0x3F800000, v2  }
0x259: {  	(xrf0) =	vmax.scan.msk.f32 $0xffff, v12;
	_ =	sdelay $0x5  }
0x25a: {  	v12, _, _ =	vpop (xrf0)  }
0x25b: {  	(v2sf) =	vpush v12, $0xF;
	_ =	sdelay $0x7  }
0x25c: {  	v63 =	vld.idx.msk [tilespmem:v9+s18+$0x0], $0xffff;
	_ =	sdelay $0x4  }
0x25d: {  	v12 =	vmax.bf16 v63, v10  }
0x25e: {  	[tilespmem:v9+s18+$0x0] =	vst.idx.msk vm3, v12  }
0x25f: {  	v12 =	vld.idx.msk [tilespmem:v9+s19+$0x0], $0xffff;
	s0 =	spop (v2sf)  }
0x260: {  	p0 =	sgt.f32 s0, $0.0e+00  }
.Ltmp37:
0x261: {  	_ = 	snop;
	(pc) =	sbr.rel @p0 .LBB2_50-.Ltmp37, $3  }
0x262: {  	_ =	sdelay $0x1  }
0x263: {  	v12 =	vmax.bf16 v12, v11  }
0x264: {  	[tilespmem:v9+s19+$0x0] =	vst.idx.msk vm3, v12  }
.LBB2_51:
0x265: {  	v9 =	vsel vm1, $0x0, v1  }
0x266: {  	(xrf0) =	vmax.scan.msk.f32 $0xffff, v9;
	_ =	sdelay $0x5  }
0x267: {  	v9, _, _ =	vpop (xrf0)  }
0x268: {  	(v2sf) =	vpush v9, $0xF;
	_ =	sdelay $0xe  }
0x269: {  	s0 =	spop (v2sf)  }
0x26a: {  	p0 =	sgt.f32 s0, $0.0e+00  }
.Ltmp38:
0x26b: {  	_ = 	snop;
	(pc) =	sbr.rel @!p0 .LBB2_54-.Ltmp38, $1  }
0x26c: {  	_ =	sdelay $0x3  }
0x26d: {  	vm1 =	vmneg vm1  }
.LBB2_53:
0x26e: {  	(xrf1) =	vunique.msk.u32 vm1, v6;
	_ =	sdelay $0xd  }
0x26f: {  	_, v9, vm2 =	vpop (xrf1)  }
0x270: {  	vm3 =	vmneg vm2  }
0x271: {  	vm1 =	vmand vm1, vm3  }
0x272: {  	v9 =	vsel vm1, $0x3F800000, v2  }
0x273: {  	(xrf0) =	vmax.scan.msk.f32 $0xffff, v9;
	_ =	sdelay $0x5  }
0x274: {  	v9, _, _ =	vpop (xrf0)  }
0x275: {  	(v2sf) =	vpush v9, $0xF;
	_ =	sdelay $0x7  }
0x276: {  	v9 =	vld.idx.msk [tilespmem:v6+s20+$0x0], $0xffff;
	_ =	sdelay $0x4  }
0x277: {  	v9 =	vmax.bf16 v9, v7  }
0x278: {  	[tilespmem:v6+s20+$0x0] =	vst.idx.msk vm2, v9  }
0x279: {  	v9 =	vld.idx.msk [tilespmem:v6+s21+$0x0], $0xffff;
	s0 =	spop (v2sf)  }
0x27a: {  	p0 =	sgt.f32 s0, $0.0e+00  }
.Ltmp39:
0x27b: {  	_ = 	snop;
	(pc) =	sbr.rel @p0 .LBB2_53-.Ltmp39, $3  }
0x27c: {  	_ =	sdelay $0x1  }
0x27d: {  	v9 =	vmax.bf16 v9, v8  }
0x27e: {  	[tilespmem:v6+s21+$0x0] =	vst.idx.msk vm2, v9  }
.LBB2_54:
0x27f: {  	v6 =	vsel vm0, $0x0, v1  }
0x280: {  	(xrf0) =	vmax.scan.msk.f32 $0xffff, v6;
	_ =	sdelay $0x5  }
0x281: {  	v6, _, _ =	vpop (xrf0)  }
0x282: {  	(v2sf) =	vpush v6, $0xF;
	_ =	sdelay $0xe  }
0x283: {  	s0 =	spop (v2sf)  }
0x284: {  	p0 =	sgt.f32 s0, $0.0e+00  }
.Ltmp40:
0x285: {  	_ = 	snop;
	(pc) =	sbr.rel @!p0 .LBB2_57-.Ltmp40, $1  }
0x286: {  	_ =	sdelay $0x3  }
0x287: {  	vm0 =	vmneg vm0  }
.LBB2_56:
0x288: {  	(xrf1) =	vunique.msk.u32 vm0, v3;
	_ =	sdelay $0xd  }
0x289: {  	_, v6, vm1 =	vpop (xrf1)  }
0x28a: {  	vm2 =	vmneg vm1  }
0x28b: {  	vm0 =	vmand vm0, vm2  }
0x28c: {  	v6 =	vsel vm0, $0x3F800000, v2  }
0x28d: {  	(xrf0) =	vmax.scan.msk.f32 $0xffff, v6;
	_ =	sdelay $0x5  }
0x28e: {  	v6, _, _ =	vpop (xrf0)  }
0x28f: {  	(v2sf) =	vpush v6, $0xF;
	_ =	sdelay $0x7  }
0x290: {  	v6 =	vld.idx.msk [tilespmem:v3+s22+$0x0], $0xffff;
	_ =	sdelay $0x4  }
0x291: {  	v6 =	vmax.bf16 v6, v4  }
0x292: {  	[tilespmem:v3+s22+$0x0] =	vst.idx.msk vm1, v6  }
0x293: {  	v6 =	vld.idx.msk [tilespmem:v3+s23+$0x0], $0xffff;
	s0 =	spop (v2sf)  }
0x294: {  	p0 =	sgt.f32 s0, $0.0e+00  }
.Ltmp41:
0x295: {  	_ = 	snop;
	(pc) =	sbr.rel @p0 .LBB2_56-.Ltmp41, $3  }
0x296: {  	_ =	sdelay $0x1  }
0x297: {  	v6 =	vmax.bf16 v6, v5  }
0x298: {  	[tilespmem:v3+s23+$0x0] =	vst.idx.msk vm1, v6  }
.Ltmp42:
0x299: {  	_ = 	snop;
	(pc) =	sbr.rel .LBB2_57-.Ltmp42, $1  }
0x29a: {  	_ =	sdelay $0x3  }
.LBB2_59:
0x29b: {  	s4 =	simm.s32 $0x4F20  }
0x29c: {  	s26 =	simm.s32 $0xED20;
	v3 =	vld [tilespmem:s4+$0xFFFFFFE0]  }
0x29d: {  	s28 =	simm.s32 $0x13C20;
	v4 =	vld [tilespmem:s26+$0xFFFFFFE0]  }
0x29e: {  	s29 =	simm.s32 $0x9E20;
	v5 =	vld [tilespmem:s28+$0xFFFFFFE0]  }
0x29f: {  	v6 =	vld [tilespmem:s29+$0xFFFFFFE0];
	_ =	sdelay $0x4  }
0x2a0: {  	v3 =	vmax.bf16 v3, v6;
	v4 =	vmax.bf16 v4, v5  }
0x2a1: {  	v3 =	vmax.bf16 v3, v4  }
0x2a2: {  	s30 =	simm.s32 $0x76A0;
	[tilespmem:s4+$0xFFFFFFE0] =	vst v3  }
0x2a3: {  	s31 =	simm.s32 $0xC5A0;
	v3 =	vld [tilespmem:s30+$0xFFFFFFE0]  }
0x2a4: {  	s0 =	simm.s32 $0x114A0;
	v36 =	vld [tilespmem:s31+$0xFFFFFFE0]  }
0x2a5: {  	s1 =	simm.s32 $0x163A0;
	v37 =	vld [tilespmem:s0+$0xFFFFFFE0]  }
0x2a6: {  	v38 =	vld [tilespmem:s1+$0xFFFFFFE0];
	_ =	sdelay $0x4  }
0x2a7: {  	v3 =	vmax.bf16 v3, v36;
	v39 =	vmax.bf16 v37, v38  }
0x2a8: {  	v3 =	vmax.bf16 v3, v39  }
0x2a9: {  	[tilespmem:s30+$0xFFFFFFE0] =	vst v3  }
0x2aa: {  	v3 =	vld [tilespmem:s4+$0xFFFFFFF0]  }
0x2ab: {  	v40 =	vld [tilespmem:s29+$0xFFFFFFF0]  }
0x2ac: {  	v41 =	vld [tilespmem:s26+$0xFFFFFFF0]  }
0x2ad: {  	v42 =	vld [tilespmem:s28+$0xFFFFFFF0];
	_ =	sdelay $0x4  }
0x2ae: {  	v3 =	vmax.bf16 v3, v40;
	v43 =	vmax.bf16 v41, v42  }
0x2af: {  	v3 =	vmax.bf16 v3, v43  }
0x2b0: {  	[tilespmem:s4+$0xFFFFFFF0] =	vst v3  }
0x2b1: {  	v3 =	vld [tilespmem:s30+$0xFFFFFFF0]  }
0x2b2: {  	v44 =	vld [tilespmem:s31+$0xFFFFFFF0]  }
0x2b3: {  	v45 =	vld [tilespmem:s0+$0xFFFFFFF0]  }
0x2b4: {  	v46 =	vld [tilespmem:s1+$0xFFFFFFF0];
	_ =	sdelay $0x4  }
0x2b5: {  	v3 =	vmax.bf16 v3, v44;
	v47 =	vmax.bf16 v45, v46  }
0x2b6: {  	v3 =	vmax.bf16 v3, v47  }
0x2b7: {  	[tilespmem:s30+$0xFFFFFFF0] =	vst v3  }
0x2b8: {  	v3 =	vld [tilespmem:s4+$0x0]  }
0x2b9: {  	v48 =	vld [tilespmem:s29+$0x0]  }
0x2ba: {  	v49 =	vld [tilespmem:s26+$0x0]  }
0x2bb: {  	v50 =	vld [tilespmem:s28+$0x0];
	_ =	sdelay $0x4  }
0x2bc: {  	v3 =	vmax.bf16 v3, v48;
	v51 =	vmax.bf16 v49, v50  }
0x2bd: {  	v3 =	vmax.bf16 v3, v51  }
0x2be: {  	[tilespmem:s4+$0x0] =	vst v3  }
0x2bf: {  	v3 =	vld [tilespmem:s30+$0x0]  }
0x2c0: {  	v52 =	vld [tilespmem:s31+$0x0]  }
0x2c1: {  	v53 =	vld [tilespmem:s0+$0x0]  }
0x2c2: {  	v54 =	vld [tilespmem:s1+$0x0];
	_ =	sdelay $0x4  }
0x2c3: {  	v3 =	vmax.bf16 v3, v52;
	v55 =	vmax.bf16 v53, v54  }
0x2c4: {  	v3 =	vmax.bf16 v3, v55  }
0x2c5: {  	[tilespmem:s30+$0x0] =	vst v3  }
0x2c6: {  	v3 =	vld [tilespmem:s4+$0x10]  }
0x2c7: {  	v56 =	vld [tilespmem:s29+$0x10]  }
0x2c8: {  	v57 =	vld [tilespmem:s26+$0x10]  }
0x2c9: {  	v58 =	vld [tilespmem:s28+$0x10];
	_ =	sdelay $0x4  }
0x2ca: {  	v3 =	vmax.bf16 v3, v56;
	v59 =	vmax.bf16 v57, v58  }
0x2cb: {  	v3 =	vmax.bf16 v3, v59  }
0x2cc: {  	[tilespmem:s4+$0x10] =	vst v3  }
0x2cd: {  	v3 =	vld [tilespmem:s30+$0x10]  }
0x2ce: {  	v60 =	vld [tilespmem:s31+$0x10]  }
0x2cf: {  	v61 =	vld [tilespmem:s0+$0x10]  }
0x2d0: {  	v62 =	vld [tilespmem:s1+$0x10];
	_ =	sdelay $0x4  }
0x2d1: {  	v3 =	vmax.bf16 v3, v60;
	v63 =	vmax.bf16 v61, v62  }
0x2d2: {  	v3 =	vmax.bf16 v3, v63  }
0x2d3: {  	s13 =	simm.s32 $0x0;
	s4 =	simm.s32 $0x4F60;
	[tilespmem:s30+$0x10] =	vst v3  }
.LBB2_60:
0x2d4: {  	v3 =	vld [tilespmem:s4+$0xFFFFFFE0];
	s26 =	sadd.s32 $0x40, s26  }
0x2d5: {  	s28 =	sadd.s32 $0x40, s28;
	v4 =	vld [tilespmem:s26+$0xFFFFFFE0]  }
0x2d6: {  	s29 =	sadd.s32 $0x40, s29;
	v5 =	vld [tilespmem:s28+$0xFFFFFFE0]  }
0x2d7: {  	v6 =	vld [tilespmem:s29+$0xFFFFFFE0];
	_ =	sdelay $0x4  }
0x2d8: {  	v4 =	vmax.bf16 v4, v5;
	v3 =	vmax.bf16 v3, v6  }
0x2d9: {  	v3 =	vmax.bf16 v3, v4  }
0x2da: {  	s30 =	sadd.s32 $0x40, s30;
	[tilespmem:s4+$0xFFFFFFE0] =	vst v3  }
0x2db: {  	s31 =	sadd.s32 $0x40, s31;
	v3 =	vld [tilespmem:s30+$0xFFFFFFE0]  }
0x2dc: {  	s0 =	sadd.s32 $0x40, s0;
	v4 =	vld [tilespmem:s31+$0xFFFFFFE0]  }
0x2dd: {  	s1 =	sadd.s32 $0x40, s1;
	v5 =	vld [tilespmem:s0+$0xFFFFFFE0]  }
0x2de: {  	v6 =	vld [tilespmem:s1+$0xFFFFFFE0]  }
0x2df: {  	s13 =	sadd.s32 $0x4, s13  }
0x2e0: {  	p0 =	slt.u32 s13, $0x26C;
	_ =	sdelay $0x2  }
0x2e1: {  	v3 =	vmax.bf16 v3, v4;
	v4 =	vmax.bf16 v5, v6  }
0x2e2: {  	v3 =	vmax.bf16 v3, v4  }
0x2e3: {  	[tilespmem:s30+$0xFFFFFFE0] =	vst v3  }
0x2e4: {  	v3 =	vld [tilespmem:s4+$0xFFFFFFF0]  }
0x2e5: {  	v4 =	vld [tilespmem:s29+$0xFFFFFFF0]  }
0x2e6: {  	v5 =	vld [tilespmem:s26+$0xFFFFFFF0]  }
0x2e7: {  	v6 =	vld [tilespmem:s28+$0xFFFFFFF0];
	_ =	sdelay $0x4  }
0x2e8: {  	v3 =	vmax.bf16 v3, v4;
	v4 =	vmax.bf16 v5, v6  }
0x2e9: {  	v3 =	vmax.bf16 v3, v4  }
0x2ea: {  	[tilespmem:s4+$0xFFFFFFF0] =	vst v3  }
0x2eb: {  	v3 =	vld [tilespmem:s30+$0xFFFFFFF0]  }
0x2ec: {  	v4 =	vld [tilespmem:s31+$0xFFFFFFF0]  }
0x2ed: {  	v5 =	vld [tilespmem:s0+$0xFFFFFFF0]  }
0x2ee: {  	v6 =	vld [tilespmem:s1+$0xFFFFFFF0];
	_ =	sdelay $0x4  }
0x2ef: {  	v3 =	vmax.bf16 v3, v4;
	v4 =	vmax.bf16 v5, v6  }
0x2f0: {  	v3 =	vmax.bf16 v3, v4  }
0x2f1: {  	[tilespmem:s30+$0xFFFFFFF0] =	vst v3  }
0x2f2: {  	v3 =	vld [tilespmem:s4+$0x0]  }
0x2f3: {  	v4 =	vld [tilespmem:s29+$0x0]  }
0x2f4: {  	v5 =	vld [tilespmem:s26+$0x0]  }
0x2f5: {  	v6 =	vld [tilespmem:s28+$0x0];
	_ =	sdelay $0x4  }
0x2f6: {  	v3 =	vmax.bf16 v3, v4;
	v4 =	vmax.bf16 v5, v6  }
0x2f7: {  	v3 =	vmax.bf16 v3, v4  }
0x2f8: {  	[tilespmem:s4+$0x0] =	vst v3  }
0x2f9: {  	v3 =	vld [tilespmem:s30+$0x0]  }
0x2fa: {  	v4 =	vld [tilespmem:s31+$0x0]  }
0x2fb: {  	v5 =	vld [tilespmem:s0+$0x0]  }
0x2fc: {  	v6 =	vld [tilespmem:s1+$0x0];
	_ =	sdelay $0x2  }
0x2fd: {  	v3 =	vmax.bf16 v3, v4;
	_ =	sdelay $0x1  }
0x2fe: {  	v4 =	vmax.bf16 v5, v6  }
0x2ff: {  	v3 =	vmax.bf16 v3, v4  }
0x300: {  	[tilespmem:s30+$0x0] =	vst v3  }
0x301: {  	v3 =	vld [tilespmem:s4+$0x10]  }
0x302: {  	v4 =	vld [tilespmem:s29+$0x10]  }
0x303: {  	v5 =	vld [tilespmem:s26+$0x10]  }
0x304: {  	v6 =	vld [tilespmem:s28+$0x10];
	_ =	sdelay $0x2  }
0x305: {  	v3 =	vmax.bf16 v3, v4;
	_ =	sdelay $0x1  }
0x306: {  	v4 =	vmax.bf16 v5, v6  }
0x307: {  	v3 =	vmax.bf16 v3, v4  }
0x308: {  	[tilespmem:s4+$0x10] =	vst v3  }
0x309: {  	v3 =	vld [tilespmem:s30+$0x10]  }
0x30a: {  	v4 =	vld [tilespmem:s31+$0x10]  }
0x30b: {  	v5 =	vld [tilespmem:s0+$0x10]  }
0x30c: {  	v6 =	vld [tilespmem:s1+$0x10];
	_ =	sdelay $0x2  }
.Ltmp43:
0x30d: {  	v3 =	vmax.bf16 v3, v4;
	(pc) =	sbr.rel @p0 .LBB2_60-.Ltmp43, $4  }
0x30e: {  	_ = 	snop  }
0x30f: {  	v4 =	vmax.bf16 v5, v6  }
0x310: {  	v3 =	vmax.bf16 v3, v4  }
0x311: {  	s4 =	sadd.s32 $0x40, s4;
	[tilespmem:s30+$0x10] =	vst v3  }
0x312: {  	v3 =	vld [tilespmem:$0x7600]  }
0x313: {  	v4 =	vld [tilespmem:$0xC500]  }
0x314: {  	v5 =	vld [tilespmem:$0x11400]  }
0x315: {  	v6 =	vld [tilespmem:$0x16300]  }
0x316: {  	v7 =	vld [tilespmem:$0x9D80]  }
0x317: {  	v8 =	vld [tilespmem:$0xEC80]  }
0x318: {  	v9 =	vld [tilespmem:$0x13B80]  }
0x319: {  	v10 =	vld [tilespmem:$0x18A80];
	_ =	sdelay $0x3  }
0x31a: {  	v3 =	vmax.bf16 v3, v4;
	v61 =	vmax.bf16 v5, v6  }
0x31b: {  	v62 =	vmax.bf16 v7, v8;
	v63 =	vmax.bf16 v9, v10;
	v3 =	vmax.bf16 v3, v61  }
0x31c: {  	[tilespmem:$0x7600] =	vst v3;
	v3 =	vmax.bf16 v62, v63  }
0x31d: {  	[tilespmem:$0x9D80] =	vst v3  }
0x31e: {  	[hbm4b:s6+s9] =	stream.strided.scatter [tilespmem:s16], [sflag:$0x3], $0x2780, s10, s9, $0x38;
	[tilespmem:$0x1BD00] =	vst v63  }
0x31f: {  	s25 =	sadd.s32 $0x1, s25;
	_ =	swait.ge [sflag:s11], $0x2780  }
0x320: {  	p0 =	sne.s32 s25, s8;
	[sflag:s11] =	ssyncset.done $0x0  }
.Ltmp44:
0x321: {  	[sflag:s11] =	ssyncadd.s32 $0xFFFFD880;
	(pc) =	sbr.rel @p0 .LBB2_1-.Ltmp44, $4  }
0x322: {  	[hbm4b:s7+s9] =	stream.strided.scatter [tilespmem:s17], [sflag:$0x3], $0x2780, s10, s9, $0x38;
	[tilespmem:$0x1BD00] =	vst v63  }
0x323: {  	_ =	swait.ge [sflag:s11], $0x2780  }
0x324: {  	[sflag:s11] =	ssyncset.done $0x0  }
0x325: {  	[sflag:s11] =	ssyncadd.s32 $0xFFFFD880  }
0x326: {  	_ =	sfence.sel $0x180000  }
0x327: {  	[bflag:$0x0] =	sbarrier.arrive $0xFFFF  }
0x328: {  	_ =	strace $0x90000047  }
0x329: {  	s0 =	stileid.u32;
	[bflag:$0x2] =	sbarrier.arrive $0xFFFF  }
0x32a: {  	p0 =	sne.s32 s0, $0x0;
	s0 =	rddreg [dreg:$0x2]  }
0x32b: {  	s0 =	sadd.s32 @!p0 $0x100000, s0  }
0x32c: {  	[sflag:s0] =	ssyncadd.tile.s32 @!p0 $0x1;
	_ =	shalt  }
.Lfunc_end2:
_tile_overlayer_lowered:
.L_overlay_start_2:
0x32d: {  	(tag) =	ssettag $0x2  }
0x32e: {  	s0 =	rddreg [dreg:$0x0];
	s2 =	stileid.u32  }
0x32f: {  	s1 =	rddreg [dreg:$0x1];
	p0 =	sne.s32 s2, $0x0  }
0x330: {  	s3 =	rddreg [dreg:$0x2];
	[bflag:$0x3] =	sbarrier.arrive $0xFFFF;
	s2 =	simm.s32 @!p0 $0x1C03  }
0x331: {  	[timem:s3], [sflag:s2] =	dma.local @!p0 [hbm:s0], s1  }
0x332: {  	s0 =	simm.s32 @!p0 $0x3  }
0x333: {  	_ =	swait.ge @!p0 [sflag:s0], s1  }
0x334: {  	s1 =	ssub.s32 @!p0 $0x0, s1;
	[sflag:s0] =	ssyncset.done @!p0 $0x0  }
0x335: {  	[sflag:s0] =	ssyncadd.s32 @!p0 s1  }
0x336: {  	[bflag:$0x3] =	sbarrier.arrive $0xFFFF  }
0x337: {  	_ =	shalt  }

</sc_bundles>
